<compile_context>
chip_gen: v7x
topology: tpu7x:2x2x1
jax: 0.10.2.dev20260603
libtpu: 0.0.44.dev20260713+nightly
codegen_flags: <defaults>
</compile_context>

<pallas_src>
import functools

import jax
import jax.numpy as jnp
from jax import lax
from jax.experimental import pallas as pl
from jax.experimental.pallas import tpu as pltpu
from jax.experimental.pallas import tpu_sc as plsc

N = 10000
F = 128
E = 160000
NTILES = 32
EPT = E // NTILES
CHUNK = 64
NBUF = 3
NCHUNK = (EPT + CHUNK - 1) // CHUNK
NCHUNK += (-NCHUNK) % NBUF
EPT_PAD = NCHUNK * CHUNK
ROWS_PT = 624
REM_ROWS = N - 16 * ROWS_PT
REM0 = 16 * ROWS_PT
ACC_ROWS = N + 8


def _sc_edge_aggregate(tables, zeros_tbl, src3, dst3):
  mesh = plsc.VectorSubcoreMesh(core_axis_name="c", subcore_axis_name="s")

  @functools.partial(
      pl.kernel,
      mesh=mesh,
      out_type=jax.ShapeDtypeStruct((2, N, F), jnp.float32),
      scratch_types=[
          pltpu.VMEM((NCHUNK, CHUNK), jnp.int32),
          pltpu.VMEM((NCHUNK, CHUNK), jnp.int32),
      ] + [pltpu.VMEM((CHUNK, F), jnp.float32) for _ in range(NBUF)]
      + [pltpu.VMEM_SHARED((ACC_ROWS, F), jnp.float32)]
      + [pltpu.SemaphoreType.DMA for _ in range(NBUF)],
  )
  def k(table_hbm, zeros_hbm, src_hbm, dst_hbm, out_hbm,
        sidx, didx, *rest):
    gbufs = rest[:NBUF]
    acc = rest[NBUF]
    sems = rest[NBUF + 1:]
    c = lax.axis_index("c")
    s = lax.axis_index("s")
    wid = c * 16 + s
    row0 = s * ROWS_PT

    @pl.when(c == 0)
    def _():
      pltpu.sync_copy(table_hbm.at[pl.ds(row0, ROWS_PT)],
                      acc.at[pl.ds(row0, ROWS_PT)])

      @pl.when(s == 0)
      def _():
        pltpu.sync_copy(table_hbm.at[pl.ds(REM0, REM_ROWS)],
                        acc.at[pl.ds(REM0, REM_ROWS)])

    @pl.when(c != 0)
    def _():
      pltpu.sync_copy(zeros_hbm.at[pl.ds(row0, ROWS_PT)],
                      acc.at[pl.ds(row0, ROWS_PT)])

      @pl.when(s == 0)
      def _():
        pltpu.sync_copy(zeros_hbm.at[pl.ds(REM0, REM_ROWS)],
                        acc.at[pl.ds(REM0, REM_ROWS)])

    pltpu.sync_copy(src_hbm.at[wid], sidx)
    pltpu.sync_copy(dst_hbm.at[wid], didx)
    plsc.subcore_barrier()

    for b in range(NBUF):
      pltpu.make_async_copy(table_hbm.at[sidx.at[b]], gbufs[b],
                            sems[b]).start()

    def body(j, carry):
      for b in range(NBUF):
        i = NBUF * j + b
        pltpu.make_async_copy(table_hbm.at[sidx.at[i]], gbufs[b],
                              sems[b]).wait()
        pltpu.sync_copy(gbufs[b], acc.at[didx.at[i]], add=True)
        pltpu.make_async_copy(table_hbm.at[sidx.at[i + NBUF]], gbufs[b],
                              sems[b]).start()
      return carry

    lax.fori_loop(0, NCHUNK // NBUF - 1, body, 0)
    for b in range(NBUF):
      i = NCHUNK - NBUF + b
      pltpu.make_async_copy(table_hbm.at[sidx.at[i]], gbufs[b],
                            sems[b]).wait()
      pltpu.sync_copy(gbufs[b], acc.at[didx.at[i]], add=True)
    plsc.subcore_barrier()

    pltpu.sync_copy(acc.at[pl.ds(row0, ROWS_PT)],
                    out_hbm.at[c, pl.ds(row0, ROWS_PT)])

    @pl.when(s == 0)
    def _():
      pltpu.sync_copy(acc.at[pl.ds(REM0, REM_ROWS)],
                      out_hbm.at[c, pl.ds(REM0, REM_ROWS)])

  return k(tables, zeros_tbl, src3, dst3)



BN = 1000
NB = N // BN


def _dinv_kernel(d0_ref, d1_ref, o_ref):
  o_ref[...] = lax.rsqrt(d0_ref[0] + d1_ref[0])


def _compute_dinv(deg2):
  return pl.pallas_call(
      _dinv_kernel,
      grid=(NB,),
      in_specs=[
          pl.BlockSpec((1, BN, F), lambda j: (0, j, 0)),
          pl.BlockSpec((1, BN, F), lambda j: (1, j, 0)),
      ],
      out_specs=pl.BlockSpec((BN, F), lambda j: (j, 0)),
      out_shape=jax.ShapeDtypeStruct((N, F), jnp.float32),
  )(deg2, deg2)


def _xw_kernel(x_ref, w_ref, dinv_ref, o_ref):
  xw = jnp.dot(x_ref[0], w_ref[...], precision="highest",
               preferred_element_type=jnp.float32)
  o_ref[0] = xw * dinv_ref[...]


def _xw_prescale(x3, w, dinv):
  bt = x3.shape[0]
  return pl.pallas_call(
      _xw_kernel,
      grid=(bt, NB),
      in_specs=[
          pl.BlockSpec((1, BN, F), lambda i, j: (i, j, 0)),
          pl.BlockSpec((F, F), lambda i, j: (0, 0)),
          pl.BlockSpec((BN, F), lambda i, j: (j, 0)),
      ],
      out_specs=pl.BlockSpec((1, BN, F), lambda i, j: (i, j, 0)),
      out_shape=jax.ShapeDtypeStruct((bt, N, F), jnp.float32),
  )(x3, w, dinv)


def _mid_kernel(p0_ref, p1_ref, dinv_ref, b_ref, w_ref, o_ref):
  h = jnp.maximum(dinv_ref[...] * (p0_ref[0, 0] + p1_ref[0, 0])
                  + b_ref[...], 0.0)
  o_ref[0] = dinv_ref[...] * jnp.dot(h, w_ref[...], precision="highest",
                                     preferred_element_type=jnp.float32)


def _mid_layer(parts, dinv, b, w):
  bt = parts.shape[0]
  return pl.pallas_call(
      _mid_kernel,
      grid=(bt, NB),
      in_specs=[
          pl.BlockSpec((1, 1, BN, F), lambda i, j: (i, 0, j, 0)),
          pl.BlockSpec((1, 1, BN, F), lambda i, j: (i, 1, j, 0)),
          pl.BlockSpec((BN, F), lambda i, j: (j, 0)),
          pl.BlockSpec((1, F), lambda i, j: (0, 0)),
          pl.BlockSpec((F, F), lambda i, j: (0, 0)),
      ],
      out_specs=pl.BlockSpec((1, BN, F), lambda i, j: (i, j, 0)),
      out_shape=jax.ShapeDtypeStruct((bt, N, F), jnp.float32),
  )(parts, parts, dinv, b, w)


def _mean_kernel(p0_ref, p1_ref, dinv_ref, b_ref, o_ref):
  j = pl.program_id(1)

  @pl.when(j == 0)
  def _():
    o_ref[...] = jnp.zeros_like(o_ref)

  h = jnp.maximum(dinv_ref[...] * (p0_ref[0, 0] + p1_ref[0, 0])
                  + b_ref[...], 0.0)
  o_ref[0] += jnp.sum(h, axis=0, keepdims=True)

  @pl.when(j == NB - 1)
  def _():
    o_ref[...] *= (1.0 / N)


def _mean_layer(parts, dinv, b):
  bt = parts.shape[0]
  return pl.pallas_call(
      _mean_kernel,
      grid=(bt, NB),
      in_specs=[
          pl.BlockSpec((1, 1, BN, F), lambda i, j: (i, 0, j, 0)),
          pl.BlockSpec((1, 1, BN, F), lambda i, j: (i, 1, j, 0)),
          pl.BlockSpec((BN, F), lambda i, j: (j, 0)),
          pl.BlockSpec((1, F), lambda i, j: (0, 0)),
      ],
      out_specs=pl.BlockSpec((1, 1, F), lambda i, j: (i, 0, 0)),
      out_shape=jax.ShapeDtypeStruct((bt, 1, F), jnp.float32),
  )(parts, parts, dinv, b)


def _lstm_kernel(tin_ref, wi0_ref, wh0_ref, b0_ref, wi1_ref, wh1_ref, b1_ref,
                 wo_ref, bo_ref, o_ref):
  T = tin_ref.shape[1]
  Bp = tin_ref.shape[0]

  def run_layer(xs, wi_ref, wh_ref, b_ref):
    h = jnp.zeros((Bp, F), jnp.float32)
    c = jnp.zeros((Bp, F), jnp.float32)
    hs = []
    for t in range(T):
      gates = (jnp.dot(xs[t], wi_ref[...], precision="highest",
                       preferred_element_type=jnp.float32)
               + jnp.dot(h, wh_ref[...], precision="highest",
                         preferred_element_type=jnp.float32)
               + b_ref[...])
      i = jax.nn.sigmoid(gates[:, 0 * F:1 * F])
      f = jax.nn.sigmoid(gates[:, 1 * F:2 * F])
      g = jnp.tanh(gates[:, 2 * F:3 * F])
      o = jax.nn.sigmoid(gates[:, 3 * F:4 * F])
      c = f * c + i * g
      h = o * jnp.tanh(c)
      hs.append(h)
    return hs

  xs0 = [tin_ref[:, t, :] for t in range(T)]
  hs1 = run_layer(xs0, wi0_ref, wh0_ref, b0_ref)
  hs2 = run_layer(hs1, wi1_ref, wh1_ref, b1_ref)
  o_ref[...] = jnp.dot(hs2[-1], wo_ref[...], precision="highest",
                       preferred_element_type=jnp.float32) + bo_ref[...]


def _lstm_head(tin, wi0, wh0, b0, wi1, wh1, b1, wo, bo):
  Bp = tin.shape[0]
  return pl.pallas_call(
      _lstm_kernel,
      out_shape=jax.ShapeDtypeStruct((Bp, F), jnp.float32),
  )(tin, wi0, wh0, b0, wi1, wh1, b1, wo, bo)




def kernel(x_sequence, edge_index, batch_size, num_nodes,
           W_gnn0, b_gnn0, W_gnn1, b_gnn1,
           W_ih0, W_hh0, b_ih0, b_hh0, W_ih1, W_hh1, b_ih1, b_hh1,
           W_out, b_out):
  B, T, n, f = x_sequence.shape
  BT = B * T

  src = edge_index[0].reshape(NTILES, EPT)
  dst = edge_index[1].reshape(NTILES, EPT)
  pad = EPT_PAD - EPT
  src3 = jnp.concatenate(
      [src, jnp.zeros((NTILES, pad), jnp.int32)], axis=1
  ).reshape(NTILES, NCHUNK, CHUNK)
  dst3 = jnp.concatenate(
      [dst, jnp.full((NTILES, pad), N, jnp.int32)], axis=1
  ).reshape(NTILES, NCHUNK, CHUNK)

  zeros_tbl = jnp.zeros((N, F), jnp.float32)
  ones_tbl = jnp.ones((N, F), jnp.float32)

  deg2 = _sc_edge_aggregate(ones_tbl, zeros_tbl, src3, dst3)
  dinv = _compute_dinv(deg2)

  x3 = x_sequence.reshape(BT, n, f)
  x1p = _xw_prescale(x3, W_gnn0, dinv)

  def sc_step(carry, tbl):
    return carry, _sc_edge_aggregate(tbl, zeros_tbl, src3, dst3)

  _, parts1 = lax.scan(sc_step, 0, x1p)

  x2p = _mid_layer(parts1, dinv, b_gnn0.reshape(1, F), W_gnn1)
  _, parts2 = lax.scan(sc_step, 0, x2p)

  tmean = _mean_layer(parts2, dinv, b_gnn1.reshape(1, F))
  tin = tmean.reshape(B, T, F)

  tin_p = jnp.concatenate([tin, jnp.zeros_like(tin)], axis=0)
  bias0 = (b_ih0 + b_hh0).reshape(1, 4 * F)
  bias1 = (b_ih1 + b_hh1).reshape(1, 4 * F)
  row = _lstm_head(tin_p, W_ih0.T, W_hh0.T, bias0,
                   W_ih1.T, W_hh1.T, bias1, W_out, b_out.reshape(1, F))

  return jnp.broadcast_to(row[:B, None, :], (B, n, F))

# --- scband reference (transcript-rebuilt; emitter-appended) ---
"""Pipeline reference for scband-temporal-gnn-44006234915052 (READ-ONLY COPY).

The authoritative reference and input builder live on the scoring server;
editing this copy changes nothing except your own understanding.
"""

import jax, jax.numpy as jnp
import numpy as np

B, T, N, F, E, H = 4, 8, 10000, 128, 160000, 128


def setup_inputs(seed: int = 0):
    key = jax.random.key(seed)
    ks = jax.random.split(key, 16)
    s = 0.05
    inp = {
        "x_sequence": jax.random.normal(ks[0], (B, T, N, F), dtype=jnp.float32),
        "edge_index": jax.random.randint(ks[1], (2, E), 0, N, dtype=jnp.int32),
        "batch_size": B,
        "num_nodes": N,
        "W_gnn0": jax.random.normal(ks[2], (F, H), dtype=jnp.float32) * s,
        "b_gnn0": jnp.zeros((H,), dtype=jnp.float32),
        "W_gnn1": jax.random.normal(ks[3], (H, H), dtype=jnp.float32) * s,
        "b_gnn1": jnp.zeros((H,), dtype=jnp.float32),
        "W_ih0": jax.random.normal(ks[4], (4 * H, H), dtype=jnp.float32) * s,
        "W_hh0": jax.random.normal(ks[5], (4 * H, H), dtype=jnp.float32) * s,
        "b_ih0": jnp.zeros((4 * H,), dtype=jnp.float32),
        "b_hh0": jnp.zeros((4 * H,), dtype=jnp.float32),
        "W_ih1": jax.random.normal(ks[6], (4 * H, H), dtype=jnp.float32) * s,
        "W_hh1": jax.random.normal(ks[7], (4 * H, H), dtype=jnp.float32) * s,
        "b_ih1": jnp.zeros((4 * H,), dtype=jnp.float32),
        "b_hh1": jnp.zeros((4 * H,), dtype=jnp.float32),
        "W_out": jax.random.normal(ks[8], (H, F), dtype=jnp.float32) * s,
        "b_out": jnp.zeros((F,), dtype=jnp.float32),
    }
    return inp


def gcn_conv(x, src, dst, W, b, n_tot):
    # GCNConv: x @ W, add self loops, symmetric normalization, scatter-add
    xw = x @ W
    loop = jnp.arange(n_tot, dtype=src.dtype)
    s = jnp.concatenate([src, loop])
    d = jnp.concatenate([dst, loop])
    deg = jnp.zeros((n_tot,), dtype=x.dtype).at[d].add(1.0)
    dinv = jnp.where(deg > 0, deg ** -0.5, 0.0)
    norm = dinv[s] * dinv[d]
    msg = xw[s] * norm[:, None]
    out = jnp.zeros_like(xw).at[d].add(msg)
    return out + b


def lstm_layer(x_seq, W_ih, W_hh, b_ih, b_hh):
    # x_seq: [B, T, in]; PyTorch gate order i, f, g, o
    Bb = x_seq.shape[0]
    Hh = W_hh.shape[1]

    def step(carry, x_t):
        h, c = carry
        gates = x_t @ W_ih.T + h @ W_hh.T + b_ih + b_hh
        i, f, g, o = jnp.split(gates, 4, axis=-1)
        i = jax.nn.sigmoid(i)
        f = jax.nn.sigmoid(f)
        g = jnp.tanh(g)
        o = jax.nn.sigmoid(o)
        c = f * c + i * g
        h = o * jnp.tanh(c)
        return (h, c), h

    h0 = jnp.zeros((Bb, Hh), dtype=x_seq.dtype)
    c0 = jnp.zeros((Bb, Hh), dtype=x_seq.dtype)
    (_, _), hs = jax.lax.scan(step, (h0, c0), jnp.swapaxes(x_seq, 0, 1))
    return jnp.swapaxes(hs, 0, 1)


def reference(x_sequence, edge_index, batch_size, num_nodes, W_gnn0, b_gnn0, W_gnn1, b_gnn1, W_ih0, W_hh0, b_ih0, b_hh0, W_ih1, W_hh1, b_ih1, b_hh1, W_out, b_out):
    Bb, Tt, Nn, Ff = x_sequence.shape
    offsets = (jnp.arange(Bb) * Nn).astype(edge_index.dtype)
    src = (edge_index[0][None, :] + offsets[:, None]).reshape(-1)
    dst = (edge_index[1][None, :] + offsets[:, None]).reshape(-1)
    n_tot = Bb * Nn
    gnn_outputs = []
    for t in range(Tt):
        x_flat = x_sequence[:, t].reshape(-1, Ff)
        h = jax.nn.relu(gcn_conv(x_flat, src, dst, W_gnn0, b_gnn0, n_tot))
        h = jax.nn.relu(gcn_conv(h, src, dst, W_gnn1, b_gnn1, n_tot))
        h = h.reshape(Bb, Nn, -1)
        gnn_outputs.append(h.mean(axis=1))
    temporal_input = jnp.stack(gnn_outputs, axis=1)
    h_seq = lstm_layer(temporal_input, W_ih0, W_hh0, b_ih0, b_hh0)
    h_seq = lstm_layer(h_seq, W_ih1, W_hh1, b_ih1, b_hh1)
    last_hidden = h_seq[:, -1, :]
    expanded = jnp.broadcast_to(last_hidden[:, None, :], (Bb, Nn, last_hidden.shape[-1]))
    predictions = expanded @ W_out + b_out
    return predictions

if __name__ == "__main__":
    import jax
    _d = setup_inputs()
    print(jax.jit(kernel)(*tuple(_d.values())))

</pallas_src>

<mosaic_0001>
#map = affine_map<(d0, d1) -> (0, 0)>
#map1 = affine_map<(d0, d1) -> (0, 0, 0)>
module attributes {stable_mosaic.version = 14 : i64} {
  func.func @k(%arg0: i32, %arg1: i32, %arg2: memref<10000x128xf32, #tpu.memory_space<hbm>>, %arg3: memref<10000x128xf32, #tpu.memory_space<hbm>>, %arg4: memref<32x81x64xi32, #tpu.memory_space<hbm>>, %arg5: memref<32x81x64xi32, #tpu.memory_space<hbm>>, %arg6: memref<2x10000x128xf32, #tpu.memory_space<hbm>>, %arg7: memref<81x64xi32, #tpu.memory_space<vmem>>, %arg8: memref<81x64xi32, #tpu.memory_space<vmem>>, %arg9: memref<64x128xf32, #tpu.memory_space<vmem>>, %arg10: memref<64x128xf32, #tpu.memory_space<vmem>>, %arg11: memref<64x128xf32, #tpu.memory_space<vmem>>, %arg12: memref<10008x128xf32, #tpu.memory_space<vmem_shared>>, %arg13: memref<!tpu.dma_semaphore, #tpu.memory_space<semaphore_mem>>, %arg14: memref<!tpu.dma_semaphore, #tpu.memory_space<semaphore_mem>>, %arg15: memref<!tpu.dma_semaphore, #tpu.memory_space<semaphore_mem>>) attributes {dimension_semantics = [#tpu.dimension_semantics<core_parallel>, #tpu.dimension_semantics<subcore_parallel>], iteration_bounds = array<i64: 2, 16>, scalar_prefetch = 0 : i64, scratch_operands = 9 : i64, tpu.core_type = #tpu.core_type<sc_vector_subcore>, window_params = [{transform_indices = #map}, {transform_indices = #map}, {transform_indices = #map1}, {transform_indices = #map1}, {transform_indices = #map1}]} {
    %mul3A = arith.constant 16 : i32
    %mul3A_0 = arith.muli %arg0, %mul3A : i32
    %add3A = arith.addi %mul3A_0, %arg1 : i32
    %mul3A_1 = arith.constant 624 : i32
    %mul3A_2 = arith.muli %arg1, %mul3A_1 : i32
    %eq3A = arith.constant 0 : i32
    %eq3A_3 = arith.cmpi eq, %arg0, %eq3A : i32
    %convert_element_type3A = arith.extui %eq3A_3 : i1 to i32
    %cond3A = arith.constant 0 : i32
    %cond3A_4 = arith.cmpi ne, %convert_element_type3A, %cond3A : i32
    scf.if %cond3A_4 {
      "tpu.region"() ({
        %run_scoped3A_67 = tpu.sem_alloc : memref<!tpu.dma_semaphore, #tpu.memory_space<semaphore_mem>>
        %dma_start3A_68 = arith.constant 0 : i32
        %dma_start3A_69 = tpu.memref_slice %arg12[%mul3A_2, %dma_start3A_68] : memref<10008x128xf32, #tpu.memory_space<vmem_shared>> -> memref<624x128xf32, #tpu.memory_space<vmem_shared>>
        %dma_start3A_70 = arith.constant 0 : i32
        %dma_start3A_71 = tpu.memref_slice %arg2[%mul3A_2, %dma_start3A_70] : memref<10000x128xf32, #tpu.memory_space<hbm>> -> memref<624x128xf32, #tpu.memory_space<hbm>>
        tpu.enqueue_dma source(%dma_start3A_71 : memref<624x128xf32, #tpu.memory_space<hbm>>) target(%dma_start3A_69 : memref<624x128xf32, #tpu.memory_space<vmem_shared>>) target_semaphore(%run_scoped3A_67 : memref<!tpu.dma_semaphore, #tpu.memory_space<semaphore_mem>>)
        %dma_wait3A_72 = arith.constant 0 : i32
        %dma_wait3A_73 = tpu.memref_slice %arg12[%mul3A_2, %dma_wait3A_72] : memref<10008x128xf32, #tpu.memory_space<vmem_shared>> -> memref<624x128xf32, #tpu.memory_space<vmem_shared>>
        %dma_wait3A_74 = arith.constant 0 : i32
        %dma_wait3A_75 = tpu.memref_slice %arg2[%mul3A_2, %dma_wait3A_74] : memref<10000x128xf32, #tpu.memory_space<hbm>> -> memref<624x128xf32, #tpu.memory_space<hbm>>
        tpu.wait_dma2 semaphore(%run_scoped3A_67 : memref<!tpu.dma_semaphore, #tpu.memory_space<semaphore_mem>>) src(%dma_wait3A_75 : memref<624x128xf32, #tpu.memory_space<hbm>>) dst(%dma_wait3A_73 : memref<624x128xf32, #tpu.memory_space<vmem_shared>>)
        tpu.yield
      }) : () -> ()
      %eq3A_62 = arith.constant 0 : i32
      %eq3A_63 = arith.cmpi eq, %arg1, %eq3A_62 : i32
      %convert_element_type3A_64 = arith.extui %eq3A_63 : i1 to i32
      %cond3A_65 = arith.constant 0 : i32
      %cond3A_66 = arith.cmpi ne, %convert_element_type3A_64, %cond3A_65 : i32
      scf.if %cond3A_66 {
        "tpu.region"() ({
          %run_scoped3A_67 = tpu.sem_alloc : memref<!tpu.dma_semaphore, #tpu.memory_space<semaphore_mem>>
          %dma_start3A_68 = arith.constant 9984 : i32
          %dma_start3A_69 = arith.constant 0 : i32
          %dma_start3A_70 = tpu.memref_slice %arg12[%dma_start3A_68, %dma_start3A_69] : memref<10008x128xf32, #tpu.memory_space<vmem_shared>> -> memref<16x128xf32, #tpu.memory_space<vmem_shared>>
          %dma_start3A_71 = arith.constant 9984 : i32
          %dma_start3A_72 = arith.constant 0 : i32
          %dma_start3A_73 = tpu.memref_slice %arg2[%dma_start3A_71, %dma_start3A_72] : memref<10000x128xf32, #tpu.memory_space<hbm>> -> memref<16x128xf32, #tpu.memory_space<hbm>>
          tpu.enqueue_dma source(%dma_start3A_73 : memref<16x128xf32, #tpu.memory_space<hbm>>) target(%dma_start3A_70 : memref<16x128xf32, #tpu.memory_space<vmem_shared>>) target_semaphore(%run_scoped3A_67 : memref<!tpu.dma_semaphore, #tpu.memory_space<semaphore_mem>>)
          %dma_wait3A_74 = arith.constant 9984 : i32
          %dma_wait3A_75 = arith.constant 0 : i32
          %dma_wait3A_76 = tpu.memref_slice %arg12[%dma_wait3A_74, %dma_wait3A_75] : memref<10008x128xf32, #tpu.memory_space<vmem_shared>> -> memref<16x128xf32, #tpu.memory_space<vmem_shared>>
          %dma_wait3A_77 = arith.constant 9984 : i32
          %dma_wait3A_78 = arith.constant 0 : i32
          %dma_wait3A_79 = tpu.memref_slice %arg2[%dma_wait3A_77, %dma_wait3A_78] : memref<10000x128xf32, #tpu.memory_space<hbm>> -> memref<16x128xf32, #tpu.memory_space<hbm>>
          tpu.wait_dma2 semaphore(%run_scoped3A_67 : memref<!tpu.dma_semaphore, #tpu.memory_space<semaphore_mem>>) src(%dma_wait3A_79 : memref<16x128xf32, #tpu.memory_space<hbm>>) dst(%dma_wait3A_76 : memref<16x128xf32, #tpu.memory_space<vmem_shared>>)
          tpu.yield
        }) : () -> ()
      } else {
      }
    } else {
    }
    %ne3A = arith.constant 0 : i32
    %ne3A_5 = arith.cmpi ne, %arg0, %ne3A : i32
    %convert_element_type3A_6 = arith.extui %ne3A_5 : i1 to i32
    %cond3A_7 = arith.constant 0 : i32
    %cond3A_8 = arith.cmpi ne, %convert_element_type3A_6, %cond3A_7 : i32
    scf.if %cond3A_8 {
      "tpu.region"() ({
        %run_scoped3A_67 = tpu.sem_alloc : memref<!tpu.dma_semaphore, #tpu.memory_space<semaphore_mem>>
        %dma_start3A_68 = arith.constant 0 : i32
        %dma_start3A_69 = tpu.memref_slice %arg12[%mul3A_2, %dma_start3A_68] : memref<10008x128xf32, #tpu.memory_space<vmem_shared>> -> memref<624x128xf32, #tpu.memory_space<vmem_shared>>
        %dma_start3A_70 = arith.constant 0 : i32
        %dma_start3A_71 = tpu.memref_slice %arg3[%mul3A_2, %dma_start3A_70] : memref<10000x128xf32, #tpu.memory_space<hbm>> -> memref<624x128xf32, #tpu.memory_space<hbm>>
        tpu.enqueue_dma source(%dma_start3A_71 : memref<624x128xf32, #tpu.memory_space<hbm>>) target(%dma_start3A_69 : memref<624x128xf32, #tpu.memory_space<vmem_shared>>) target_semaphore(%run_scoped3A_67 : memref<!tpu.dma_semaphore, #tpu.memory_space<semaphore_mem>>)
        %dma_wait3A_72 = arith.constant 0 : i32
        %dma_wait3A_73 = tpu.memref_slice %arg12[%mul3A_2, %dma_wait3A_72] : memref<10008x128xf32, #tpu.memory_space<vmem_shared>> -> memref<624x128xf32, #tpu.memory_space<vmem_shared>>
        %dma_wait3A_74 = arith.constant 0 : i32
        %dma_wait3A_75 = tpu.memref_slice %arg3[%mul3A_2, %dma_wait3A_74] : memref<10000x128xf32, #tpu.memory_space<hbm>> -> memref<624x128xf32, #tpu.memory_space<hbm>>
        tpu.wait_dma2 semaphore(%run_scoped3A_67 : memref<!tpu.dma_semaphore, #tpu.memory_space<semaphore_mem>>) src(%dma_wait3A_75 : memref<624x128xf32, #tpu.memory_space<hbm>>) dst(%dma_wait3A_73 : memref<624x128xf32, #tpu.memory_space<vmem_shared>>)
        tpu.yield
      }) : () -> ()
      %eq3A_62 = arith.constant 0 : i32
      %eq3A_63 = arith.cmpi eq, %arg1, %eq3A_62 : i32
      %convert_element_type3A_64 = arith.extui %eq3A_63 : i1 to i32
      %cond3A_65 = arith.constant 0 : i32
      %cond3A_66 = arith.cmpi ne, %convert_element_type3A_64, %cond3A_65 : i32
      scf.if %cond3A_66 {
        "tpu.region"() ({
          %run_scoped3A_67 = tpu.sem_alloc : memref<!tpu.dma_semaphore, #tpu.memory_space<semaphore_mem>>
          %dma_start3A_68 = arith.constant 9984 : i32
          %dma_start3A_69 = arith.constant 0 : i32
          %dma_start3A_70 = tpu.memref_slice %arg12[%dma_start3A_68, %dma_start3A_69] : memref<10008x128xf32, #tpu.memory_space<vmem_shared>> -> memref<16x128xf32, #tpu.memory_space<vmem_shared>>
          %dma_start3A_71 = arith.constant 9984 : i32
          %dma_start3A_72 = arith.constant 0 : i32
          %dma_start3A_73 = tpu.memref_slice %arg3[%dma_start3A_71, %dma_start3A_72] : memref<10000x128xf32, #tpu.memory_space<hbm>> -> memref<16x128xf32, #tpu.memory_space<hbm>>
          tpu.enqueue_dma source(%dma_start3A_73 : memref<16x128xf32, #tpu.memory_space<hbm>>) target(%dma_start3A_70 : memref<16x128xf32, #tpu.memory_space<vmem_shared>>) target_semaphore(%run_scoped3A_67 : memref<!tpu.dma_semaphore, #tpu.memory_space<semaphore_mem>>)
          %dma_wait3A_74 = arith.constant 9984 : i32
          %dma_wait3A_75 = arith.constant 0 : i32
          %dma_wait3A_76 = tpu.memref_slice %arg12[%dma_wait3A_74, %dma_wait3A_75] : memref<10008x128xf32, #tpu.memory_space<vmem_shared>> -> memref<16x128xf32, #tpu.memory_space<vmem_shared>>
          %dma_wait3A_77 = arith.constant 9984 : i32
          %dma_wait3A_78 = arith.constant 0 : i32
          %dma_wait3A_79 = tpu.memref_slice %arg3[%dma_wait3A_77, %dma_wait3A_78] : memref<10000x128xf32, #tpu.memory_space<hbm>> -> memref<16x128xf32, #tpu.memory_space<hbm>>
          tpu.wait_dma2 semaphore(%run_scoped3A_67 : memref<!tpu.dma_semaphore, #tpu.memory_space<semaphore_mem>>) src(%dma_wait3A_79 : memref<16x128xf32, #tpu.memory_space<hbm>>) dst(%dma_wait3A_76 : memref<16x128xf32, #tpu.memory_space<vmem_shared>>)
          tpu.yield
        }) : () -> ()
      } else {
      }
    } else {
    }
    "tpu.region"() ({
      %run_scoped3A_62 = tpu.sem_alloc : memref<!tpu.dma_semaphore, #tpu.memory_space<semaphore_mem>>
      %dma_start3A_63 = arith.constant 0 : i32
      %dma_start3A_64 = arith.constant 0 : i32
      %dma_start3A_65 = tpu.memref_slice %arg4[%add3A, %dma_start3A_63, %dma_start3A_64] : memref<32x81x64xi32, #tpu.memory_space<hbm>> -> memref<1x81x64xi32, #tpu.memory_space<hbm>>
      %dma_start3A_66 = tpu.memref_squeeze %dma_start3A_65 : memref<1x81x64xi32, #tpu.memory_space<hbm>> -> memref<81x64xi32, #tpu.memory_space<hbm>>
      %dma_start3A_67 = arith.constant 0 : i32
      %dma_start3A_68 = arith.constant 0 : i32
      %dma_start3A_69 = tpu.memref_slice %arg4[%add3A, %dma_start3A_67, %dma_start3A_68] : memref<32x81x64xi32, #tpu.memory_space<hbm>> -> memref<1x81x64xi32, #tpu.memory_space<hbm>>
      %dma_start3A_70 = tpu.memref_squeeze %dma_start3A_69 : memref<1x81x64xi32, #tpu.memory_space<hbm>> -> memref<81x64xi32, #tpu.memory_space<hbm>>
      tpu.enqueue_dma source(%dma_start3A_70 : memref<81x64xi32, #tpu.memory_space<hbm>>) target(%arg7 : memref<81x64xi32, #tpu.memory_space<vmem>>) target_semaphore(%run_scoped3A_62 : memref<!tpu.dma_semaphore, #tpu.memory_space<semaphore_mem>>)
      %dma_wait3A_71 = arith.constant 0 : i32
      %dma_wait3A_72 = arith.constant 0 : i32
      %dma_wait3A_73 = tpu.memref_slice %arg4[%add3A, %dma_wait3A_71, %dma_wait3A_72] : memref<32x81x64xi32, #tpu.memory_space<hbm>> -> memref<1x81x64xi32, #tpu.memory_space<hbm>>
      %dma_wait3A_74 = tpu.memref_squeeze %dma_wait3A_73 : memref<1x81x64xi32, #tpu.memory_space<hbm>> -> memref<81x64xi32, #tpu.memory_space<hbm>>
      %dma_wait3A_75 = arith.constant 0 : i32
      %dma_wait3A_76 = arith.constant 0 : i32
      %dma_wait3A_77 = tpu.memref_slice %arg4[%add3A, %dma_wait3A_75, %dma_wait3A_76] : memref<32x81x64xi32, #tpu.memory_space<hbm>> -> memref<1x81x64xi32, #tpu.memory_space<hbm>>
      %dma_wait3A_78 = tpu.memref_squeeze %dma_wait3A_77 : memref<1x81x64xi32, #tpu.memory_space<hbm>> -> memref<81x64xi32, #tpu.memory_space<hbm>>
      tpu.wait_dma2 semaphore(%run_scoped3A_62 : memref<!tpu.dma_semaphore, #tpu.memory_space<semaphore_mem>>) src(%dma_wait3A_78 : memref<81x64xi32, #tpu.memory_space<hbm>>) dst(%arg7 : memref<81x64xi32, #tpu.memory_space<vmem>>)
      tpu.yield
    }) : () -> ()
    "tpu.region"() ({
      %run_scoped3A_62 = tpu.sem_alloc : memref<!tpu.dma_semaphore, #tpu.memory_space<semaphore_mem>>
      %dma_start3A_63 = arith.constant 0 : i32
      %dma_start3A_64 = arith.constant 0 : i32
      %dma_start3A_65 = tpu.memref_slice %arg5[%add3A, %dma_start3A_63, %dma_start3A_64] : memref<32x81x64xi32, #tpu.memory_space<hbm>> -> memref<1x81x64xi32, #tpu.memory_space<hbm>>
      %dma_start3A_66 = tpu.memref_squeeze %dma_start3A_65 : memref<1x81x64xi32, #tpu.memory_space<hbm>> -> memref<81x64xi32, #tpu.memory_space<hbm>>
      %dma_start3A_67 = arith.constant 0 : i32
      %dma_start3A_68 = arith.constant 0 : i32
      %dma_start3A_69 = tpu.memref_slice %arg5[%add3A, %dma_start3A_67, %dma_start3A_68] : memref<32x81x64xi32, #tpu.memory_space<hbm>> -> memref<1x81x64xi32, #tpu.memory_space<hbm>>
      %dma_start3A_70 = tpu.memref_squeeze %dma_start3A_69 : memref<1x81x64xi32, #tpu.memory_space<hbm>> -> memref<81x64xi32, #tpu.memory_space<hbm>>
      tpu.enqueue_dma source(%dma_start3A_70 : memref<81x64xi32, #tpu.memory_space<hbm>>) target(%arg8 : memref<81x64xi32, #tpu.memory_space<vmem>>) target_semaphore(%run_scoped3A_62 : memref<!tpu.dma_semaphore, #tpu.memory_space<semaphore_mem>>)
      %dma_wait3A_71 = arith.constant 0 : i32
      %dma_wait3A_72 = arith.constant 0 : i32
      %dma_wait3A_73 = tpu.memref_slice %arg5[%add3A, %dma_wait3A_71, %dma_wait3A_72] : memref<32x81x64xi32, #tpu.memory_space<hbm>> -> memref<1x81x64xi32, #tpu.memory_space<hbm>>
      %dma_wait3A_74 = tpu.memref_squeeze %dma_wait3A_73 : memref<1x81x64xi32, #tpu.memory_space<hbm>> -> memref<81x64xi32, #tpu.memory_space<hbm>>
      %dma_wait3A_75 = arith.constant 0 : i32
      %dma_wait3A_76 = arith.constant 0 : i32
      %dma_wait3A_77 = tpu.memref_slice %arg5[%add3A, %dma_wait3A_75, %dma_wait3A_76] : memref<32x81x64xi32, #tpu.memory_space<hbm>> -> memref<1x81x64xi32, #tpu.memory_space<hbm>>
      %dma_wait3A_78 = tpu.memref_squeeze %dma_wait3A_77 : memref<1x81x64xi32, #tpu.memory_space<hbm>> -> memref<81x64xi32, #tpu.memory_space<hbm>>
      tpu.wait_dma2 semaphore(%run_scoped3A_62 : memref<!tpu.dma_semaphore, #tpu.memory_space<semaphore_mem>>) src(%dma_wait3A_78 : memref<81x64xi32, #tpu.memory_space<hbm>>) dst(%arg8 : memref<81x64xi32, #tpu.memory_space<vmem>>)
      tpu.yield
    }) : () -> ()
    %barrier3A = arith.constant 0 : index
    tpu.barrier barrier_id(%barrier3A)
    %dma_start3A = arith.constant 0 : i32
    %dma_start3A_9 = arith.constant 0 : i32
    %dma_start3A_10 = tpu.memref_slice %arg7[%dma_start3A, %dma_start3A_9] : memref<81x64xi32, #tpu.memory_space<vmem>> -> memref<1x64xi32, #tpu.memory_space<vmem>>
    %dma_start3A_11 = tpu.memref_squeeze %dma_start3A_10 : memref<1x64xi32, #tpu.memory_space<vmem>> -> memref<64xi32, #tpu.memory_space<vmem>>
    %dma_start3A_12 = arith.constant 0 : i32
    %dma_start3A_13 = arith.constant 0 : i32
    %dma_start3A_14 = tpu.memref_slice %arg2[%dma_start3A_12, %dma_start3A_13] : memref<10000x128xf32, #tpu.memory_space<hbm>> -> memref<10000x128xf32, #tpu.memory_space<hbm>>
    tpu.enqueue_indirect_dma source(%dma_start3A_14 : memref<10000x128xf32, #tpu.memory_space<hbm>>) target(%arg9 : memref<64x128xf32, #tpu.memory_space<vmem>>) offsets(%dma_start3A_11 : memref<64xi32, #tpu.memory_space<vmem>>) semaphore(%arg13 : memref<!tpu.dma_semaphore, #tpu.memory_space<semaphore_mem>>)
    %dma_start3A_15 = arith.constant 1 : i32
    %dma_start3A_16 = arith.constant 0 : i32
    %dma_start3A_17 = tpu.memref_slice %arg7[%dma_start3A_15, %dma_start3A_16] : memref<81x64xi32, #tpu.memory_space<vmem>> -> memref<1x64xi32, #tpu.memory_space<vmem>>
    %dma_start3A_18 = tpu.memref_squeeze %dma_start3A_17 : memref<1x64xi32, #tpu.memory_space<vmem>> -> memref<64xi32, #tpu.memory_space<vmem>>
    %dma_start3A_19 = arith.constant 0 : i32
    %dma_start3A_20 = arith.constant 0 : i32
    %dma_start3A_21 = tpu.memref_slice %arg2[%dma_start3A_19, %dma_start3A_20] : memref<10000x128xf32, #tpu.memory_space<hbm>> -> memref<10000x128xf32, #tpu.memory_space<hbm>>
    tpu.enqueue_indirect_dma source(%dma_start3A_21 : memref<10000x128xf32, #tpu.memory_space<hbm>>) target(%arg10 : memref<64x128xf32, #tpu.memory_space<vmem>>) offsets(%dma_start3A_18 : memref<64xi32, #tpu.memory_space<vmem>>) semaphore(%arg14 : memref<!tpu.dma_semaphore, #tpu.memory_space<semaphore_mem>>)
    %dma_start3A_22 = arith.constant 2 : i32
    %dma_start3A_23 = arith.constant 0 : i32
    %dma_start3A_24 = tpu.memref_slice %arg7[%dma_start3A_22, %dma_start3A_23] : memref<81x64xi32, #tpu.memory_space<vmem>> -> memref<1x64xi32, #tpu.memory_space<vmem>>
    %dma_start3A_25 = tpu.memref_squeeze %dma_start3A_24 : memref<1x64xi32, #tpu.memory_space<vmem>> -> memref<64xi32, #tpu.memory_space<vmem>>
    %dma_start3A_26 = arith.constant 0 : i32
    %dma_start3A_27 = arith.constant 0 : i32
    %dma_start3A_28 = tpu.memref_slice %arg2[%dma_start3A_26, %dma_start3A_27] : memref<10000x128xf32, #tpu.memory_space<hbm>> -> memref<10000x128xf32, #tpu.memory_space<hbm>>
    tpu.enqueue_indirect_dma source(%dma_start3A_28 : memref<10000x128xf32, #tpu.memory_space<hbm>>) target(%arg11 : memref<64x128xf32, #tpu.memory_space<vmem>>) offsets(%dma_start3A_25 : memref<64xi32, #tpu.memory_space<vmem>>) semaphore(%arg15 : memref<!tpu.dma_semaphore, #tpu.memory_space<semaphore_mem>>)
    %scan3A = arith.constant 0 : i32
    %scan3A_29 = arith.constant 0 : i32
    %scan3A_30 = arith.constant 26 : i32
    %scan3A_31 = arith.addi %scan3A_29, %scan3A_30 : i32
    %scan3A_32 = arith.constant 1 : i32
    scf.for %scan3A_62 = %scan3A_29 to %scan3A_31 step %scan3A_32  : i32 {
      %mul3A_63 = arith.constant 3 : i32
      %mul3A_64 = arith.muli %mul3A_63, %scan3A_62 : i32
      %add3A_65 = arith.constant 0 : i32
      %add3A_66 = arith.addi %mul3A_64, %add3A_65 : i32
      %dma_wait3A_67 = arith.constant 0 : i32
      %dma_wait3A_68 = tpu.memref_slice %arg7[%add3A_66, %dma_wait3A_67] : memref<81x64xi32, #tpu.memory_space<vmem>> -> memref<1x64xi32, #tpu.memory_space<vmem>>
      %dma_wait3A_69 = tpu.memref_squeeze %dma_wait3A_68 : memref<1x64xi32, #tpu.memory_space<vmem>> -> memref<64xi32, #tpu.memory_space<vmem>>
      %dma_wait3A_70 = arith.constant 0 : i32
      %dma_wait3A_71 = arith.constant 0 : i32
      %dma_wait3A_72 = tpu.memref_slice %arg2[%dma_wait3A_70, %dma_wait3A_71] : memref<10000x128xf32, #tpu.memory_space<hbm>> -> memref<10000x128xf32, #tpu.memory_space<hbm>>
      tpu.wait_indirect_dma semaphore(%arg13 : memref<!tpu.dma_semaphore, #tpu.memory_space<semaphore_mem>>) src(%dma_wait3A_72 : memref<10000x128xf32, #tpu.memory_space<hbm>>) dst(%arg9 : memref<64x128xf32, #tpu.memory_space<vmem>>)
      "tpu.region"() ({
        %run_scoped3A_117 = tpu.sem_alloc : memref<!tpu.dma_semaphore, #tpu.memory_space<semaphore_mem>>
        %dma_start3A_118 = arith.constant 0 : i32
        %dma_start3A_119 = tpu.memref_slice %arg8[%add3A_66, %dma_start3A_118] : memref<81x64xi32, #tpu.memory_space<vmem>> -> memref<1x64xi32, #tpu.memory_space<vmem>>
        %dma_start3A_120 = tpu.memref_squeeze %dma_start3A_119 : memref<1x64xi32, #tpu.memory_space<vmem>> -> memref<64xi32, #tpu.memory_space<vmem>>
        %dma_start3A_121 = arith.constant 0 : i32
        %dma_start3A_122 = arith.constant 0 : i32
        %dma_start3A_123 = tpu.memref_slice %arg12[%dma_start3A_121, %dma_start3A_122] : memref<10008x128xf32, #tpu.memory_space<vmem_shared>> -> memref<10008x128xf32, #tpu.memory_space<vmem_shared>>
        tpu.enqueue_indirect_dma source(%arg9 : memref<64x128xf32, #tpu.memory_space<vmem>>) target(%dma_start3A_123 : memref<10008x128xf32, #tpu.memory_space<vmem_shared>>) offsets(%dma_start3A_120 : memref<64xi32, #tpu.memory_space<vmem>>) semaphore(%run_scoped3A_117 : memref<!tpu.dma_semaphore, #tpu.memory_space<semaphore_mem>>) {add = true}
        %dma_wait3A_124 = arith.constant 0 : i32
        %dma_wait3A_125 = tpu.memref_slice %arg8[%add3A_66, %dma_wait3A_124] : memref<81x64xi32, #tpu.memory_space<vmem>> -> memref<1x64xi32, #tpu.memory_space<vmem>>
        %dma_wait3A_126 = tpu.memref_squeeze %dma_wait3A_125 : memref<1x64xi32, #tpu.memory_space<vmem>> -> memref<64xi32, #tpu.memory_space<vmem>>
        %dma_wait3A_127 = arith.constant 0 : i32
        %dma_wait3A_128 = arith.constant 0 : i32
        %dma_wait3A_129 = tpu.memref_slice %arg12[%dma_wait3A_127, %dma_wait3A_128] : memref<10008x128xf32, #tpu.memory_space<vmem_shared>> -> memref<10008x128xf32, #tpu.memory_space<vmem_shared>>
        tpu.wait_indirect_dma semaphore(%run_scoped3A_117 : memref<!tpu.dma_semaphore, #tpu.memory_space<semaphore_mem>>) src(%arg9 : memref<64x128xf32, #tpu.memory_space<vmem>>) dst(%dma_wait3A_129 : memref<10008x128xf32, #tpu.memory_space<vmem_shared>>)
        tpu.yield
      }) : () -> ()
      %add3A_73 = arith.constant 3 : i32
      %add3A_74 = arith.addi %add3A_66, %add3A_73 : i32
      %dma_start3A_75 = arith.constant 0 : i32
      %dma_start3A_76 = tpu.memref_slice %arg7[%add3A_74, %dma_start3A_75] : memref<81x64xi32, #tpu.memory_space<vmem>> -> memref<1x64xi32, #tpu.memory_space<vmem>>
      %dma_start3A_77 = tpu.memref_squeeze %dma_start3A_76 : memref<1x64xi32, #tpu.memory_space<vmem>> -> memref<64xi32, #tpu.memory_space<vmem>>
      %dma_start3A_78 = arith.constant 0 : i32
      %dma_start3A_79 = arith.constant 0 : i32
      %dma_start3A_80 = tpu.memref_slice %arg2[%dma_start3A_78, %dma_start3A_79] : memref<10000x128xf32, #tpu.memory_space<hbm>> -> memref<10000x128xf32, #tpu.memory_space<hbm>>
      tpu.enqueue_indirect_dma source(%dma_start3A_80 : memref<10000x128xf32, #tpu.memory_space<hbm>>) target(%arg9 : memref<64x128xf32, #tpu.memory_space<vmem>>) offsets(%dma_start3A_77 : memref<64xi32, #tpu.memory_space<vmem>>) semaphore(%arg13 : memref<!tpu.dma_semaphore, #tpu.memory_space<semaphore_mem>>)
      %mul3A_81 = arith.constant 3 : i32
      %mul3A_82 = arith.muli %mul3A_81, %scan3A_62 : i32
      %add3A_83 = arith.constant 1 : i32
      %add3A_84 = arith.addi %mul3A_82, %add3A_83 : i32
      %dma_wait3A_85 = arith.constant 0 : i32
      %dma_wait3A_86 = tpu.memref_slice %arg7[%add3A_84, %dma_wait3A_85] : memref<81x64xi32, #tpu.memory_space<vmem>> -> memref<1x64xi32, #tpu.memory_space<vmem>>
      %dma_wait3A_87 = tpu.memref_squeeze %dma_wait3A_86 : memref<1x64xi32, #tpu.memory_space<vmem>> -> memref<64xi32, #tpu.memory_space<vmem>>
      %dma_wait3A_88 = arith.constant 0 : i32
      %dma_wait3A_89 = arith.constant 0 : i32
      %dma_wait3A_90 = tpu.memref_slice %arg2[%dma_wait3A_88, %dma_wait3A_89] : memref<10000x128xf32, #tpu.memory_space<hbm>> -> memref<10000x128xf32, #tpu.memory_space<hbm>>
      tpu.wait_indirect_dma semaphore(%arg14 : memref<!tpu.dma_semaphore, #tpu.memory_space<semaphore_mem>>) src(%dma_wait3A_90 : memref<10000x128xf32, #tpu.memory_space<hbm>>) dst(%arg10 : memref<64x128xf32, #tpu.memory_space<vmem>>)
      "tpu.region"() ({
        %run_scoped3A_117 = tpu.sem_alloc : memref<!tpu.dma_semaphore, #tpu.memory_space<semaphore_mem>>
        %dma_start3A_118 = arith.constant 0 : i32
        %dma_start3A_119 = tpu.memref_slice %arg8[%add3A_84, %dma_start3A_118] : memref<81x64xi32, #tpu.memory_space<vmem>> -> memref<1x64xi32, #tpu.memory_space<vmem>>
        %dma_start3A_120 = tpu.memref_squeeze %dma_start3A_119 : memref<1x64xi32, #tpu.memory_space<vmem>> -> memref<64xi32, #tpu.memory_space<vmem>>
        %dma_start3A_121 = arith.constant 0 : i32
        %dma_start3A_122 = arith.constant 0 : i32
        %dma_start3A_123 = tpu.memref_slice %arg12[%dma_start3A_121, %dma_start3A_122] : memref<10008x128xf32, #tpu.memory_space<vmem_shared>> -> memref<10008x128xf32, #tpu.memory_space<vmem_shared>>
        tpu.enqueue_indirect_dma source(%arg10 : memref<64x128xf32, #tpu.memory_space<vmem>>) target(%dma_start3A_123 : memref<10008x128xf32, #tpu.memory_space<vmem_shared>>) offsets(%dma_start3A_120 : memref<64xi32, #tpu.memory_space<vmem>>) semaphore(%run_scoped3A_117 : memref<!tpu.dma_semaphore, #tpu.memory_space<semaphore_mem>>) {add = true}
        %dma_wait3A_124 = arith.constant 0 : i32
        %dma_wait3A_125 = tpu.memref_slice %arg8[%add3A_84, %dma_wait3A_124] : memref<81x64xi32, #tpu.memory_space<vmem>> -> memref<1x64xi32, #tpu.memory_space<vmem>>
        %dma_wait3A_126 = tpu.memref_squeeze %dma_wait3A_125 : memref<1x64xi32, #tpu.memory_space<vmem>> -> memref<64xi32, #tpu.memory_space<vmem>>
        %dma_wait3A_127 = arith.constant 0 : i32
        %dma_wait3A_128 = arith.constant 0 : i32
        %dma_wait3A_129 = tpu.memref_slice %arg12[%dma_wait3A_127, %dma_wait3A_128] : memref<10008x128xf32, #tpu.memory_space<vmem_shared>> -> memref<10008x128xf32, #tpu.memory_space<vmem_shared>>
        tpu.wait_indirect_dma semaphore(%run_scoped3A_117 : memref<!tpu.dma_semaphore, #tpu.memory_space<semaphore_mem>>) src(%arg10 : memref<64x128xf32, #tpu.memory_space<vmem>>) dst(%dma_wait3A_129 : memref<10008x128xf32, #tpu.memory_space<vmem_shared>>)
        tpu.yield
      }) : () -> ()
      %add3A_91 = arith.constant 3 : i32
      %add3A_92 = arith.addi %add3A_84, %add3A_91 : i32
      %dma_start3A_93 = arith.constant 0 : i32
      %dma_start3A_94 = tpu.memref_slice %arg7[%add3A_92, %dma_start3A_93] : memref<81x64xi32, #tpu.memory_space<vmem>> -> memref<1x64xi32, #tpu.memory_space<vmem>>
      %dma_start3A_95 = tpu.memref_squeeze %dma_start3A_94 : memref<1x64xi32, #tpu.memory_space<vmem>> -> memref<64xi32, #tpu.memory_space<vmem>>
      %dma_start3A_96 = arith.constant 0 : i32
      %dma_start3A_97 = arith.constant 0 : i32
      %dma_start3A_98 = tpu.memref_slice %arg2[%dma_start3A_96, %dma_start3A_97] : memref<10000x128xf32, #tpu.memory_space<hbm>> -> memref<10000x128xf32, #tpu.memory_space<hbm>>
      tpu.enqueue_indirect_dma source(%dma_start3A_98 : memref<10000x128xf32, #tpu.memory_space<hbm>>) target(%arg10 : memref<64x128xf32, #tpu.memory_space<vmem>>) offsets(%dma_start3A_95 : memref<64xi32, #tpu.memory_space<vmem>>) semaphore(%arg14 : memref<!tpu.dma_semaphore, #tpu.memory_space<semaphore_mem>>)
      %mul3A_99 = arith.constant 3 : i32
      %mul3A_100 = arith.muli %mul3A_99, %scan3A_62 : i32
      %add3A_101 = arith.constant 2 : i32
      %add3A_102 = arith.addi %mul3A_100, %add3A_101 : i32
      %dma_wait3A_103 = arith.constant 0 : i32
      %dma_wait3A_104 = tpu.memref_slice %arg7[%add3A_102, %dma_wait3A_103] : memref<81x64xi32, #tpu.memory_space<vmem>> -> memref<1x64xi32, #tpu.memory_space<vmem>>
      %dma_wait3A_105 = tpu.memref_squeeze %dma_wait3A_104 : memref<1x64xi32, #tpu.memory_space<vmem>> -> memref<64xi32, #tpu.memory_space<vmem>>
      %dma_wait3A_106 = arith.constant 0 : i32
      %dma_wait3A_107 = arith.constant 0 : i32
      %dma_wait3A_108 = tpu.memref_slice %arg2[%dma_wait3A_106, %dma_wait3A_107] : memref<10000x128xf32, #tpu.memory_space<hbm>> -> memref<10000x128xf32, #tpu.memory_space<hbm>>
      tpu.wait_indirect_dma semaphore(%arg15 : memref<!tpu.dma_semaphore, #tpu.memory_space<semaphore_mem>>) src(%dma_wait3A_108 : memref<10000x128xf32, #tpu.memory_space<hbm>>) dst(%arg11 : memref<64x128xf32, #tpu.memory_space<vmem>>)
      "tpu.region"() ({
        %run_scoped3A_117 = tpu.sem_alloc : memref<!tpu.dma_semaphore, #tpu.memory_space<semaphore_mem>>
        %dma_start3A_118 = arith.constant 0 : i32
        %dma_start3A_119 = tpu.memref_slice %arg8[%add3A_102, %dma_start3A_118] : memref<81x64xi32, #tpu.memory_space<vmem>> -> memref<1x64xi32, #tpu.memory_space<vmem>>
        %dma_start3A_120 = tpu.memref_squeeze %dma_start3A_119 : memref<1x64xi32, #tpu.memory_space<vmem>> -> memref<64xi32, #tpu.memory_space<vmem>>
        %dma_start3A_121 = arith.constant 0 : i32
        %dma_start3A_122 = arith.constant 0 : i32
        %dma_start3A_123 = tpu.memref_slice %arg12[%dma_start3A_121, %dma_start3A_122] : memref<10008x128xf32, #tpu.memory_space<vmem_shared>> -> memref<10008x128xf32, #tpu.memory_space<vmem_shared>>
        tpu.enqueue_indirect_dma source(%arg11 : memref<64x128xf32, #tpu.memory_space<vmem>>) target(%dma_start3A_123 : memref<10008x128xf32, #tpu.memory_space<vmem_shared>>) offsets(%dma_start3A_120 : memref<64xi32, #tpu.memory_space<vmem>>) semaphore(%run_scoped3A_117 : memref<!tpu.dma_semaphore, #tpu.memory_space<semaphore_mem>>) {add = true}
        %dma_wait3A_124 = arith.constant 0 : i32
        %dma_wait3A_125 = tpu.memref_slice %arg8[%add3A_102, %dma_wait3A_124] : memref<81x64xi32, #tpu.memory_space<vmem>> -> memref<1x64xi32, #tpu.memory_space<vmem>>
        %dma_wait3A_126 = tpu.memref_squeeze %dma_wait3A_125 : memref<1x64xi32, #tpu.memory_space<vmem>> -> memref<64xi32, #tpu.memory_space<vmem>>
        %dma_wait3A_127 = arith.constant 0 : i32
        %dma_wait3A_128 = arith.constant 0 : i32
        %dma_wait3A_129 = tpu.memref_slice %arg12[%dma_wait3A_127, %dma_wait3A_128] : memref<10008x128xf32, #tpu.memory_space<vmem_shared>> -> memref<10008x128xf32, #tpu.memory_space<vmem_shared>>
        tpu.wait_indirect_dma semaphore(%run_scoped3A_117 : memref<!tpu.dma_semaphore, #tpu.memory_space<semaphore_mem>>) src(%arg11 : memref<64x128xf32, #tpu.memory_space<vmem>>) dst(%dma_wait3A_129 : memref<10008x128xf32, #tpu.memory_space<vmem_shared>>)
        tpu.yield
      }) : () -> ()
      %add3A_109 = arith.constant 3 : i32
      %add3A_110 = arith.addi %add3A_102, %add3A_109 : i32
      %dma_start3A_111 = arith.constant 0 : i32
      %dma_start3A_112 = tpu.memref_slice %arg7[%add3A_110, %dma_start3A_111] : memref<81x64xi32, #tpu.memory_space<vmem>> -> memref<1x64xi32, #tpu.memory_space<vmem>>
      %dma_start3A_113 = tpu.memref_squeeze %dma_start3A_112 : memref<1x64xi32, #tpu.memory_space<vmem>> -> memref<64xi32, #tpu.memory_space<vmem>>
      %dma_start3A_114 = arith.constant 0 : i32
      %dma_start3A_115 = arith.constant 0 : i32
      %dma_start3A_116 = tpu.memref_slice %arg2[%dma_start3A_114, %dma_start3A_115] : memref<10000x128xf32, #tpu.memory_space<hbm>> -> memref<10000x128xf32, #tpu.memory_space<hbm>>
      tpu.enqueue_indirect_dma source(%dma_start3A_116 : memref<10000x128xf32, #tpu.memory_space<hbm>>) target(%arg11 : memref<64x128xf32, #tpu.memory_space<vmem>>) offsets(%dma_start3A_113 : memref<64xi32, #tpu.memory_space<vmem>>) semaphore(%arg15 : memref<!tpu.dma_semaphore, #tpu.memory_space<semaphore_mem>>)
    }
    %scan3A_33 = arith.constant 26 : i32
    %dma_wait3A = arith.constant 78 : i32
    %dma_wait3A_34 = arith.constant 0 : i32
    %dma_wait3A_35 = tpu.memref_slice %arg7[%dma_wait3A, %dma_wait3A_34] : memref<81x64xi32, #tpu.memory_space<vmem>> -> memref<1x64xi32, #tpu.memory_space<vmem>>
    %dma_wait3A_36 = tpu.memref_squeeze %dma_wait3A_35 : memref<1x64xi32, #tpu.memory_space<vmem>> -> memref<64xi32, #tpu.memory_space<vmem>>
    %dma_wait3A_37 = arith.constant 0 : i32
    %dma_wait3A_38 = arith.constant 0 : i32
    %dma_wait3A_39 = tpu.memref_slice %arg2[%dma_wait3A_37, %dma_wait3A_38] : memref<10000x128xf32, #tpu.memory_space<hbm>> -> memref<10000x128xf32, #tpu.memory_space<hbm>>
    tpu.wait_indirect_dma semaphore(%arg13 : memref<!tpu.dma_semaphore, #tpu.memory_space<semaphore_mem>>) src(%dma_wait3A_39 : memref<10000x128xf32, #tpu.memory_space<hbm>>) dst(%arg9 : memref<64x128xf32, #tpu.memory_space<vmem>>)
    %run_scoped3A = arith.constant 78 : i32
    "tpu.region"() ({
      %run_scoped3A_62 = tpu.sem_alloc : memref<!tpu.dma_semaphore, #tpu.memory_space<semaphore_mem>>
      %dma_start3A_63 = arith.constant 0 : i32
      %dma_start3A_64 = tpu.memref_slice %arg8[%run_scoped3A, %dma_start3A_63] : memref<81x64xi32, #tpu.memory_space<vmem>> -> memref<1x64xi32, #tpu.memory_space<vmem>>
      %dma_start3A_65 = tpu.memref_squeeze %dma_start3A_64 : memref<1x64xi32, #tpu.memory_space<vmem>> -> memref<64xi32, #tpu.memory_space<vmem>>
      %dma_start3A_66 = arith.constant 0 : i32
      %dma_start3A_67 = arith.constant 0 : i32
      %dma_start3A_68 = tpu.memref_slice %arg12[%dma_start3A_66, %dma_start3A_67] : memref<10008x128xf32, #tpu.memory_space<vmem_shared>> -> memref<10008x128xf32, #tpu.memory_space<vmem_shared>>
      tpu.enqueue_indirect_dma source(%arg9 : memref<64x128xf32, #tpu.memory_space<vmem>>) target(%dma_start3A_68 : memref<10008x128xf32, #tpu.memory_space<vmem_shared>>) offsets(%dma_start3A_65 : memref<64xi32, #tpu.memory_space<vmem>>) semaphore(%run_scoped3A_62 : memref<!tpu.dma_semaphore, #tpu.memory_space<semaphore_mem>>) {add = true}
      %dma_wait3A_69 = arith.constant 0 : i32
      %dma_wait3A_70 = tpu.memref_slice %arg8[%run_scoped3A, %dma_wait3A_69] : memref<81x64xi32, #tpu.memory_space<vmem>> -> memref<1x64xi32, #tpu.memory_space<vmem>>
      %dma_wait3A_71 = tpu.memref_squeeze %dma_wait3A_70 : memref<1x64xi32, #tpu.memory_space<vmem>> -> memref<64xi32, #tpu.memory_space<vmem>>
      %dma_wait3A_72 = arith.constant 0 : i32
      %dma_wait3A_73 = arith.constant 0 : i32
      %dma_wait3A_74 = tpu.memref_slice %arg12[%dma_wait3A_72, %dma_wait3A_73] : memref<10008x128xf32, #tpu.memory_space<vmem_shared>> -> memref<10008x128xf32, #tpu.memory_space<vmem_shared>>
      tpu.wait_indirect_dma semaphore(%run_scoped3A_62 : memref<!tpu.dma_semaphore, #tpu.memory_space<semaphore_mem>>) src(%arg9 : memref<64x128xf32, #tpu.memory_space<vmem>>) dst(%dma_wait3A_74 : memref<10008x128xf32, #tpu.memory_space<vmem_shared>>)
      tpu.yield
    }) : () -> ()
    %dma_wait3A_40 = arith.constant 79 : i32
    %dma_wait3A_41 = arith.constant 0 : i32
    %dma_wait3A_42 = tpu.memref_slice %arg7[%dma_wait3A_40, %dma_wait3A_41] : memref<81x64xi32, #tpu.memory_space<vmem>> -> memref<1x64xi32, #tpu.memory_space<vmem>>
    %dma_wait3A_43 = tpu.memref_squeeze %dma_wait3A_42 : memref<1x64xi32, #tpu.memory_space<vmem>> -> memref<64xi32, #tpu.memory_space<vmem>>
    %dma_wait3A_44 = arith.constant 0 : i32
    %dma_wait3A_45 = arith.constant 0 : i32
    %dma_wait3A_46 = tpu.memref_slice %arg2[%dma_wait3A_44, %dma_wait3A_45] : memref<10000x128xf32, #tpu.memory_space<hbm>> -> memref<10000x128xf32, #tpu.memory_space<hbm>>
    tpu.wait_indirect_dma semaphore(%arg14 : memref<!tpu.dma_semaphore, #tpu.memory_space<semaphore_mem>>) src(%dma_wait3A_46 : memref<10000x128xf32, #tpu.memory_space<hbm>>) dst(%arg10 : memref<64x128xf32, #tpu.memory_space<vmem>>)
    %run_scoped3A_47 = arith.constant 79 : i32
    "tpu.region"() ({
      %run_scoped3A_62 = tpu.sem_alloc : memref<!tpu.dma_semaphore, #tpu.memory_space<semaphore_mem>>
      %dma_start3A_63 = arith.constant 0 : i32
      %dma_start3A_64 = tpu.memref_slice %arg8[%run_scoped3A_47, %dma_start3A_63] : memref<81x64xi32, #tpu.memory_space<vmem>> -> memref<1x64xi32, #tpu.memory_space<vmem>>
      %dma_start3A_65 = tpu.memref_squeeze %dma_start3A_64 : memref<1x64xi32, #tpu.memory_space<vmem>> -> memref<64xi32, #tpu.memory_space<vmem>>
      %dma_start3A_66 = arith.constant 0 : i32
      %dma_start3A_67 = arith.constant 0 : i32
      %dma_start3A_68 = tpu.memref_slice %arg12[%dma_start3A_66, %dma_start3A_67] : memref<10008x128xf32, #tpu.memory_space<vmem_shared>> -> memref<10008x128xf32, #tpu.memory_space<vmem_shared>>
      tpu.enqueue_indirect_dma source(%arg10 : memref<64x128xf32, #tpu.memory_space<vmem>>) target(%dma_start3A_68 : memref<10008x128xf32, #tpu.memory_space<vmem_shared>>) offsets(%dma_start3A_65 : memref<64xi32, #tpu.memory_space<vmem>>) semaphore(%run_scoped3A_62 : memref<!tpu.dma_semaphore, #tpu.memory_space<semaphore_mem>>) {add = true}
      %dma_wait3A_69 = arith.constant 0 : i32
      %dma_wait3A_70 = tpu.memref_slice %arg8[%run_scoped3A_47, %dma_wait3A_69] : memref<81x64xi32, #tpu.memory_space<vmem>> -> memref<1x64xi32, #tpu.memory_space<vmem>>
      %dma_wait3A_71 = tpu.memref_squeeze %dma_wait3A_70 : memref<1x64xi32, #tpu.memory_space<vmem>> -> memref<64xi32, #tpu.memory_space<vmem>>
      %dma_wait3A_72 = arith.constant 0 : i32
      %dma_wait3A_73 = arith.constant 0 : i32
      %dma_wait3A_74 = tpu.memref_slice %arg12[%dma_wait3A_72, %dma_wait3A_73] : memref<10008x128xf32, #tpu.memory_space<vmem_shared>> -> memref<10008x128xf32, #tpu.memory_space<vmem_shared>>
      tpu.wait_indirect_dma semaphore(%run_scoped3A_62 : memref<!tpu.dma_semaphore, #tpu.memory_space<semaphore_mem>>) src(%arg10 : memref<64x128xf32, #tpu.memory_space<vmem>>) dst(%dma_wait3A_74 : memref<10008x128xf32, #tpu.memory_space<vmem_shared>>)
      tpu.yield
    }) : () -> ()
    %dma_wait3A_48 = arith.constant 80 : i32
    %dma_wait3A_49 = arith.constant 0 : i32
    %dma_wait3A_50 = tpu.memref_slice %arg7[%dma_wait3A_48, %dma_wait3A_49] : memref<81x64xi32, #tpu.memory_space<vmem>> -> memref<1x64xi32, #tpu.memory_space<vmem>>
    %dma_wait3A_51 = tpu.memref_squeeze %dma_wait3A_50 : memref<1x64xi32, #tpu.memory_space<vmem>> -> memref<64xi32, #tpu.memory_space<vmem>>
    %dma_wait3A_52 = arith.constant 0 : i32
    %dma_wait3A_53 = arith.constant 0 : i32
    %dma_wait3A_54 = tpu.memref_slice %arg2[%dma_wait3A_52, %dma_wait3A_53] : memref<10000x128xf32, #tpu.memory_space<hbm>> -> memref<10000x128xf32, #tpu.memory_space<hbm>>
    tpu.wait_indirect_dma semaphore(%arg15 : memref<!tpu.dma_semaphore, #tpu.memory_space<semaphore_mem>>) src(%dma_wait3A_54 : memref<10000x128xf32, #tpu.memory_space<hbm>>) dst(%arg11 : memref<64x128xf32, #tpu.memory_space<vmem>>)
    %run_scoped3A_55 = arith.constant 80 : i32
    "tpu.region"() ({
      %run_scoped3A_62 = tpu.sem_alloc : memref<!tpu.dma_semaphore, #tpu.memory_space<semaphore_mem>>
      %dma_start3A_63 = arith.constant 0 : i32
      %dma_start3A_64 = tpu.memref_slice %arg8[%run_scoped3A_55, %dma_start3A_63] : memref<81x64xi32, #tpu.memory_space<vmem>> -> memref<1x64xi32, #tpu.memory_space<vmem>>
      %dma_start3A_65 = tpu.memref_squeeze %dma_start3A_64 : memref<1x64xi32, #tpu.memory_space<vmem>> -> memref<64xi32, #tpu.memory_space<vmem>>
      %dma_start3A_66 = arith.constant 0 : i32
      %dma_start3A_67 = arith.constant 0 : i32
      %dma_start3A_68 = tpu.memref_slice %arg12[%dma_start3A_66, %dma_start3A_67] : memref<10008x128xf32, #tpu.memory_space<vmem_shared>> -> memref<10008x128xf32, #tpu.memory_space<vmem_shared>>
      tpu.enqueue_indirect_dma source(%arg11 : memref<64x128xf32, #tpu.memory_space<vmem>>) target(%dma_start3A_68 : memref<10008x128xf32, #tpu.memory_space<vmem_shared>>) offsets(%dma_start3A_65 : memref<64xi32, #tpu.memory_space<vmem>>) semaphore(%run_scoped3A_62 : memref<!tpu.dma_semaphore, #tpu.memory_space<semaphore_mem>>) {add = true}
      %dma_wait3A_69 = arith.constant 0 : i32
      %dma_wait3A_70 = tpu.memref_slice %arg8[%run_scoped3A_55, %dma_wait3A_69] : memref<81x64xi32, #tpu.memory_space<vmem>> -> memref<1x64xi32, #tpu.memory_space<vmem>>
      %dma_wait3A_71 = tpu.memref_squeeze %dma_wait3A_70 : memref<1x64xi32, #tpu.memory_space<vmem>> -> memref<64xi32, #tpu.memory_space<vmem>>
      %dma_wait3A_72 = arith.constant 0 : i32
      %dma_wait3A_73 = arith.constant 0 : i32
      %dma_wait3A_74 = tpu.memref_slice %arg12[%dma_wait3A_72, %dma_wait3A_73] : memref<10008x128xf32, #tpu.memory_space<vmem_shared>> -> memref<10008x128xf32, #tpu.memory_space<vmem_shared>>
      tpu.wait_indirect_dma semaphore(%run_scoped3A_62 : memref<!tpu.dma_semaphore, #tpu.memory_space<semaphore_mem>>) src(%arg11 : memref<64x128xf32, #tpu.memory_space<vmem>>) dst(%dma_wait3A_74 : memref<10008x128xf32, #tpu.memory_space<vmem_shared>>)
      tpu.yield
    }) : () -> ()
    %barrier3A_56 = arith.constant 0 : index
    tpu.barrier barrier_id(%barrier3A_56)
    "tpu.region"() ({
      %run_scoped3A_62 = tpu.sem_alloc : memref<!tpu.dma_semaphore, #tpu.memory_space<semaphore_mem>>
      %dma_start3A_63 = arith.constant 0 : i32
      %dma_start3A_64 = tpu.memref_slice %arg6[%arg0, %mul3A_2, %dma_start3A_63] : memref<2x10000x128xf32, #tpu.memory_space<hbm>> -> memref<1x624x128xf32, #tpu.memory_space<hbm>>
      %dma_start3A_65 = tpu.memref_squeeze %dma_start3A_64 : memref<1x624x128xf32, #tpu.memory_space<hbm>> -> memref<624x128xf32, #tpu.memory_space<hbm>>
      %dma_start3A_66 = arith.constant 0 : i32
      %dma_start3A_67 = tpu.memref_slice %arg12[%mul3A_2, %dma_start3A_66] : memref<10008x128xf32, #tpu.memory_space<vmem_shared>> -> memref<624x128xf32, #tpu.memory_space<vmem_shared>>
      tpu.enqueue_dma source(%dma_start3A_67 : memref<624x128xf32, #tpu.memory_space<vmem_shared>>) target(%dma_start3A_65 : memref<624x128xf32, #tpu.memory_space<hbm>>) target_semaphore(%run_scoped3A_62 : memref<!tpu.dma_semaphore, #tpu.memory_space<semaphore_mem>>)
      %dma_wait3A_68 = arith.constant 0 : i32
      %dma_wait3A_69 = tpu.memref_slice %arg6[%arg0, %mul3A_2, %dma_wait3A_68] : memref<2x10000x128xf32, #tpu.memory_space<hbm>> -> memref<1x624x128xf32, #tpu.memory_space<hbm>>
      %dma_wait3A_70 = tpu.memref_squeeze %dma_wait3A_69 : memref<1x624x128xf32, #tpu.memory_space<hbm>> -> memref<624x128xf32, #tpu.memory_space<hbm>>
      %dma_wait3A_71 = arith.constant 0 : i32
      %dma_wait3A_72 = tpu.memref_slice %arg12[%mul3A_2, %dma_wait3A_71] : memref<10008x128xf32, #tpu.memory_space<vmem_shared>> -> memref<624x128xf32, #tpu.memory_space<vmem_shared>>
      tpu.wait_dma2 semaphore(%run_scoped3A_62 : memref<!tpu.dma_semaphore, #tpu.memory_space<semaphore_mem>>) src(%dma_wait3A_72 : memref<624x128xf32, #tpu.memory_space<vmem_shared>>) dst(%dma_wait3A_70 : memref<624x128xf32, #tpu.memory_space<hbm>>)
      tpu.yield
    }) : () -> ()
    %eq3A_57 = arith.constant 0 : i32
    %eq3A_58 = arith.cmpi eq, %arg1, %eq3A_57 : i32
    %convert_element_type3A_59 = arith.extui %eq3A_58 : i1 to i32
    %cond3A_60 = arith.constant 0 : i32
    %cond3A_61 = arith.cmpi ne, %convert_element_type3A_59, %cond3A_60 : i32
    scf.if %cond3A_61 {
      "tpu.region"() ({
        %run_scoped3A_62 = tpu.sem_alloc : memref<!tpu.dma_semaphore, #tpu.memory_space<semaphore_mem>>
        %dma_start3A_63 = arith.constant 9984 : i32
        %dma_start3A_64 = arith.constant 0 : i32
        %dma_start3A_65 = tpu.memref_slice %arg6[%arg0, %dma_start3A_63, %dma_start3A_64] : memref<2x10000x128xf32, #tpu.memory_space<hbm>> -> memref<1x16x128xf32, #tpu.memory_space<hbm>>
        %dma_start3A_66 = tpu.memref_squeeze %dma_start3A_65 : memref<1x16x128xf32, #tpu.memory_space<hbm>> -> memref<16x128xf32, #tpu.memory_space<hbm>>
        %dma_start3A_67 = arith.constant 9984 : i32
        %dma_start3A_68 = arith.constant 0 : i32
        %dma_start3A_69 = tpu.memref_slice %arg12[%dma_start3A_67, %dma_start3A_68] : memref<10008x128xf32, #tpu.memory_space<vmem_shared>> -> memref<16x128xf32, #tpu.memory_space<vmem_shared>>
        tpu.enqueue_dma source(%dma_start3A_69 : memref<16x128xf32, #tpu.memory_space<vmem_shared>>) target(%dma_start3A_66 : memref<16x128xf32, #tpu.memory_space<hbm>>) target_semaphore(%run_scoped3A_62 : memref<!tpu.dma_semaphore, #tpu.memory_space<semaphore_mem>>)
        %dma_wait3A_70 = arith.constant 9984 : i32
        %dma_wait3A_71 = arith.constant 0 : i32
        %dma_wait3A_72 = tpu.memref_slice %arg6[%arg0, %dma_wait3A_70, %dma_wait3A_71] : memref<2x10000x128xf32, #tpu.memory_space<hbm>> -> memref<1x16x128xf32, #tpu.memory_space<hbm>>
        %dma_wait3A_73 = tpu.memref_squeeze %dma_wait3A_72 : memref<1x16x128xf32, #tpu.memory_space<hbm>> -> memref<16x128xf32, #tpu.memory_space<hbm>>
        %dma_wait3A_74 = arith.constant 9984 : i32
        %dma_wait3A_75 = arith.constant 0 : i32
        %dma_wait3A_76 = tpu.memref_slice %arg12[%dma_wait3A_74, %dma_wait3A_75] : memref<10008x128xf32, #tpu.memory_space<vmem_shared>> -> memref<16x128xf32, #tpu.memory_space<vmem_shared>>
        tpu.wait_dma2 semaphore(%run_scoped3A_62 : memref<!tpu.dma_semaphore, #tpu.memory_space<semaphore_mem>>) src(%dma_wait3A_76 : memref<16x128xf32, #tpu.memory_space<vmem_shared>>) dst(%dma_wait3A_73 : memref<16x128xf32, #tpu.memory_space<hbm>>)
        tpu.yield
      }) : () -> ()
    } else {
    }
    return
  }
}

#map = affine_map<(d0, d1) -> (0, 0)>
#map1 = affine_map<(d0, d1) -> (0, 0, 0)>
module attributes {stable_mosaic.version = 14 : i64} {
  func.func @k(%arg0: i32, %arg1: i32, %arg2: memref<10000x128xf32, #tpu.memory_space<hbm>>, %arg3: memref<10000x128xf32, #tpu.memory_space<hbm>>, %arg4: memref<32x81x64xi32, #tpu.memory_space<hbm>>, %arg5: memref<32x81x64xi32, #tpu.memory_space<hbm>>, %arg6: memref<2x10000x128xf32, #tpu.memory_space<hbm>>, %arg7: memref<81x64xi32, #tpu.memory_space<vmem>>, %arg8: memref<81x64xi32, #tpu.memory_space<vmem>>, %arg9: memref<64x128xf32, #tpu.memory_space<vmem>>, %arg10: memref<64x128xf32, #tpu.memory_space<vmem>>, %arg11: memref<64x128xf32, #tpu.memory_space<vmem>>, %arg12: memref<10008x128xf32, #tpu.memory_space<vmem_shared>>, %arg13: memref<!tpu.dma_semaphore, #tpu.memory_space<semaphore_mem>>, %arg14: memref<!tpu.dma_semaphore, #tpu.memory_space<semaphore_mem>>, %arg15: memref<!tpu.dma_semaphore, #tpu.memory_space<semaphore_mem>>) attributes {dimension_semantics = [#tpu.dimension_semantics<core_parallel>, #tpu.dimension_semantics<subcore_parallel>], iteration_bounds = array<i64: 2, 16>, scalar_prefetch = 0 : i64, scratch_operands = 9 : i64, tpu.core_type = #tpu.core_type<sc_vector_subcore>, window_params = [{transform_indices = #map}, {transform_indices = #map}, {transform_indices = #map1}, {transform_indices = #map1}, {transform_indices = #map1}]} {
    %mul3A = arith.constant 16 : i32
    %mul3A_0 = arith.muli %arg0, %mul3A : i32
    %add3A = arith.addi %mul3A_0, %arg1 : i32
    %mul3A_1 = arith.constant 624 : i32
    %mul3A_2 = arith.muli %arg1, %mul3A_1 : i32
    %eq3A = arith.constant 0 : i32
    %eq3A_3 = arith.cmpi eq, %arg0, %eq3A : i32
    %convert_element_type3A = arith.extui %eq3A_3 : i1 to i32
    %cond3A = arith.constant 0 : i32
    %cond3A_4 = arith.cmpi ne, %convert_element_type3A, %cond3A : i32
    scf.if %cond3A_4 {
      "tpu.region"() ({
        %run_scoped3A_67 = tpu.sem_alloc : memref<!tpu.dma_semaphore, #tpu.memory_space<semaphore_mem>>
        %dma_start3A_68 = arith.constant 0 : i32
        %dma_start3A_69 = tpu.memref_slice %arg12[%mul3A_2, %dma_start3A_68] : memref<10008x128xf32, #tpu.memory_space<vmem_shared>> -> memref<624x128xf32, #tpu.memory_space<vmem_shared>>
        %dma_start3A_70 = arith.constant 0 : i32
        %dma_start3A_71 = tpu.memref_slice %arg2[%mul3A_2, %dma_start3A_70] : memref<10000x128xf32, #tpu.memory_space<hbm>> -> memref<624x128xf32, #tpu.memory_space<hbm>>
        tpu.enqueue_dma source(%dma_start3A_71 : memref<624x128xf32, #tpu.memory_space<hbm>>) target(%dma_start3A_69 : memref<624x128xf32, #tpu.memory_space<vmem_shared>>) target_semaphore(%run_scoped3A_67 : memref<!tpu.dma_semaphore, #tpu.memory_space<semaphore_mem>>)
        %dma_wait3A_72 = arith.constant 0 : i32
        %dma_wait3A_73 = tpu.memref_slice %arg12[%mul3A_2, %dma_wait3A_72] : memref<10008x128xf32, #tpu.memory_space<vmem_shared>> -> memref<624x128xf32, #tpu.memory_space<vmem_shared>>
        %dma_wait3A_74 = arith.constant 0 : i32
        %dma_wait3A_75 = tpu.memref_slice %arg2[%mul3A_2, %dma_wait3A_74] : memref<10000x128xf32, #tpu.memory_space<hbm>> -> memref<624x128xf32, #tpu.memory_space<hbm>>
        tpu.wait_dma2 semaphore(%run_scoped3A_67 : memref<!tpu.dma_semaphore, #tpu.memory_space<semaphore_mem>>) src(%dma_wait3A_75 : memref<624x128xf32, #tpu.memory_space<hbm>>) dst(%dma_wait3A_73 : memref<624x128xf32, #tpu.memory_space<vmem_shared>>)
        tpu.yield
      }) : () -> ()
      %eq3A_62 = arith.constant 0 : i32
      %eq3A_63 = arith.cmpi eq, %arg1, %eq3A_62 : i32
      %convert_element_type3A_64 = arith.extui %eq3A_63 : i1 to i32
      %cond3A_65 = arith.constant 0 : i32
      %cond3A_66 = arith.cmpi ne, %convert_element_type3A_64, %cond3A_65 : i32
      scf.if %cond3A_66 {
        "tpu.region"() ({
          %run_scoped3A_67 = tpu.sem_alloc : memref<!tpu.dma_semaphore, #tpu.memory_space<semaphore_mem>>
          %dma_start3A_68 = arith.constant 9984 : i32
          %dma_start3A_69 = arith.constant 0 : i32
          %dma_start3A_70 = tpu.memref_slice %arg12[%dma_start3A_68, %dma_start3A_69] : memref<10008x128xf32, #tpu.memory_space<vmem_shared>> -> memref<16x128xf32, #tpu.memory_space<vmem_shared>>
          %dma_start3A_71 = arith.constant 9984 : i32
          %dma_start3A_72 = arith.constant 0 : i32
          %dma_start3A_73 = tpu.memref_slice %arg2[%dma_start3A_71, %dma_start3A_72] : memref<10000x128xf32, #tpu.memory_space<hbm>> -> memref<16x128xf32, #tpu.memory_space<hbm>>
          tpu.enqueue_dma source(%dma_start3A_73 : memref<16x128xf32, #tpu.memory_space<hbm>>) target(%dma_start3A_70 : memref<16x128xf32, #tpu.memory_space<vmem_shared>>) target_semaphore(%run_scoped3A_67 : memref<!tpu.dma_semaphore, #tpu.memory_space<semaphore_mem>>)
          %dma_wait3A_74 = arith.constant 9984 : i32
          %dma_wait3A_75 = arith.constant 0 : i32
          %dma_wait3A_76 = tpu.memref_slice %arg12[%dma_wait3A_74, %dma_wait3A_75] : memref<10008x128xf32, #tpu.memory_space<vmem_shared>> -> memref<16x128xf32, #tpu.memory_space<vmem_shared>>
          %dma_wait3A_77 = arith.constant 9984 : i32
          %dma_wait3A_78 = arith.constant 0 : i32
          %dma_wait3A_79 = tpu.memref_slice %arg2[%dma_wait3A_77, %dma_wait3A_78] : memref<10000x128xf32, #tpu.memory_space<hbm>> -> memref<16x128xf32, #tpu.memory_space<hbm>>
          tpu.wait_dma2 semaphore(%run_scoped3A_67 : memref<!tpu.dma_semaphore, #tpu.memory_space<semaphore_mem>>) src(%dma_wait3A_79 : memref<16x128xf32, #tpu.memory_space<hbm>>) dst(%dma_wait3A_76 : memref<16x128xf32, #tpu.memory_space<vmem_shared>>)
          tpu.yield
        }) : () -> ()
      } else {
      }
    } else {
    }
    %ne3A = arith.constant 0 : i32
    %ne3A_5 = arith.cmpi ne, %arg0, %ne3A : i32
    %convert_element_type3A_6 = arith.extui %ne3A_5 : i1 to i32
    %cond3A_7 = arith.constant 0 : i32
    %cond3A_8 = arith.cmpi ne, %convert_element_type3A_6, %cond3A_7 : i32
    scf.if %cond3A_8 {
      "tpu.region"() ({
        %run_scoped3A_67 = tpu.sem_alloc : memref<!tpu.dma_semaphore, #tpu.memory_space<semaphore_mem>>
        %dma_start3A_68 = arith.constant 0 : i32
        %dma_start3A_69 = tpu.memref_slice %arg12[%mul3A_2, %dma_start3A_68] : memref<10008x128xf32, #tpu.memory_space<vmem_shared>> -> memref<624x128xf32, #tpu.memory_space<vmem_shared>>
        %dma_start3A_70 = arith.constant 0 : i32
        %dma_start3A_71 = tpu.memref_slice %arg3[%mul3A_2, %dma_start3A_70] : memref<10000x128xf32, #tpu.memory_space<hbm>> -> memref<624x128xf32, #tpu.memory_space<hbm>>
        tpu.enqueue_dma source(%dma_start3A_71 : memref<624x128xf32, #tpu.memory_space<hbm>>) target(%dma_start3A_69 : memref<624x128xf32, #tpu.memory_space<vmem_shared>>) target_semaphore(%run_scoped3A_67 : memref<!tpu.dma_semaphore, #tpu.memory_space<semaphore_mem>>)
        %dma_wait3A_72 = arith.constant 0 : i32
        %dma_wait3A_73 = tpu.memref_slice %arg12[%mul3A_2, %dma_wait3A_72] : memref<10008x128xf32, #tpu.memory_space<vmem_shared>> -> memref<624x128xf32, #tpu.memory_space<vmem_shared>>
        %dma_wait3A_74 = arith.constant 0 : i32
        %dma_wait3A_75 = tpu.memref_slice %arg3[%mul3A_2, %dma_wait3A_74] : memref<10000x128xf32, #tpu.memory_space<hbm>> -> memref<624x128xf32, #tpu.memory_space<hbm>>
        tpu.wait_dma2 semaphore(%run_scoped3A_67 : memref<!tpu.dma_semaphore, #tpu.memory_space<semaphore_mem>>) src(%dma_wait3A_75 : memref<624x128xf32, #tpu.memory_space<hbm>>) dst(%dma_wait3A_73 : memref<624x128xf32, #tpu.memory_space<vmem_shared>>)
        tpu.yield
      }) : () -> ()
      %eq3A_62 = arith.constant 0 : i32
      %eq3A_63 = arith.cmpi eq, %arg1, %eq3A_62 : i32
      %convert_element_type3A_64 = arith.extui %eq3A_63 : i1 to i32
      %cond3A_65 = arith.constant 0 : i32
      %cond3A_66 = arith.cmpi ne, %convert_element_type3A_64, %cond3A_65 : i32
      scf.if %cond3A_66 {
        "tpu.region"() ({
          %run_scoped3A_67 = tpu.sem_alloc : memref<!tpu.dma_semaphore, #tpu.memory_space<semaphore_mem>>
          %dma_start3A_68 = arith.constant 9984 : i32
          %dma_start3A_69 = arith.constant 0 : i32
          %dma_start3A_70 = tpu.memref_slice %arg12[%dma_start3A_68, %dma_start3A_69] : memref<10008x128xf32, #tpu.memory_space<vmem_shared>> -> memref<16x128xf32, #tpu.memory_space<vmem_shared>>
          %dma_start3A_71 = arith.constant 9984 : i32
          %dma_start3A_72 = arith.constant 0 : i32
          %dma_start3A_73 = tpu.memref_slice %arg3[%dma_start3A_71, %dma_start3A_72] : memref<10000x128xf32, #tpu.memory_space<hbm>> -> memref<16x128xf32, #tpu.memory_space<hbm>>
          tpu.enqueue_dma source(%dma_start3A_73 : memref<16x128xf32, #tpu.memory_space<hbm>>) target(%dma_start3A_70 : memref<16x128xf32, #tpu.memory_space<vmem_shared>>) target_semaphore(%run_scoped3A_67 : memref<!tpu.dma_semaphore, #tpu.memory_space<semaphore_mem>>)
          %dma_wait3A_74 = arith.constant 9984 : i32
          %dma_wait3A_75 = arith.constant 0 : i32
          %dma_wait3A_76 = tpu.memref_slice %arg12[%dma_wait3A_74, %dma_wait3A_75] : memref<10008x128xf32, #tpu.memory_space<vmem_shared>> -> memref<16x128xf32, #tpu.memory_space<vmem_shared>>
          %dma_wait3A_77 = arith.constant 9984 : i32
          %dma_wait3A_78 = arith.constant 0 : i32
          %dma_wait3A_79 = tpu.memref_slice %arg3[%dma_wait3A_77, %dma_wait3A_78] : memref<10000x128xf32, #tpu.memory_space<hbm>> -> memref<16x128xf32, #tpu.memory_space<hbm>>
          tpu.wait_dma2 semaphore(%run_scoped3A_67 : memref<!tpu.dma_semaphore, #tpu.memory_space<semaphore_mem>>) src(%dma_wait3A_79 : memref<16x128xf32, #tpu.memory_space<hbm>>) dst(%dma_wait3A_76 : memref<16x128xf32, #tpu.memory_space<vmem_shared>>)
          tpu.yield
        }) : () -> ()
      } else {
      }
    } else {
    }
    "tpu.region"() ({
      %run_scoped3A_62 = tpu.sem_alloc : memref<!tpu.dma_semaphore, #tpu.memory_space<semaphore_mem>>
      %dma_start3A_63 = arith.constant 0 : i32
      %dma_start3A_64 = arith.constant 0 : i32
      %dma_start3A_65 = tpu.memref_slice %arg4[%add3A, %dma_start3A_63, %dma_start3A_64] : memref<32x81x64xi32, #tpu.memory_space<hbm>> -> memref<1x81x64xi32, #tpu.memory_space<hbm>>
      %dma_start3A_66 = tpu.memref_squeeze %dma_start3A_65 : memref<1x81x64xi32, #tpu.memory_space<hbm>> -> memref<81x64xi32, #tpu.memory_space<hbm>>
      %dma_start3A_67 = arith.constant 0 : i32
      %dma_start3A_68 = arith.constant 0 : i32
      %dma_start3A_69 = tpu.memref_slice %arg4[%add3A, %dma_start3A_67, %dma_start3A_68] : memref<32x81x64xi32, #tpu.memory_space<hbm>> -> memref<1x81x64xi32, #tpu.memory_space<hbm>>
      %dma_start3A_70 = tpu.memref_squeeze %dma_start3A_69 : memref<1x81x64xi32, #tpu.memory_space<hbm>> -> memref<81x64xi32, #tpu.memory_space<hbm>>
      tpu.enqueue_dma source(%dma_start3A_70 : memref<81x64xi32, #tpu.memory_space<hbm>>) target(%arg7 : memref<81x64xi32, #tpu.memory_space<vmem>>) target_semaphore(%run_scoped3A_62 : memref<!tpu.dma_semaphore, #tpu.memory_space<semaphore_mem>>)
      %dma_wait3A_71 = arith.constant 0 : i32
      %dma_wait3A_72 = arith.constant 0 : i32
      %dma_wait3A_73 = tpu.memref_slice %arg4[%add3A, %dma_wait3A_71, %dma_wait3A_72] : memref<32x81x64xi32, #tpu.memory_space<hbm>> -> memref<1x81x64xi32, #tpu.memory_space<hbm>>
      %dma_wait3A_74 = tpu.memref_squeeze %dma_wait3A_73 : memref<1x81x64xi32, #tpu.memory_space<hbm>> -> memref<81x64xi32, #tpu.memory_space<hbm>>
      %dma_wait3A_75 = arith.constant 0 : i32
      %dma_wait3A_76 = arith.constant 0 : i32
      %dma_wait3A_77 = tpu.memref_slice %arg4[%add3A, %dma_wait3A_75, %dma_wait3A_76] : memref<32x81x64xi32, #tpu.memory_space<hbm>> -> memref<1x81x64xi32, #tpu.memory_space<hbm>>
      %dma_wait3A_78 = tpu.memref_squeeze %dma_wait3A_77 : memref<1x81x64xi32, #tpu.memory_space<hbm>> -> memref<81x64xi32, #tpu.memory_space<hbm>>
      tpu.wait_dma2 semaphore(%run_scoped3A_62 : memref<!tpu.dma_semaphore, #tpu.memory_space<semaphore_mem>>) src(%dma_wait3A_78 : memref<81x64xi32, #tpu.memory_space<hbm>>) dst(%arg7 : memref<81x64xi32, #tpu.memory_space<vmem>>)
      tpu.yield
    }) : () -> ()
    "tpu.region"() ({
      %run_scoped3A_62 = tpu.sem_alloc : memref<!tpu.dma_semaphore, #tpu.memory_space<semaphore_mem>>
      %dma_start3A_63 = arith.constant 0 : i32
      %dma_start3A_64 = arith.constant 0 : i32
      %dma_start3A_65 = tpu.memref_slice %arg5[%add3A, %dma_start3A_63, %dma_start3A_64] : memref<32x81x64xi32, #tpu.memory_space<hbm>> -> memref<1x81x64xi32, #tpu.memory_space<hbm>>
      %dma_start3A_66 = tpu.memref_squeeze %dma_start3A_65 : memref<1x81x64xi32, #tpu.memory_space<hbm>> -> memref<81x64xi32, #tpu.memory_space<hbm>>
      %dma_start3A_67 = arith.constant 0 : i32
      %dma_start3A_68 = arith.constant 0 : i32
      %dma_start3A_69 = tpu.memref_slice %arg5[%add3A, %dma_start3A_67, %dma_start3A_68] : memref<32x81x64xi32, #tpu.memory_space<hbm>> -> memref<1x81x64xi32, #tpu.memory_space<hbm>>
      %dma_start3A_70 = tpu.memref_squeeze %dma_start3A_69 : memref<1x81x64xi32, #tpu.memory_space<hbm>> -> memref<81x64xi32, #tpu.memory_space<hbm>>
      tpu.enqueue_dma source(%dma_start3A_70 : memref<81x64xi32, #tpu.memory_space<hbm>>) target(%arg8 : memref<81x64xi32, #tpu.memory_space<vmem>>) target_semaphore(%run_scoped3A_62 : memref<!tpu.dma_semaphore, #tpu.memory_space<semaphore_mem>>)
      %dma_wait3A_71 = arith.constant 0 : i32
      %dma_wait3A_72 = arith.constant 0 : i32
      %dma_wait3A_73 = tpu.memref_slice %arg5[%add3A, %dma_wait3A_71, %dma_wait3A_72] : memref<32x81x64xi32, #tpu.memory_space<hbm>> -> memref<1x81x64xi32, #tpu.memory_space<hbm>>
      %dma_wait3A_74 = tpu.memref_squeeze %dma_wait3A_73 : memref<1x81x64xi32, #tpu.memory_space<hbm>> -> memref<81x64xi32, #tpu.memory_space<hbm>>
      %dma_wait3A_75 = arith.constant 0 : i32
      %dma_wait3A_76 = arith.constant 0 : i32
      %dma_wait3A_77 = tpu.memref_slice %arg5[%add3A, %dma_wait3A_75, %dma_wait3A_76] : memref<32x81x64xi32, #tpu.memory_space<hbm>> -> memref<1x81x64xi32, #tpu.memory_space<hbm>>
      %dma_wait3A_78 = tpu.memref_squeeze %dma_wait3A_77 : memref<1x81x64xi32, #tpu.memory_space<hbm>> -> memref<81x64xi32, #tpu.memory_space<hbm>>
      tpu.wait_dma2 semaphore(%run_scoped3A_62 : memref<!tpu.dma_semaphore, #tpu.memory_space<semaphore_mem>>) src(%dma_wait3A_78 : memref<81x64xi32, #tpu.memory_space<hbm>>) dst(%arg8 : memref<81x64xi32, #tpu.memory_space<vmem>>)
      tpu.yield
    }) : () -> ()
    %barrier3A = arith.constant 0 : index
    tpu.barrier barrier_id(%barrier3A)
    %dma_start3A = arith.constant 0 : i32
    %dma_start3A_9 = arith.constant 0 : i32
    %dma_start3A_10 = tpu.memref_slice %arg7[%dma_start3A, %dma_start3A_9] : memref<81x64xi32, #tpu.memory_space<vmem>> -> memref<1x64xi32, #tpu.memory_space<vmem>>
    %dma_start3A_11 = tpu.memref_squeeze %dma_start3A_10 : memref<1x64xi32, #tpu.memory_space<vmem>> -> memref<64xi32, #tpu.memory_space<vmem>>
    %dma_start3A_12 = arith.constant 0 : i32
    %dma_start3A_13 = arith.constant 0 : i32
    %dma_start3A_14 = tpu.memref_slice %arg2[%dma_start3A_12, %dma_start3A_13] : memref<10000x128xf32, #tpu.memory_space<hbm>> -> memref<10000x128xf32, #tpu.memory_space<hbm>>
    tpu.enqueue_indirect_dma source(%dma_start3A_14 : memref<10000x128xf32, #tpu.memory_space<hbm>>) target(%arg9 : memref<64x128xf32, #tpu.memory_space<vmem>>) offsets(%dma_start3A_11 : memref<64xi32, #tpu.memory_space<vmem>>) semaphore(%arg13 : memref<!tpu.dma_semaphore, #tpu.memory_space<semaphore_mem>>)
    %dma_start3A_15 = arith.constant 1 : i32
    %dma_start3A_16 = arith.constant 0 : i32
    %dma_start3A_17 = tpu.memref_slice %arg7[%dma_start3A_15, %dma_start3A_16] : memref<81x64xi32, #tpu.memory_space<vmem>> -> memref<1x64xi32, #tpu.memory_space<vmem>>
    %dma_start3A_18 = tpu.memref_squeeze %dma_start3A_17 : memref<1x64xi32, #tpu.memory_space<vmem>> -> memref<64xi32, #tpu.memory_space<vmem>>
    %dma_start3A_19 = arith.constant 0 : i32
    %dma_start3A_20 = arith.constant 0 : i32
    %dma_start3A_21 = tpu.memref_slice %arg2[%dma_start3A_19, %dma_start3A_20] : memref<10000x128xf32, #tpu.memory_space<hbm>> -> memref<10000x128xf32, #tpu.memory_space<hbm>>
    tpu.enqueue_indirect_dma source(%dma_start3A_21 : memref<10000x128xf32, #tpu.memory_space<hbm>>) target(%arg10 : memref<64x128xf32, #tpu.memory_space<vmem>>) offsets(%dma_start3A_18 : memref<64xi32, #tpu.memory_space<vmem>>) semaphore(%arg14 : memref<!tpu.dma_semaphore, #tpu.memory_space<semaphore_mem>>)
    %dma_start3A_22 = arith.constant 2 : i32
    %dma_start3A_23 = arith.constant 0 : i32
    %dma_start3A_24 = tpu.memref_slice %arg7[%dma_start3A_22, %dma_start3A_23] : memref<81x64xi32, #tpu.memory_space<vmem>> -> memref<1x64xi32, #tpu.memory_space<vmem>>
    %dma_start3A_25 = tpu.memref_squeeze %dma_start3A_24 : memref<1x64xi32, #tpu.memory_space<vmem>> -> memref<64xi32, #tpu.memory_space<vmem>>
    %dma_start3A_26 = arith.constant 0 : i32
    %dma_start3A_27 = arith.constant 0 : i32
    %dma_start3A_28 = tpu.memref_slice %arg2[%dma_start3A_26, %dma_start3A_27] : memref<10000x128xf32, #tpu.memory_space<hbm>> -> memref<10000x128xf32, #tpu.memory_space<hbm>>
    tpu.enqueue_indirect_dma source(%dma_start3A_28 : memref<10000x128xf32, #tpu.memory_space<hbm>>) target(%arg11 : memref<64x128xf32, #tpu.memory_space<vmem>>) offsets(%dma_start3A_25 : memref<64xi32, #tpu.memory_space<vmem>>) semaphore(%arg15 : memref<!tpu.dma_semaphore, #tpu.memory_space<semaphore_mem>>)
    %scan3A = arith.constant 0 : i32
    %scan3A_29 = arith.constant 0 : i32
    %scan3A_30 = arith.constant 26 : i32
    %scan3A_31 = arith.addi %scan3A_29, %scan3A_30 : i32
    %scan3A_32 = arith.constant 1 : i32
    scf.for %scan3A_62 = %scan3A_29 to %scan3A_31 step %scan3A_32  : i32 {
      %mul3A_63 = arith.constant 3 : i32
      %mul3A_64 = arith.muli %mul3A_63, %scan3A_62 : i32
      %add3A_65 = arith.constant 0 : i32
      %add3A_66 = arith.addi %mul3A_64, %add3A_65 : i32
      %dma_wait3A_67 = arith.constant 0 : i32
      %dma_wait3A_68 = tpu.memref_slice %arg7[%add3A_66, %dma_wait3A_67] : memref<81x64xi32, #tpu.memory_space<vmem>> -> memref<1x64xi32, #tpu.memory_space<vmem>>
      %dma_wait3A_69 = tpu.memref_squeeze %dma_wait3A_68 : memref<1x64xi32, #tpu.memory_space<vmem>> -> memref<64xi32, #tpu.memory_space<vmem>>
      %dma_wait3A_70 = arith.constant 0 : i32
      %dma_wait3A_71 = arith.constant 0 : i32
      %dma_wait3A_72 = tpu.memref_slice %arg2[%dma_wait3A_70, %dma_wait3A_71] : memref<10000x128xf32, #tpu.memory_space<hbm>> -> memref<10000x128xf32, #tpu.memory_space<hbm>>
      tpu.wait_indirect_dma semaphore(%arg13 : memref<!tpu.dma_semaphore, #tpu.memory_space<semaphore_mem>>) src(%dma_wait3A_72 : memref<10000x128xf32, #tpu.memory_space<hbm>>) dst(%arg9 : memref<64x128xf32, #tpu.memory_space<vmem>>)
      "tpu.region"() ({
        %run_scoped3A_117 = tpu.sem_alloc : memref<!tpu.dma_semaphore, #tpu.memory_space<semaphore_mem>>
        %dma_start3A_118 = arith.constant 0 : i32
        %dma_start3A_119 = tpu.memref_slice %arg8[%add3A_66, %dma_start3A_118] : memref<81x64xi32, #tpu.memory_space<vmem>> -> memref<1x64xi32, #tpu.memory_space<vmem>>
        %dma_start3A_120 = tpu.memref_squeeze %dma_start3A_119 : memref<1x64xi32, #tpu.memory_space<vmem>> -> memref<64xi32, #tpu.memory_space<vmem>>
        %dma_start3A_121 = arith.constant 0 : i32
        %dma_start3A_122 = arith.constant 0 : i32
        %dma_start3A_123 = tpu.memref_slice %arg12[%dma_start3A_121, %dma_start3A_122] : memref<10008x128xf32, #tpu.memory_space<vmem_shared>> -> memref<10008x128xf32, #tpu.memory_space<vmem_shared>>
        tpu.enqueue_indirect_dma source(%arg9 : memref<64x128xf32, #tpu.memory_space<vmem>>) target(%dma_start3A_123 : memref<10008x128xf32, #tpu.memory_space<vmem_shared>>) offsets(%dma_start3A_120 : memref<64xi32, #tpu.memory_space<vmem>>) semaphore(%run_scoped3A_117 : memref<!tpu.dma_semaphore, #tpu.memory_space<semaphore_mem>>) {add = true}
        %dma_wait3A_124 = arith.constant 0 : i32
        %dma_wait3A_125 = tpu.memref_slice %arg8[%add3A_66, %dma_wait3A_124] : memref<81x64xi32, #tpu.memory_space<vmem>> -> memref<1x64xi32, #tpu.memory_space<vmem>>
        %dma_wait3A_126 = tpu.memref_squeeze %dma_wait3A_125 : memref<1x64xi32, #tpu.memory_space<vmem>> -> memref<64xi32, #tpu.memory_space<vmem>>
        %dma_wait3A_127 = arith.constant 0 : i32
        %dma_wait3A_128 = arith.constant 0 : i32
        %dma_wait3A_129 = tpu.memref_slice %arg12[%dma_wait3A_127, %dma_wait3A_128] : memref<10008x128xf32, #tpu.memory_space<vmem_shared>> -> memref<10008x128xf32, #tpu.memory_space<vmem_shared>>
        tpu.wait_indirect_dma semaphore(%run_scoped3A_117 : memref<!tpu.dma_semaphore, #tpu.memory_space<semaphore_mem>>) src(%arg9 : memref<64x128xf32, #tpu.memory_space<vmem>>) dst(%dma_wait3A_129 : memref<10008x128xf32, #tpu.memory_space<vmem_shared>>)
        tpu.yield
      }) : () -> ()
      %add3A_73 = arith.constant 3 : i32
      %add3A_74 = arith.addi %add3A_66, %add3A_73 : i32
      %dma_start3A_75 = arith.constant 0 : i32
      %dma_start3A_76 = tpu.memref_slice %arg7[%add3A_74, %dma_start3A_75] : memref<81x64xi32, #tpu.memory_space<vmem>> -> memref<1x64xi32, #tpu.memory_space<vmem>>
      %dma_start3A_77 = tpu.memref_squeeze %dma_start3A_76 : memref<1x64xi32, #tpu.memory_space<vmem>> -> memref<64xi32, #tpu.memory_space<vmem>>
      %dma_start3A_78 = arith.constant 0 : i32
      %dma_start3A_79 = arith.constant 0 : i32
      %dma_start3A_80 = tpu.memref_slice %arg2[%dma_start3A_78, %dma_start3A_79] : memref<10000x128xf32, #tpu.memory_space<hbm>> -> memref<10000x128xf32, #tpu.memory_space<hbm>>
      tpu.enqueue_indirect_dma source(%dma_start3A_80 : memref<10000x128xf32, #tpu.memory_space<hbm>>) target(%arg9 : memref<64x128xf32, #tpu.memory_space<vmem>>) offsets(%dma_start3A_77 : memref<64xi32, #tpu.memory_space<vmem>>) semaphore(%arg13 : memref<!tpu.dma_semaphore, #tpu.memory_space<semaphore_mem>>)
      %mul3A_81 = arith.constant 3 : i32
      %mul3A_82 = arith.muli %mul3A_81, %scan3A_62 : i32
      %add3A_83 = arith.constant 1 : i32
      %add3A_84 = arith.addi %mul3A_82, %add3A_83 : i32
      %dma_wait3A_85 = arith.constant 0 : i32
      %dma_wait3A_86 = tpu.memref_slice %arg7[%add3A_84, %dma_wait3A_85] : memref<81x64xi32, #tpu.memory_space<vmem>> -> memref<1x64xi32, #tpu.memory_space<vmem>>
      %dma_wait3A_87 = tpu.memref_squeeze %dma_wait3A_86 : memref<1x64xi32, #tpu.memory_space<vmem>> -> memref<64xi32, #tpu.memory_space<vmem>>
      %dma_wait3A_88 = arith.constant 0 : i32
      %dma_wait3A_89 = arith.constant 0 : i32
      %dma_wait3A_90 = tpu.memref_slice %arg2[%dma_wait3A_88, %dma_wait3A_89] : memref<10000x128xf32, #tpu.memory_space<hbm>> -> memref<10000x128xf32, #tpu.memory_space<hbm>>
      tpu.wait_indirect_dma semaphore(%arg14 : memref<!tpu.dma_semaphore, #tpu.memory_space<semaphore_mem>>) src(%dma_wait3A_90 : memref<10000x128xf32, #tpu.memory_space<hbm>>) dst(%arg10 : memref<64x128xf32, #tpu.memory_space<vmem>>)
      "tpu.region"() ({
        %run_scoped3A_117 = tpu.sem_alloc : memref<!tpu.dma_semaphore, #tpu.memory_space<semaphore_mem>>
        %dma_start3A_118 = arith.constant 0 : i32
        %dma_start3A_119 = tpu.memref_slice %arg8[%add3A_84, %dma_start3A_118] : memref<81x64xi32, #tpu.memory_space<vmem>> -> memref<1x64xi32, #tpu.memory_space<vmem>>
        %dma_start3A_120 = tpu.memref_squeeze %dma_start3A_119 : memref<1x64xi32, #tpu.memory_space<vmem>> -> memref<64xi32, #tpu.memory_space<vmem>>
        %dma_start3A_121 = arith.constant 0 : i32
        %dma_start3A_122 = arith.constant 0 : i32
        %dma_start3A_123 = tpu.memref_slice %arg12[%dma_start3A_121, %dma_start3A_122] : memref<10008x128xf32, #tpu.memory_space<vmem_shared>> -> memref<10008x128xf32, #tpu.memory_space<vmem_shared>>
        tpu.enqueue_indirect_dma source(%arg10 : memref<64x128xf32, #tpu.memory_space<vmem>>) target(%dma_start3A_123 : memref<10008x128xf32, #tpu.memory_space<vmem_shared>>) offsets(%dma_start3A_120 : memref<64xi32, #tpu.memory_space<vmem>>) semaphore(%run_scoped3A_117 : memref<!tpu.dma_semaphore, #tpu.memory_space<semaphore_mem>>) {add = true}
        %dma_wait3A_124 = arith.constant 0 : i32
        %dma_wait3A_125 = tpu.memref_slice %arg8[%add3A_84, %dma_wait3A_124] : memref<81x64xi32, #tpu.memory_space<vmem>> -> memref<1x64xi32, #tpu.memory_space<vmem>>
        %dma_wait3A_126 = tpu.memref_squeeze %dma_wait3A_125 : memref<1x64xi32, #tpu.memory_space<vmem>> -> memref<64xi32, #tpu.memory_space<vmem>>
        %dma_wait3A_127 = arith.constant 0 : i32
        %dma_wait3A_128 = arith.constant 0 : i32
        %dma_wait3A_129 = tpu.memref_slice %arg12[%dma_wait3A_127, %dma_wait3A_128] : memref<10008x128xf32, #tpu.memory_space<vmem_shared>> -> memref<10008x128xf32, #tpu.memory_space<vmem_shared>>
        tpu.wait_indirect_dma semaphore(%run_scoped3A_117 : memref<!tpu.dma_semaphore, #tpu.memory_space<semaphore_mem>>) src(%arg10 : memref<64x128xf32, #tpu.memory_space<vmem>>) dst(%dma_wait3A_129 : memref<10008x128xf32, #tpu.memory_space<vmem_shared>>)
        tpu.yield
      }) : () -> ()
      %add3A_91 = arith.constant 3 : i32
      %add3A_92 = arith.addi %add3A_84, %add3A_91 : i32
      %dma_start3A_93 = arith.constant 0 : i32
      %dma_start3A_94 = tpu.memref_slice %arg7[%add3A_92, %dma_start3A_93] : memref<81x64xi32, #tpu.memory_space<vmem>> -> memref<1x64xi32, #tpu.memory_space<vmem>>
      %dma_start3A_95 = tpu.memref_squeeze %dma_start3A_94 : memref<1x64xi32, #tpu.memory_space<vmem>> -> memref<64xi32, #tpu.memory_space<vmem>>
      %dma_start3A_96 = arith.constant 0 : i32
      %dma_start3A_97 = arith.constant 0 : i32
      %dma_start3A_98 = tpu.memref_slice %arg2[%dma_start3A_96, %dma_start3A_97] : memref<10000x128xf32, #tpu.memory_space<hbm>> -> memref<10000x128xf32, #tpu.memory_space<hbm>>
      tpu.enqueue_indirect_dma source(%dma_start3A_98 : memref<10000x128xf32, #tpu.memory_space<hbm>>) target(%arg10 : memref<64x128xf32, #tpu.memory_space<vmem>>) offsets(%dma_start3A_95 : memref<64xi32, #tpu.memory_space<vmem>>) semaphore(%arg14 : memref<!tpu.dma_semaphore, #tpu.memory_space<semaphore_mem>>)
      %mul3A_99 = arith.constant 3 : i32
      %mul3A_100 = arith.muli %mul3A_99, %scan3A_62 : i32
      %add3A_101 = arith.constant 2 : i32
      %add3A_102 = arith.addi %mul3A_100, %add3A_101 : i32
      %dma_wait3A_103 = arith.constant 0 : i32
      %dma_wait3A_104 = tpu.memref_slice %arg7[%add3A_102, %dma_wait3A_103] : memref<81x64xi32, #tpu.memory_space<vmem>> -> memref<1x64xi32, #tpu.memory_space<vmem>>
      %dma_wait3A_105 = tpu.memref_squeeze %dma_wait3A_104 : memref<1x64xi32, #tpu.memory_space<vmem>> -> memref<64xi32, #tpu.memory_space<vmem>>
      %dma_wait3A_106 = arith.constant 0 : i32
      %dma_wait3A_107 = arith.constant 0 : i32
      %dma_wait3A_108 = tpu.memref_slice %arg2[%dma_wait3A_106, %dma_wait3A_107] : memref<10000x128xf32, #tpu.memory_space<hbm>> -> memref<10000x128xf32, #tpu.memory_space<hbm>>
      tpu.wait_indirect_dma semaphore(%arg15 : memref<!tpu.dma_semaphore, #tpu.memory_space<semaphore_mem>>) src(%dma_wait3A_108 : memref<10000x128xf32, #tpu.memory_space<hbm>>) dst(%arg11 : memref<64x128xf32, #tpu.memory_space<vmem>>)
      "tpu.region"() ({
        %run_scoped3A_117 = tpu.sem_alloc : memref<!tpu.dma_semaphore, #tpu.memory_space<semaphore_mem>>
        %dma_start3A_118 = arith.constant 0 : i32
        %dma_start3A_119 = tpu.memref_slice %arg8[%add3A_102, %dma_start3A_118] : memref<81x64xi32, #tpu.memory_space<vmem>> -> memref<1x64xi32, #tpu.memory_space<vmem>>
        %dma_start3A_120 = tpu.memref_squeeze %dma_start3A_119 : memref<1x64xi32, #tpu.memory_space<vmem>> -> memref<64xi32, #tpu.memory_space<vmem>>
        %dma_start3A_121 = arith.constant 0 : i32
        %dma_start3A_122 = arith.constant 0 : i32
        %dma_start3A_123 = tpu.memref_slice %arg12[%dma_start3A_121, %dma_start3A_122] : memref<10008x128xf32, #tpu.memory_space<vmem_shared>> -> memref<10008x128xf32, #tpu.memory_space<vmem_shared>>
        tpu.enqueue_indirect_dma source(%arg11 : memref<64x128xf32, #tpu.memory_space<vmem>>) target(%dma_start3A_123 : memref<10008x128xf32, #tpu.memory_space<vmem_shared>>) offsets(%dma_start3A_120 : memref<64xi32, #tpu.memory_space<vmem>>) semaphore(%run_scoped3A_117 : memref<!tpu.dma_semaphore, #tpu.memory_space<semaphore_mem>>) {add = true}
        %dma_wait3A_124 = arith.constant 0 : i32
        %dma_wait3A_125 = tpu.memref_slice %arg8[%add3A_102, %dma_wait3A_124] : memref<81x64xi32, #tpu.memory_space<vmem>> -> memref<1x64xi32, #tpu.memory_space<vmem>>
        %dma_wait3A_126 = tpu.memref_squeeze %dma_wait3A_125 : memref<1x64xi32, #tpu.memory_space<vmem>> -> memref<64xi32, #tpu.memory_space<vmem>>
        %dma_wait3A_127 = arith.constant 0 : i32
        %dma_wait3A_128 = arith.constant 0 : i32
        %dma_wait3A_129 = tpu.memref_slice %arg12[%dma_wait3A_127, %dma_wait3A_128] : memref<10008x128xf32, #tpu.memory_space<vmem_shared>> -> memref<10008x128xf32, #tpu.memory_space<vmem_shared>>
        tpu.wait_indirect_dma semaphore(%run_scoped3A_117 : memref<!tpu.dma_semaphore, #tpu.memory_space<semaphore_mem>>) src(%arg11 : memref<64x128xf32, #tpu.memory_space<vmem>>) dst(%dma_wait3A_129 : memref<10008x128xf32, #tpu.memory_space<vmem_shared>>)
        tpu.yield
      }) : () -> ()
      %add3A_109 = arith.constant 3 : i32
      %add3A_110 = arith.addi %add3A_102, %add3A_109 : i32
      %dma_start3A_111 = arith.constant 0 : i32
      %dma_start3A_112 = tpu.memref_slice %arg7[%add3A_110, %dma_start3A_111] : memref<81x64xi32, #tpu.memory_space<vmem>> -> memref<1x64xi32, #tpu.memory_space<vmem>>
      %dma_start3A_113 = tpu.memref_squeeze %dma_start3A_112 : memref<1x64xi32, #tpu.memory_space<vmem>> -> memref<64xi32, #tpu.memory_space<vmem>>
      %dma_start3A_114 = arith.constant 0 : i32
      %dma_start3A_115 = arith.constant 0 : i32
      %dma_start3A_116 = tpu.memref_slice %arg2[%dma_start3A_114, %dma_start3A_115] : memref<10000x128xf32, #tpu.memory_space<hbm>> -> memref<10000x128xf32, #tpu.memory_space<hbm>>
      tpu.enqueue_indirect_dma source(%dma_start3A_116 : memref<10000x128xf32, #tpu.memory_space<hbm>>) target(%arg11 : memref<64x128xf32, #tpu.memory_space<vmem>>) offsets(%dma_start3A_113 : memref<64xi32, #tpu.memory_space<vmem>>) semaphore(%arg15 : memref<!tpu.dma_semaphore, #tpu.memory_space<semaphore_mem>>)
    }
    %scan3A_33 = arith.constant 26 : i32
    %dma_wait3A = arith.constant 78 : i32
    %dma_wait3A_34 = arith.constant 0 : i32
    %dma_wait3A_35 = tpu.memref_slice %arg7[%dma_wait3A, %dma_wait3A_34] : memref<81x64xi32, #tpu.memory_space<vmem>> -> memref<1x64xi32, #tpu.memory_space<vmem>>
    %dma_wait3A_36 = tpu.memref_squeeze %dma_wait3A_35 : memref<1x64xi32, #tpu.memory_space<vmem>> -> memref<64xi32, #tpu.memory_space<vmem>>
    %dma_wait3A_37 = arith.constant 0 : i32
    %dma_wait3A_38 = arith.constant 0 : i32
    %dma_wait3A_39 = tpu.memref_slice %arg2[%dma_wait3A_37, %dma_wait3A_38] : memref<10000x128xf32, #tpu.memory_space<hbm>> -> memref<10000x128xf32, #tpu.memory_space<hbm>>
    tpu.wait_indirect_dma semaphore(%arg13 : memref<!tpu.dma_semaphore, #tpu.memory_space<semaphore_mem>>) src(%dma_wait3A_39 : memref<10000x128xf32, #tpu.memory_space<hbm>>) dst(%arg9 : memref<64x128xf32, #tpu.memory_space<vmem>>)
    %run_scoped3A = arith.constant 78 : i32
    "tpu.region"() ({
      %run_scoped3A_62 = tpu.sem_alloc : memref<!tpu.dma_semaphore, #tpu.memory_space<semaphore_mem>>
      %dma_start3A_63 = arith.constant 0 : i32
      %dma_start3A_64 = tpu.memref_slice %arg8[%run_scoped3A, %dma_start3A_63] : memref<81x64xi32, #tpu.memory_space<vmem>> -> memref<1x64xi32, #tpu.memory_space<vmem>>
      %dma_start3A_65 = tpu.memref_squeeze %dma_start3A_64 : memref<1x64xi32, #tpu.memory_space<vmem>> -> memref<64xi32, #tpu.memory_space<vmem>>
      %dma_start3A_66 = arith.constant 0 : i32
      %dma_start3A_67 = arith.constant 0 : i32
      %dma_start3A_68 = tpu.memref_slice %arg12[%dma_start3A_66, %dma_start3A_67] : memref<10008x128xf32, #tpu.memory_space<vmem_shared>> -> memref<10008x128xf32, #tpu.memory_space<vmem_shared>>
      tpu.enqueue_indirect_dma source(%arg9 : memref<64x128xf32, #tpu.memory_space<vmem>>) target(%dma_start3A_68 : memref<10008x128xf32, #tpu.memory_space<vmem_shared>>) offsets(%dma_start3A_65 : memref<64xi32, #tpu.memory_space<vmem>>) semaphore(%run_scoped3A_62 : memref<!tpu.dma_semaphore, #tpu.memory_space<semaphore_mem>>) {add = true}
      %dma_wait3A_69 = arith.constant 0 : i32
      %dma_wait3A_70 = tpu.memref_slice %arg8[%run_scoped3A, %dma_wait3A_69] : memref<81x64xi32, #tpu.memory_space<vmem>> -> memref<1x64xi32, #tpu.memory_space<vmem>>
      %dma_wait3A_71 = tpu.memref_squeeze %dma_wait3A_70 : memref<1x64xi32, #tpu.memory_space<vmem>> -> memref<64xi32, #tpu.memory_space<vmem>>
      %dma_wait3A_72 = arith.constant 0 : i32
      %dma_wait3A_73 = arith.constant 0 : i32
      %dma_wait3A_74 = tpu.memref_slice %arg12[%dma_wait3A_72, %dma_wait3A_73] : memref<10008x128xf32, #tpu.memory_space<vmem_shared>> -> memref<10008x128xf32, #tpu.memory_space<vmem_shared>>
      tpu.wait_indirect_dma semaphore(%run_scoped3A_62 : memref<!tpu.dma_semaphore, #tpu.memory_space<semaphore_mem>>) src(%arg9 : memref<64x128xf32, #tpu.memory_space<vmem>>) dst(%dma_wait3A_74 : memref<10008x128xf32, #tpu.memory_space<vmem_shared>>)
      tpu.yield
    }) : () -> ()
    %dma_wait3A_40 = arith.constant 79 : i32
    %dma_wait3A_41 = arith.constant 0 : i32
    %dma_wait3A_42 = tpu.memref_slice %arg7[%dma_wait3A_40, %dma_wait3A_41] : memref<81x64xi32, #tpu.memory_space<vmem>> -> memref<1x64xi32, #tpu.memory_space<vmem>>
    %dma_wait3A_43 = tpu.memref_squeeze %dma_wait3A_42 : memref<1x64xi32, #tpu.memory_space<vmem>> -> memref<64xi32, #tpu.memory_space<vmem>>
    %dma_wait3A_44 = arith.constant 0 : i32
    %dma_wait3A_45 = arith.constant 0 : i32
    %dma_wait3A_46 = tpu.memref_slice %arg2[%dma_wait3A_44, %dma_wait3A_45] : memref<10000x128xf32, #tpu.memory_space<hbm>> -> memref<10000x128xf32, #tpu.memory_space<hbm>>
    tpu.wait_indirect_dma semaphore(%arg14 : memref<!tpu.dma_semaphore, #tpu.memory_space<semaphore_mem>>) src(%dma_wait3A_46 : memref<10000x128xf32, #tpu.memory_space<hbm>>) dst(%arg10 : memref<64x128xf32, #tpu.memory_space<vmem>>)
    %run_scoped3A_47 = arith.constant 79 : i32
    "tpu.region"() ({
      %run_scoped3A_62 = tpu.sem_alloc : memref<!tpu.dma_semaphore, #tpu.memory_space<semaphore_mem>>
      %dma_start3A_63 = arith.constant 0 : i32
      %dma_start3A_64 = tpu.memref_slice %arg8[%run_scoped3A_47, %dma_start3A_63] : memref<81x64xi32, #tpu.memory_space<vmem>> -> memref<1x64xi32, #tpu.memory_space<vmem>>
      %dma_start3A_65 = tpu.memref_squeeze %dma_start3A_64 : memref<1x64xi32, #tpu.memory_space<vmem>> -> memref<64xi32, #tpu.memory_space<vmem>>
      %dma_start3A_66 = arith.constant 0 : i32
      %dma_start3A_67 = arith.constant 0 : i32
      %dma_start3A_68 = tpu.memref_slice %arg12[%dma_start3A_66, %dma_start3A_67] : memref<10008x128xf32, #tpu.memory_space<vmem_shared>> -> memref<10008x128xf32, #tpu.memory_space<vmem_shared>>
      tpu.enqueue_indirect_dma source(%arg10 : memref<64x128xf32, #tpu.memory_space<vmem>>) target(%dma_start3A_68 : memref<10008x128xf32, #tpu.memory_space<vmem_shared>>) offsets(%dma_start3A_65 : memref<64xi32, #tpu.memory_space<vmem>>) semaphore(%run_scoped3A_62 : memref<!tpu.dma_semaphore, #tpu.memory_space<semaphore_mem>>) {add = true}
      %dma_wait3A_69 = arith.constant 0 : i32
      %dma_wait3A_70 = tpu.memref_slice %arg8[%run_scoped3A_47, %dma_wait3A_69] : memref<81x64xi32, #tpu.memory_space<vmem>> -> memref<1x64xi32, #tpu.memory_space<vmem>>
      %dma_wait3A_71 = tpu.memref_squeeze %dma_wait3A_70 : memref<1x64xi32, #tpu.memory_space<vmem>> -> memref<64xi32, #tpu.memory_space<vmem>>
      %dma_wait3A_72 = arith.constant 0 : i32
      %dma_wait3A_73 = arith.constant 0 : i32
      %dma_wait3A_74 = tpu.memref_slice %arg12[%dma_wait3A_72, %dma_wait3A_73] : memref<10008x128xf32, #tpu.memory_space<vmem_shared>> -> memref<10008x128xf32, #tpu.memory_space<vmem_shared>>
      tpu.wait_indirect_dma semaphore(%run_scoped3A_62 : memref<!tpu.dma_semaphore, #tpu.memory_space<semaphore_mem>>) src(%arg10 : memref<64x128xf32, #tpu.memory_space<vmem>>) dst(%dma_wait3A_74 : memref<10008x128xf32, #tpu.memory_space<vmem_shared>>)
      tpu.yield
    }) : () -> ()
    %dma_wait3A_48 = arith.constant 80 : i32
    %dma_wait3A_49 = arith.constant 0 : i32
    %dma_wait3A_50 = tpu.memref_slice %arg7[%dma_wait3A_48, %dma_wait3A_49] : memref<81x64xi32, #tpu.memory_space<vmem>> -> memref<1x64xi32, #tpu.memory_space<vmem>>
    %dma_wait3A_51 = tpu.memref_squeeze %dma_wait3A_50 : memref<1x64xi32, #tpu.memory_space<vmem>> -> memref<64xi32, #tpu.memory_space<vmem>>
    %dma_wait3A_52 = arith.constant 0 : i32
    %dma_wait3A_53 = arith.constant 0 : i32
    %dma_wait3A_54 = tpu.memref_slice %arg2[%dma_wait3A_52, %dma_wait3A_53] : memref<10000x128xf32, #tpu.memory_space<hbm>> -> memref<10000x128xf32, #tpu.memory_space<hbm>>
    tpu.wait_indirect_dma semaphore(%arg15 : memref<!tpu.dma_semaphore, #tpu.memory_space<semaphore_mem>>) src(%dma_wait3A_54 : memref<10000x128xf32, #tpu.memory_space<hbm>>) dst(%arg11 : memref<64x128xf32, #tpu.memory_space<vmem>>)
    %run_scoped3A_55 = arith.constant 80 : i32
    "tpu.region"() ({
      %run_scoped3A_62 = tpu.sem_alloc : memref<!tpu.dma_semaphore, #tpu.memory_space<semaphore_mem>>
      %dma_start3A_63 = arith.constant 0 : i32
      %dma_start3A_64 = tpu.memref_slice %arg8[%run_scoped3A_55, %dma_start3A_63] : memref<81x64xi32, #tpu.memory_space<vmem>> -> memref<1x64xi32, #tpu.memory_space<vmem>>
      %dma_start3A_65 = tpu.memref_squeeze %dma_start3A_64 : memref<1x64xi32, #tpu.memory_space<vmem>> -> memref<64xi32, #tpu.memory_space<vmem>>
      %dma_start3A_66 = arith.constant 0 : i32
      %dma_start3A_67 = arith.constant 0 : i32
      %dma_start3A_68 = tpu.memref_slice %arg12[%dma_start3A_66, %dma_start3A_67] : memref<10008x128xf32, #tpu.memory_space<vmem_shared>> -> memref<10008x128xf32, #tpu.memory_space<vmem_shared>>
      tpu.enqueue_indirect_dma source(%arg11 : memref<64x128xf32, #tpu.memory_space<vmem>>) target(%dma_start3A_68 : memref<10008x128xf32, #tpu.memory_space<vmem_shared>>) offsets(%dma_start3A_65 : memref<64xi32, #tpu.memory_space<vmem>>) semaphore(%run_scoped3A_62 : memref<!tpu.dma_semaphore, #tpu.memory_space<semaphore_mem>>) {add = true}
      %dma_wait3A_69 = arith.constant 0 : i32
      %dma_wait3A_70 = tpu.memref_slice %arg8[%run_scoped3A_55, %dma_wait3A_69] : memref<81x64xi32, #tpu.memory_space<vmem>> -> memref<1x64xi32, #tpu.memory_space<vmem>>
      %dma_wait3A_71 = tpu.memref_squeeze %dma_wait3A_70 : memref<1x64xi32, #tpu.memory_space<vmem>> -> memref<64xi32, #tpu.memory_space<vmem>>
      %dma_wait3A_72 = arith.constant 0 : i32
      %dma_wait3A_73 = arith.constant 0 : i32
      %dma_wait3A_74 = tpu.memref_slice %arg12[%dma_wait3A_72, %dma_wait3A_73] : memref<10008x128xf32, #tpu.memory_space<vmem_shared>> -> memref<10008x128xf32, #tpu.memory_space<vmem_shared>>
      tpu.wait_indirect_dma semaphore(%run_scoped3A_62 : memref<!tpu.dma_semaphore, #tpu.memory_space<semaphore_mem>>) src(%arg11 : memref<64x128xf32, #tpu.memory_space<vmem>>) dst(%dma_wait3A_74 : memref<10008x128xf32, #tpu.memory_space<vmem_shared>>)
      tpu.yield
    }) : () -> ()
    %barrier3A_56 = arith.constant 0 : index
    tpu.barrier barrier_id(%barrier3A_56)
    "tpu.region"() ({
      %run_scoped3A_62 = tpu.sem_alloc : memref<!tpu.dma_semaphore, #tpu.memory_space<semaphore_mem>>
      %dma_start3A_63 = arith.constant 0 : i32
      %dma_start3A_64 = tpu.memref_slice %arg6[%arg0, %mul3A_2, %dma_start3A_63] : memref<2x10000x128xf32, #tpu.memory_space<hbm>> -> memref<1x624x128xf32, #tpu.memory_space<hbm>>
      %dma_start3A_65 = tpu.memref_squeeze %dma_start3A_64 : memref<1x624x128xf32, #tpu.memory_space<hbm>> -> memref<624x128xf32, #tpu.memory_space<hbm>>
      %dma_start3A_66 = arith.constant 0 : i32
      %dma_start3A_67 = tpu.memref_slice %arg12[%mul3A_2, %dma_start3A_66] : memref<10008x128xf32, #tpu.memory_space<vmem_shared>> -> memref<624x128xf32, #tpu.memory_space<vmem_shared>>
      tpu.enqueue_dma source(%dma_start3A_67 : memref<624x128xf32, #tpu.memory_space<vmem_shared>>) target(%dma_start3A_65 : memref<624x128xf32, #tpu.memory_space<hbm>>) target_semaphore(%run_scoped3A_62 : memref<!tpu.dma_semaphore, #tpu.memory_space<semaphore_mem>>)
      %dma_wait3A_68 = arith.constant 0 : i32
      %dma_wait3A_69 = tpu.memref_slice %arg6[%arg0, %mul3A_2, %dma_wait3A_68] : memref<2x10000x128xf32, #tpu.memory_space<hbm>> -> memref<1x624x128xf32, #tpu.memory_space<hbm>>
      %dma_wait3A_70 = tpu.memref_squeeze %dma_wait3A_69 : memref<1x624x128xf32, #tpu.memory_space<hbm>> -> memref<624x128xf32, #tpu.memory_space<hbm>>
      %dma_wait3A_71 = arith.constant 0 : i32
      %dma_wait3A_72 = tpu.memref_slice %arg12[%mul3A_2, %dma_wait3A_71] : memref<10008x128xf32, #tpu.memory_space<vmem_shared>> -> memref<624x128xf32, #tpu.memory_space<vmem_shared>>
      tpu.wait_dma2 semaphore(%run_scoped3A_62 : memref<!tpu.dma_semaphore, #tpu.memory_space<semaphore_mem>>) src(%dma_wait3A_72 : memref<624x128xf32, #tpu.memory_space<vmem_shared>>) dst(%dma_wait3A_70 : memref<624x128xf32, #tpu.memory_space<hbm>>)
      tpu.yield
    }) : () -> ()
    %eq3A_57 = arith.constant 0 : i32
    %eq3A_58 = arith.cmpi eq, %arg1, %eq3A_57 : i32
    %convert_element_type3A_59 = arith.extui %eq3A_58 : i1 to i32
    %cond3A_60 = arith.constant 0 : i32
    %cond3A_61 = arith.cmpi ne, %convert_element_type3A_59, %cond3A_60 : i32
    scf.if %cond3A_61 {
      "tpu.region"() ({
        %run_scoped3A_62 = tpu.sem_alloc : memref<!tpu.dma_semaphore, #tpu.memory_space<semaphore_mem>>
        %dma_start3A_63 = arith.constant 9984 : i32
        %dma_start3A_64 = arith.constant 0 : i32
        %dma_start3A_65 = tpu.memref_slice %arg6[%arg0, %dma_start3A_63, %dma_start3A_64] : memref<2x10000x128xf32, #tpu.memory_space<hbm>> -> memref<1x16x128xf32, #tpu.memory_space<hbm>>
        %dma_start3A_66 = tpu.memref_squeeze %dma_start3A_65 : memref<1x16x128xf32, #tpu.memory_space<hbm>> -> memref<16x128xf32, #tpu.memory_space<hbm>>
        %dma_start3A_67 = arith.constant 9984 : i32
        %dma_start3A_68 = arith.constant 0 : i32
        %dma_start3A_69 = tpu.memref_slice %arg12[%dma_start3A_67, %dma_start3A_68] : memref<10008x128xf32, #tpu.memory_space<vmem_shared>> -> memref<16x128xf32, #tpu.memory_space<vmem_shared>>
        tpu.enqueue_dma source(%dma_start3A_69 : memref<16x128xf32, #tpu.memory_space<vmem_shared>>) target(%dma_start3A_66 : memref<16x128xf32, #tpu.memory_space<hbm>>) target_semaphore(%run_scoped3A_62 : memref<!tpu.dma_semaphore, #tpu.memory_space<semaphore_mem>>)
        %dma_wait3A_70 = arith.constant 9984 : i32
        %dma_wait3A_71 = arith.constant 0 : i32
        %dma_wait3A_72 = tpu.memref_slice %arg6[%arg0, %dma_wait3A_70, %dma_wait3A_71] : memref<2x10000x128xf32, #tpu.memory_space<hbm>> -> memref<1x16x128xf32, #tpu.memory_space<hbm>>
        %dma_wait3A_73 = tpu.memref_squeeze %dma_wait3A_72 : memref<1x16x128xf32, #tpu.memory_space<hbm>> -> memref<16x128xf32, #tpu.memory_space<hbm>>
        %dma_wait3A_74 = arith.constant 9984 : i32
        %dma_wait3A_75 = arith.constant 0 : i32
        %dma_wait3A_76 = tpu.memref_slice %arg12[%dma_wait3A_74, %dma_wait3A_75] : memref<10008x128xf32, #tpu.memory_space<vmem_shared>> -> memref<16x128xf32, #tpu.memory_space<vmem_shared>>
        tpu.wait_dma2 semaphore(%run_scoped3A_62 : memref<!tpu.dma_semaphore, #tpu.memory_space<semaphore_mem>>) src(%dma_wait3A_76 : memref<16x128xf32, #tpu.memory_space<vmem_shared>>) dst(%dma_wait3A_73 : memref<16x128xf32, #tpu.memory_space<hbm>>)
        tpu.yield
      }) : () -> ()
    } else {
    }
    return
  }
}

#map = affine_map<(d0, d1) -> (0, 0)>
#map1 = affine_map<(d0, d1) -> (0, 0, 0)>
module attributes {stable_mosaic.version = 14 : i64} {
  func.func @k(%arg0: i32, %arg1: i32, %arg2: memref<10000x128xf32, #tpu.memory_space<hbm>>, %arg3: memref<10000x128xf32, #tpu.memory_space<hbm>>, %arg4: memref<32x81x64xi32, #tpu.memory_space<hbm>>, %arg5: memref<32x81x64xi32, #tpu.memory_space<hbm>>, %arg6: memref<2x10000x128xf32, #tpu.memory_space<hbm>>, %arg7: memref<81x64xi32, #tpu.memory_space<vmem>>, %arg8: memref<81x64xi32, #tpu.memory_space<vmem>>, %arg9: memref<64x128xf32, #tpu.memory_space<vmem>>, %arg10: memref<64x128xf32, #tpu.memory_space<vmem>>, %arg11: memref<64x128xf32, #tpu.memory_space<vmem>>, %arg12: memref<10008x128xf32, #tpu.memory_space<vmem_shared>>, %arg13: memref<!tpu.dma_semaphore, #tpu.memory_space<semaphore_mem>>, %arg14: memref<!tpu.dma_semaphore, #tpu.memory_space<semaphore_mem>>, %arg15: memref<!tpu.dma_semaphore, #tpu.memory_space<semaphore_mem>>) attributes {dimension_semantics = [#tpu.dimension_semantics<core_parallel>, #tpu.dimension_semantics<subcore_parallel>], iteration_bounds = array<i64: 2, 16>, scalar_prefetch = 0 : i64, scratch_operands = 9 : i64, tpu.core_type = #tpu.core_type<sc_vector_subcore>, window_params = [{transform_indices = #map}, {transform_indices = #map}, {transform_indices = #map1}, {transform_indices = #map1}, {transform_indices = #map1}]} {
    %mul3A = arith.constant 16 : i32
    %mul3A_0 = arith.muli %arg0, %mul3A : i32
    %add3A = arith.addi %mul3A_0, %arg1 : i32
    %mul3A_1 = arith.constant 624 : i32
    %mul3A_2 = arith.muli %arg1, %mul3A_1 : i32
    %eq3A = arith.constant 0 : i32
    %eq3A_3 = arith.cmpi eq, %arg0, %eq3A : i32
    %convert_element_type3A = arith.extui %eq3A_3 : i1 to i32
    %cond3A = arith.constant 0 : i32
    %cond3A_4 = arith.cmpi ne, %convert_element_type3A, %cond3A : i32
    scf.if %cond3A_4 {
      "tpu.region"() ({
        %run_scoped3A_67 = tpu.sem_alloc : memref<!tpu.dma_semaphore, #tpu.memory_space<semaphore_mem>>
        %dma_start3A_68 = arith.constant 0 : i32
        %dma_start3A_69 = tpu.memref_slice %arg12[%mul3A_2, %dma_start3A_68] : memref<10008x128xf32, #tpu.memory_space<vmem_shared>> -> memref<624x128xf32, #tpu.memory_space<vmem_shared>>
        %dma_start3A_70 = arith.constant 0 : i32
        %dma_start3A_71 = tpu.memref_slice %arg2[%mul3A_2, %dma_start3A_70] : memref<10000x128xf32, #tpu.memory_space<hbm>> -> memref<624x128xf32, #tpu.memory_space<hbm>>
        tpu.enqueue_dma source(%dma_start3A_71 : memref<624x128xf32, #tpu.memory_space<hbm>>) target(%dma_start3A_69 : memref<624x128xf32, #tpu.memory_space<vmem_shared>>) target_semaphore(%run_scoped3A_67 : memref<!tpu.dma_semaphore, #tpu.memory_space<semaphore_mem>>)
        %dma_wait3A_72 = arith.constant 0 : i32
        %dma_wait3A_73 = tpu.memref_slice %arg12[%mul3A_2, %dma_wait3A_72] : memref<10008x128xf32, #tpu.memory_space<vmem_shared>> -> memref<624x128xf32, #tpu.memory_space<vmem_shared>>
        %dma_wait3A_74 = arith.constant 0 : i32
        %dma_wait3A_75 = tpu.memref_slice %arg2[%mul3A_2, %dma_wait3A_74] : memref<10000x128xf32, #tpu.memory_space<hbm>> -> memref<624x128xf32, #tpu.memory_space<hbm>>
        tpu.wait_dma2 semaphore(%run_scoped3A_67 : memref<!tpu.dma_semaphore, #tpu.memory_space<semaphore_mem>>) src(%dma_wait3A_75 : memref<624x128xf32, #tpu.memory_space<hbm>>) dst(%dma_wait3A_73 : memref<624x128xf32, #tpu.memory_space<vmem_shared>>)
        tpu.yield
      }) : () -> ()
      %eq3A_62 = arith.constant 0 : i32
      %eq3A_63 = arith.cmpi eq, %arg1, %eq3A_62 : i32
      %convert_element_type3A_64 = arith.extui %eq3A_63 : i1 to i32
      %cond3A_65 = arith.constant 0 : i32
      %cond3A_66 = arith.cmpi ne, %convert_element_type3A_64, %cond3A_65 : i32
      scf.if %cond3A_66 {
        "tpu.region"() ({
          %run_scoped3A_67 = tpu.sem_alloc : memref<!tpu.dma_semaphore, #tpu.memory_space<semaphore_mem>>
          %dma_start3A_68 = arith.constant 9984 : i32
          %dma_start3A_69 = arith.constant 0 : i32
          %dma_start3A_70 = tpu.memref_slice %arg12[%dma_start3A_68, %dma_start3A_69] : memref<10008x128xf32, #tpu.memory_space<vmem_shared>> -> memref<16x128xf32, #tpu.memory_space<vmem_shared>>
          %dma_start3A_71 = arith.constant 9984 : i32
          %dma_start3A_72 = arith.constant 0 : i32
          %dma_start3A_73 = tpu.memref_slice %arg2[%dma_start3A_71, %dma_start3A_72] : memref<10000x128xf32, #tpu.memory_space<hbm>> -> memref<16x128xf32, #tpu.memory_space<hbm>>
          tpu.enqueue_dma source(%dma_start3A_73 : memref<16x128xf32, #tpu.memory_space<hbm>>) target(%dma_start3A_70 : memref<16x128xf32, #tpu.memory_space<vmem_shared>>) target_semaphore(%run_scoped3A_67 : memref<!tpu.dma_semaphore, #tpu.memory_space<semaphore_mem>>)
          %dma_wait3A_74 = arith.constant 9984 : i32
          %dma_wait3A_75 = arith.constant 0 : i32
          %dma_wait3A_76 = tpu.memref_slice %arg12[%dma_wait3A_74, %dma_wait3A_75] : memref<10008x128xf32, #tpu.memory_space<vmem_shared>> -> memref<16x128xf32, #tpu.memory_space<vmem_shared>>
          %dma_wait3A_77 = arith.constant 9984 : i32
          %dma_wait3A_78 = arith.constant 0 : i32
          %dma_wait3A_79 = tpu.memref_slice %arg2[%dma_wait3A_77, %dma_wait3A_78] : memref<10000x128xf32, #tpu.memory_space<hbm>> -> memref<16x128xf32, #tpu.memory_space<hbm>>
          tpu.wait_dma2 semaphore(%run_scoped3A_67 : memref<!tpu.dma_semaphore, #tpu.memory_space<semaphore_mem>>) src(%dma_wait3A_79 : memref<16x128xf32, #tpu.memory_space<hbm>>) dst(%dma_wait3A_76 : memref<16x128xf32, #tpu.memory_space<vmem_shared>>)
          tpu.yield
        }) : () -> ()
      } else {
      }
    } else {
    }
    %ne3A = arith.constant 0 : i32
    %ne3A_5 = arith.cmpi ne, %arg0, %ne3A : i32
    %convert_element_type3A_6 = arith.extui %ne3A_5 : i1 to i32
    %cond3A_7 = arith.constant 0 : i32
    %cond3A_8 = arith.cmpi ne, %convert_element_type3A_6, %cond3A_7 : i32
    scf.if %cond3A_8 {
      "tpu.region"() ({
        %run_scoped3A_67 = tpu.sem_alloc : memref<!tpu.dma_semaphore, #tpu.memory_space<semaphore_mem>>
        %dma_start3A_68 = arith.constant 0 : i32
        %dma_start3A_69 = tpu.memref_slice %arg12[%mul3A_2, %dma_start3A_68] : memref<10008x128xf32, #tpu.memory_space<vmem_shared>> -> memref<624x128xf32, #tpu.memory_space<vmem_shared>>
        %dma_start3A_70 = arith.constant 0 : i32
        %dma_start3A_71 = tpu.memref_slice %arg3[%mul3A_2, %dma_start3A_70] : memref<10000x128xf32, #tpu.memory_space<hbm>> -> memref<624x128xf32, #tpu.memory_space<hbm>>
        tpu.enqueue_dma source(%dma_start3A_71 : memref<624x128xf32, #tpu.memory_space<hbm>>) target(%dma_start3A_69 : memref<624x128xf32, #tpu.memory_space<vmem_shared>>) target_semaphore(%run_scoped3A_67 : memref<!tpu.dma_semaphore, #tpu.memory_space<semaphore_mem>>)
        %dma_wait3A_72 = arith.constant 0 : i32
        %dma_wait3A_73 = tpu.memref_slice %arg12[%mul3A_2, %dma_wait3A_72] : memref<10008x128xf32, #tpu.memory_space<vmem_shared>> -> memref<624x128xf32, #tpu.memory_space<vmem_shared>>
        %dma_wait3A_74 = arith.constant 0 : i32
        %dma_wait3A_75 = tpu.memref_slice %arg3[%mul3A_2, %dma_wait3A_74] : memref<10000x128xf32, #tpu.memory_space<hbm>> -> memref<624x128xf32, #tpu.memory_space<hbm>>
        tpu.wait_dma2 semaphore(%run_scoped3A_67 : memref<!tpu.dma_semaphore, #tpu.memory_space<semaphore_mem>>) src(%dma_wait3A_75 : memref<624x128xf32, #tpu.memory_space<hbm>>) dst(%dma_wait3A_73 : memref<624x128xf32, #tpu.memory_space<vmem_shared>>)
        tpu.yield
      }) : () -> ()
      %eq3A_62 = arith.constant 0 : i32
      %eq3A_63 = arith.cmpi eq, %arg1, %eq3A_62 : i32
      %convert_element_type3A_64 = arith.extui %eq3A_63 : i1 to i32
      %cond3A_65 = arith.constant 0 : i32
      %cond3A_66 = arith.cmpi ne, %convert_element_type3A_64, %cond3A_65 : i32
      scf.if %cond3A_66 {
        "tpu.region"() ({
          %run_scoped3A_67 = tpu.sem_alloc : memref<!tpu.dma_semaphore, #tpu.memory_space<semaphore_mem>>
          %dma_start3A_68 = arith.constant 9984 : i32
          %dma_start3A_69 = arith.constant 0 : i32
          %dma_start3A_70 = tpu.memref_slice %arg12[%dma_start3A_68, %dma_start3A_69] : memref<10008x128xf32, #tpu.memory_space<vmem_shared>> -> memref<16x128xf32, #tpu.memory_space<vmem_shared>>
          %dma_start3A_71 = arith.constant 9984 : i32
          %dma_start3A_72 = arith.constant 0 : i32
          %dma_start3A_73 = tpu.memref_slice %arg3[%dma_start3A_71, %dma_start3A_72] : memref<10000x128xf32, #tpu.memory_space<hbm>> -> memref<16x128xf32, #tpu.memory_space<hbm>>
          tpu.enqueue_dma source(%dma_start3A_73 : memref<16x128xf32, #tpu.memory_space<hbm>>) target(%dma_start3A_70 : memref<16x128xf32, #tpu.memory_space<vmem_shared>>) target_semaphore(%run_scoped3A_67 : memref<!tpu.dma_semaphore, #tpu.memory_space<semaphore_mem>>)
          %dma_wait3A_74 = arith.constant 9984 : i32
          %dma_wait3A_75 = arith.constant 0 : i32
          %dma_wait3A_76 = tpu.memref_slice %arg12[%dma_wait3A_74, %dma_wait3A_75] : memref<10008x128xf32, #tpu.memory_space<vmem_shared>> -> memref<16x128xf32, #tpu.memory_space<vmem_shared>>
          %dma_wait3A_77 = arith.constant 9984 : i32
          %dma_wait3A_78 = arith.constant 0 : i32
          %dma_wait3A_79 = tpu.memref_slice %arg3[%dma_wait3A_77, %dma_wait3A_78] : memref<10000x128xf32, #tpu.memory_space<hbm>> -> memref<16x128xf32, #tpu.memory_space<hbm>>
          tpu.wait_dma2 semaphore(%run_scoped3A_67 : memref<!tpu.dma_semaphore, #tpu.memory_space<semaphore_mem>>) src(%dma_wait3A_79 : memref<16x128xf32, #tpu.memory_space<hbm>>) dst(%dma_wait3A_76 : memref<16x128xf32, #tpu.memory_space<vmem_shared>>)
          tpu.yield
        }) : () -> ()
      } else {
      }
    } else {
    }
    "tpu.region"() ({
      %run_scoped3A_62 = tpu.sem_alloc : memref<!tpu.dma_semaphore, #tpu.memory_space<semaphore_mem>>
      %dma_start3A_63 = arith.constant 0 : i32
      %dma_start3A_64 = arith.constant 0 : i32
      %dma_start3A_65 = tpu.memref_slice %arg4[%add3A, %dma_start3A_63, %dma_start3A_64] : memref<32x81x64xi32, #tpu.memory_space<hbm>> -> memref<1x81x64xi32, #tpu.memory_space<hbm>>
      %dma_start3A_66 = tpu.memref_squeeze %dma_start3A_65 : memref<1x81x64xi32, #tpu.memory_space<hbm>> -> memref<81x64xi32, #tpu.memory_space<hbm>>
      %dma_start3A_67 = arith.constant 0 : i32
      %dma_start3A_68 = arith.constant 0 : i32
      %dma_start3A_69 = tpu.memref_slice %arg4[%add3A, %dma_start3A_67, %dma_start3A_68] : memref<32x81x64xi32, #tpu.memory_space<hbm>> -> memref<1x81x64xi32, #tpu.memory_space<hbm>>
      %dma_start3A_70 = tpu.memref_squeeze %dma_start3A_69 : memref<1x81x64xi32, #tpu.memory_space<hbm>> -> memref<81x64xi32, #tpu.memory_space<hbm>>
      tpu.enqueue_dma source(%dma_start3A_70 : memref<81x64xi32, #tpu.memory_space<hbm>>) target(%arg7 : memref<81x64xi32, #tpu.memory_space<vmem>>) target_semaphore(%run_scoped3A_62 : memref<!tpu.dma_semaphore, #tpu.memory_space<semaphore_mem>>)
      %dma_wait3A_71 = arith.constant 0 : i32
      %dma_wait3A_72 = arith.constant 0 : i32
      %dma_wait3A_73 = tpu.memref_slice %arg4[%add3A, %dma_wait3A_71, %dma_wait3A_72] : memref<32x81x64xi32, #tpu.memory_space<hbm>> -> memref<1x81x64xi32, #tpu.memory_space<hbm>>
      %dma_wait3A_74 = tpu.memref_squeeze %dma_wait3A_73 : memref<1x81x64xi32, #tpu.memory_space<hbm>> -> memref<81x64xi32, #tpu.memory_space<hbm>>
      %dma_wait3A_75 = arith.constant 0 : i32
      %dma_wait3A_76 = arith.constant 0 : i32
      %dma_wait3A_77 = tpu.memref_slice %arg4[%add3A, %dma_wait3A_75, %dma_wait3A_76] : memref<32x81x64xi32, #tpu.memory_space<hbm>> -> memref<1x81x64xi32, #tpu.memory_space<hbm>>
      %dma_wait3A_78 = tpu.memref_squeeze %dma_wait3A_77 : memref<1x81x64xi32, #tpu.memory_space<hbm>> -> memref<81x64xi32, #tpu.memory_space<hbm>>
      tpu.wait_dma2 semaphore(%run_scoped3A_62 : memref<!tpu.dma_semaphore, #tpu.memory_space<semaphore_mem>>) src(%dma_wait3A_78 : memref<81x64xi32, #tpu.memory_space<hbm>>) dst(%arg7 : memref<81x64xi32, #tpu.memory_space<vmem>>)
      tpu.yield
    }) : () -> ()
    "tpu.region"() ({
      %run_scoped3A_62 = tpu.sem_alloc : memref<!tpu.dma_semaphore, #tpu.memory_space<semaphore_mem>>
      %dma_start3A_63 = arith.constant 0 : i32
      %dma_start3A_64 = arith.constant 0 : i32
      %dma_start3A_65 = tpu.memref_slice %arg5[%add3A, %dma_start3A_63, %dma_start3A_64] : memref<32x81x64xi32, #tpu.memory_space<hbm>> -> memref<1x81x64xi32, #tpu.memory_space<hbm>>
      %dma_start3A_66 = tpu.memref_squeeze %dma_start3A_65 : memref<1x81x64xi32, #tpu.memory_space<hbm>> -> memref<81x64xi32, #tpu.memory_space<hbm>>
      %dma_start3A_67 = arith.constant 0 : i32
      %dma_start3A_68 = arith.constant 0 : i32
      %dma_start3A_69 = tpu.memref_slice %arg5[%add3A, %dma_start3A_67, %dma_start3A_68] : memref<32x81x64xi32, #tpu.memory_space<hbm>> -> memref<1x81x64xi32, #tpu.memory_space<hbm>>
      %dma_start3A_70 = tpu.memref_squeeze %dma_start3A_69 : memref<1x81x64xi32, #tpu.memory_space<hbm>> -> memref<81x64xi32, #tpu.memory_space<hbm>>
      tpu.enqueue_dma source(%dma_start3A_70 : memref<81x64xi32, #tpu.memory_space<hbm>>) target(%arg8 : memref<81x64xi32, #tpu.memory_space<vmem>>) target_semaphore(%run_scoped3A_62 : memref<!tpu.dma_semaphore, #tpu.memory_space<semaphore_mem>>)
      %dma_wait3A_71 = arith.constant 0 : i32
      %dma_wait3A_72 = arith.constant 0 : i32
      %dma_wait3A_73 = tpu.memref_slice %arg5[%add3A, %dma_wait3A_71, %dma_wait3A_72] : memref<32x81x64xi32, #tpu.memory_space<hbm>> -> memref<1x81x64xi32, #tpu.memory_space<hbm>>
      %dma_wait3A_74 = tpu.memref_squeeze %dma_wait3A_73 : memref<1x81x64xi32, #tpu.memory_space<hbm>> -> memref<81x64xi32, #tpu.memory_space<hbm>>
      %dma_wait3A_75 = arith.constant 0 : i32
      %dma_wait3A_76 = arith.constant 0 : i32
      %dma_wait3A_77 = tpu.memref_slice %arg5[%add3A, %dma_wait3A_75, %dma_wait3A_76] : memref<32x81x64xi32, #tpu.memory_space<hbm>> -> memref<1x81x64xi32, #tpu.memory_space<hbm>>
      %dma_wait3A_78 = tpu.memref_squeeze %dma_wait3A_77 : memref<1x81x64xi32, #tpu.memory_space<hbm>> -> memref<81x64xi32, #tpu.memory_space<hbm>>
      tpu.wait_dma2 semaphore(%run_scoped3A_62 : memref<!tpu.dma_semaphore, #tpu.memory_space<semaphore_mem>>) src(%dma_wait3A_78 : memref<81x64xi32, #tpu.memory_space<hbm>>) dst(%arg8 : memref<81x64xi32, #tpu.memory_space<vmem>>)
      tpu.yield
    }) : () -> ()
    %barrier3A = arith.constant 0 : index
    tpu.barrier barrier_id(%barrier3A)
    %dma_start3A = arith.constant 0 : i32
    %dma_start3A_9 = arith.constant 0 : i32
    %dma_start3A_10 = tpu.memref_slice %arg7[%dma_start3A, %dma_start3A_9] : memref<81x64xi32, #tpu.memory_space<vmem>> -> memref<1x64xi32, #tpu.memory_space<vmem>>
    %dma_start3A_11 = tpu.memref_squeeze %dma_start3A_10 : memref<1x64xi32, #tpu.memory_space<vmem>> -> memref<64xi32, #tpu.memory_space<vmem>>
    %dma_start3A_12 = arith.constant 0 : i32
    %dma_start3A_13 = arith.constant 0 : i32
    %dma_start3A_14 = tpu.memref_slice %arg2[%dma_start3A_12, %dma_start3A_13] : memref<10000x128xf32, #tpu.memory_space<hbm>> -> memref<10000x128xf32, #tpu.memory_space<hbm>>
    tpu.enqueue_indirect_dma source(%dma_start3A_14 : memref<10000x128xf32, #tpu.memory_space<hbm>>) target(%arg9 : memref<64x128xf32, #tpu.memory_space<vmem>>) offsets(%dma_start3A_11 : memref<64xi32, #tpu.memory_space<vmem>>) semaphore(%arg13 : memref<!tpu.dma_semaphore, #tpu.memory_space<semaphore_mem>>)
    %dma_start3A_15 = arith.constant 1 : i32
    %dma_start3A_16 = arith.constant 0 : i32
    %dma_start3A_17 = tpu.memref_slice %arg7[%dma_start3A_15, %dma_start3A_16] : memref<81x64xi32, #tpu.memory_space<vmem>> -> memref<1x64xi32, #tpu.memory_space<vmem>>
    %dma_start3A_18 = tpu.memref_squeeze %dma_start3A_17 : memref<1x64xi32, #tpu.memory_space<vmem>> -> memref<64xi32, #tpu.memory_space<vmem>>
    %dma_start3A_19 = arith.constant 0 : i32
    %dma_start3A_20 = arith.constant 0 : i32
    %dma_start3A_21 = tpu.memref_slice %arg2[%dma_start3A_19, %dma_start3A_20] : memref<10000x128xf32, #tpu.memory_space<hbm>> -> memref<10000x128xf32, #tpu.memory_space<hbm>>
    tpu.enqueue_indirect_dma source(%dma_start3A_21 : memref<10000x128xf32, #tpu.memory_space<hbm>>) target(%arg10 : memref<64x128xf32, #tpu.memory_space<vmem>>) offsets(%dma_start3A_18 : memref<64xi32, #tpu.memory_space<vmem>>) semaphore(%arg14 : memref<!tpu.dma_semaphore, #tpu.memory_space<semaphore_mem>>)
    %dma_start3A_22 = arith.constant 2 : i32
    %dma_start3A_23 = arith.constant 0 : i32
    %dma_start3A_24 = tpu.memref_slice %arg7[%dma_start3A_22, %dma_start3A_23] : memref<81x64xi32, #tpu.memory_space<vmem>> -> memref<1x64xi32, #tpu.memory_space<vmem>>
    %dma_start3A_25 = tpu.memref_squeeze %dma_start3A_24 : memref<1x64xi32, #tpu.memory_space<vmem>> -> memref<64xi32, #tpu.memory_space<vmem>>
    %dma_start3A_26 = arith.constant 0 : i32
    %dma_start3A_27 = arith.constant 0 : i32
    %dma_start3A_28 = tpu.memref_slice %arg2[%dma_start3A_26, %dma_start3A_27] : memref<10000x128xf32, #tpu.memory_space<hbm>> -> memref<10000x128xf32, #tpu.memory_space<hbm>>
    tpu.enqueue_indirect_dma source(%dma_start3A_28 : memref<10000x128xf32, #tpu.memory_space<hbm>>) target(%arg11 : memref<64x128xf32, #tpu.memory_space<vmem>>) offsets(%dma_start3A_25 : memref<64xi32, #tpu.memory_space<vmem>>) semaphore(%arg15 : memref<!tpu.dma_semaphore, #tpu.memory_space<semaphore_mem>>)
    %scan3A = arith.constant 0 : i32
    %scan3A_29 = arith.constant 0 : i32
    %scan3A_30 = arith.constant 26 : i32
    %scan3A_31 = arith.addi %scan3A_29, %scan3A_30 : i32
    %scan3A_32 = arith.constant 1 : i32
    scf.for %scan3A_62 = %scan3A_29 to %scan3A_31 step %scan3A_32  : i32 {
      %mul3A_63 = arith.constant 3 : i32
      %mul3A_64 = arith.muli %mul3A_63, %scan3A_62 : i32
      %add3A_65 = arith.constant 0 : i32
      %add3A_66 = arith.addi %mul3A_64, %add3A_65 : i32
      %dma_wait3A_67 = arith.constant 0 : i32
      %dma_wait3A_68 = tpu.memref_slice %arg7[%add3A_66, %dma_wait3A_67] : memref<81x64xi32, #tpu.memory_space<vmem>> -> memref<1x64xi32, #tpu.memory_space<vmem>>
      %dma_wait3A_69 = tpu.memref_squeeze %dma_wait3A_68 : memref<1x64xi32, #tpu.memory_space<vmem>> -> memref<64xi32, #tpu.memory_space<vmem>>
      %dma_wait3A_70 = arith.constant 0 : i32
      %dma_wait3A_71 = arith.constant 0 : i32
      %dma_wait3A_72 = tpu.memref_slice %arg2[%dma_wait3A_70, %dma_wait3A_71] : memref<10000x128xf32, #tpu.memory_space<hbm>> -> memref<10000x128xf32, #tpu.memory_space<hbm>>
      tpu.wait_indirect_dma semaphore(%arg13 : memref<!tpu.dma_semaphore, #tpu.memory_space<semaphore_mem>>) src(%dma_wait3A_72 : memref<10000x128xf32, #tpu.memory_space<hbm>>) dst(%arg9 : memref<64x128xf32, #tpu.memory_space<vmem>>)
      "tpu.region"() ({
        %run_scoped3A_117 = tpu.sem_alloc : memref<!tpu.dma_semaphore, #tpu.memory_space<semaphore_mem>>
        %dma_start3A_118 = arith.constant 0 : i32
        %dma_start3A_119 = tpu.memref_slice %arg8[%add3A_66, %dma_start3A_118] : memref<81x64xi32, #tpu.memory_space<vmem>> -> memref<1x64xi32, #tpu.memory_space<vmem>>
        %dma_start3A_120 = tpu.memref_squeeze %dma_start3A_119 : memref<1x64xi32, #tpu.memory_space<vmem>> -> memref<64xi32, #tpu.memory_space<vmem>>
        %dma_start3A_121 = arith.constant 0 : i32
        %dma_start3A_122 = arith.constant 0 : i32
        %dma_start3A_123 = tpu.memref_slice %arg12[%dma_start3A_121, %dma_start3A_122] : memref<10008x128xf32, #tpu.memory_space<vmem_shared>> -> memref<10008x128xf32, #tpu.memory_space<vmem_shared>>
        tpu.enqueue_indirect_dma source(%arg9 : memref<64x128xf32, #tpu.memory_space<vmem>>) target(%dma_start3A_123 : memref<10008x128xf32, #tpu.memory_space<vmem_shared>>) offsets(%dma_start3A_120 : memref<64xi32, #tpu.memory_space<vmem>>) semaphore(%run_scoped3A_117 : memref<!tpu.dma_semaphore, #tpu.memory_space<semaphore_mem>>) {add = true}
        %dma_wait3A_124 = arith.constant 0 : i32
        %dma_wait3A_125 = tpu.memref_slice %arg8[%add3A_66, %dma_wait3A_124] : memref<81x64xi32, #tpu.memory_space<vmem>> -> memref<1x64xi32, #tpu.memory_space<vmem>>
        %dma_wait3A_126 = tpu.memref_squeeze %dma_wait3A_125 : memref<1x64xi32, #tpu.memory_space<vmem>> -> memref<64xi32, #tpu.memory_space<vmem>>
        %dma_wait3A_127 = arith.constant 0 : i32
        %dma_wait3A_128 = arith.constant 0 : i32
        %dma_wait3A_129 = tpu.memref_slice %arg12[%dma_wait3A_127, %dma_wait3A_128] : memref<10008x128xf32, #tpu.memory_space<vmem_shared>> -> memref<10008x128xf32, #tpu.memory_space<vmem_shared>>
        tpu.wait_indirect_dma semaphore(%run_scoped3A_117 : memref<!tpu.dma_semaphore, #tpu.memory_space<semaphore_mem>>) src(%arg9 : memref<64x128xf32, #tpu.memory_space<vmem>>) dst(%dma_wait3A_129 : memref<10008x128xf32, #tpu.memory_space<vmem_shared>>)
        tpu.yield
      }) : () -> ()
      %add3A_73 = arith.constant 3 : i32
      %add3A_74 = arith.addi %add3A_66, %add3A_73 : i32
      %dma_start3A_75 = arith.constant 0 : i32
      %dma_start3A_76 = tpu.memref_slice %arg7[%add3A_74, %dma_start3A_75] : memref<81x64xi32, #tpu.memory_space<vmem>> -> memref<1x64xi32, #tpu.memory_space<vmem>>
      %dma_start3A_77 = tpu.memref_squeeze %dma_start3A_76 : memref<1x64xi32, #tpu.memory_space<vmem>> -> memref<64xi32, #tpu.memory_space<vmem>>
      %dma_start3A_78 = arith.constant 0 : i32
      %dma_start3A_79 = arith.constant 0 : i32
      %dma_start3A_80 = tpu.memref_slice %arg2[%dma_start3A_78, %dma_start3A_79] : memref<10000x128xf32, #tpu.memory_space<hbm>> -> memref<10000x128xf32, #tpu.memory_space<hbm>>
      tpu.enqueue_indirect_dma source(%dma_start3A_80 : memref<10000x128xf32, #tpu.memory_space<hbm>>) target(%arg9 : memref<64x128xf32, #tpu.memory_space<vmem>>) offsets(%dma_start3A_77 : memref<64xi32, #tpu.memory_space<vmem>>) semaphore(%arg13 : memref<!tpu.dma_semaphore, #tpu.memory_space<semaphore_mem>>)
      %mul3A_81 = arith.constant 3 : i32
      %mul3A_82 = arith.muli %mul3A_81, %scan3A_62 : i32
      %add3A_83 = arith.constant 1 : i32
      %add3A_84 = arith.addi %mul3A_82, %add3A_83 : i32
      %dma_wait3A_85 = arith.constant 0 : i32
      %dma_wait3A_86 = tpu.memref_slice %arg7[%add3A_84, %dma_wait3A_85] : memref<81x64xi32, #tpu.memory_space<vmem>> -> memref<1x64xi32, #tpu.memory_space<vmem>>
      %dma_wait3A_87 = tpu.memref_squeeze %dma_wait3A_86 : memref<1x64xi32, #tpu.memory_space<vmem>> -> memref<64xi32, #tpu.memory_space<vmem>>
      %dma_wait3A_88 = arith.constant 0 : i32
      %dma_wait3A_89 = arith.constant 0 : i32
      %dma_wait3A_90 = tpu.memref_slice %arg2[%dma_wait3A_88, %dma_wait3A_89] : memref<10000x128xf32, #tpu.memory_space<hbm>> -> memref<10000x128xf32, #tpu.memory_space<hbm>>
      tpu.wait_indirect_dma semaphore(%arg14 : memref<!tpu.dma_semaphore, #tpu.memory_space<semaphore_mem>>) src(%dma_wait3A_90 : memref<10000x128xf32, #tpu.memory_space<hbm>>) dst(%arg10 : memref<64x128xf32, #tpu.memory_space<vmem>>)
      "tpu.region"() ({
        %run_scoped3A_117 = tpu.sem_alloc : memref<!tpu.dma_semaphore, #tpu.memory_space<semaphore_mem>>
        %dma_start3A_118 = arith.constant 0 : i32
        %dma_start3A_119 = tpu.memref_slice %arg8[%add3A_84, %dma_start3A_118] : memref<81x64xi32, #tpu.memory_space<vmem>> -> memref<1x64xi32, #tpu.memory_space<vmem>>
        %dma_start3A_120 = tpu.memref_squeeze %dma_start3A_119 : memref<1x64xi32, #tpu.memory_space<vmem>> -> memref<64xi32, #tpu.memory_space<vmem>>
        %dma_start3A_121 = arith.constant 0 : i32
        %dma_start3A_122 = arith.constant 0 : i32
        %dma_start3A_123 = tpu.memref_slice %arg12[%dma_start3A_121, %dma_start3A_122] : memref<10008x128xf32, #tpu.memory_space<vmem_shared>> -> memref<10008x128xf32, #tpu.memory_space<vmem_shared>>
        tpu.enqueue_indirect_dma source(%arg10 : memref<64x128xf32, #tpu.memory_space<vmem>>) target(%dma_start3A_123 : memref<10008x128xf32, #tpu.memory_space<vmem_shared>>) offsets(%dma_start3A_120 : memref<64xi32, #tpu.memory_space<vmem>>) semaphore(%run_scoped3A_117 : memref<!tpu.dma_semaphore, #tpu.memory_space<semaphore_mem>>) {add = true}
        %dma_wait3A_124 = arith.constant 0 : i32
        %dma_wait3A_125 = tpu.memref_slice %arg8[%add3A_84, %dma_wait3A_124] : memref<81x64xi32, #tpu.memory_space<vmem>> -> memref<1x64xi32, #tpu.memory_space<vmem>>
        %dma_wait3A_126 = tpu.memref_squeeze %dma_wait3A_125 : memref<1x64xi32, #tpu.memory_space<vmem>> -> memref<64xi32, #tpu.memory_space<vmem>>
        %dma_wait3A_127 = arith.constant 0 : i32
        %dma_wait3A_128 = arith.constant 0 : i32
        %dma_wait3A_129 = tpu.memref_slice %arg12[%dma_wait3A_127, %dma_wait3A_128] : memref<10008x128xf32, #tpu.memory_space<vmem_shared>> -> memref<10008x128xf32, #tpu.memory_space<vmem_shared>>
        tpu.wait_indirect_dma semaphore(%run_scoped3A_117 : memref<!tpu.dma_semaphore, #tpu.memory_space<semaphore_mem>>) src(%arg10 : memref<64x128xf32, #tpu.memory_space<vmem>>) dst(%dma_wait3A_129 : memref<10008x128xf32, #tpu.memory_space<vmem_shared>>)
        tpu.yield
      }) : () -> ()
      %add3A_91 = arith.constant 3 : i32
      %add3A_92 = arith.addi %add3A_84, %add3A_91 : i32
      %dma_start3A_93 = arith.constant 0 : i32
      %dma_start3A_94 = tpu.memref_slice %arg7[%add3A_92, %dma_start3A_93] : memref<81x64xi32, #tpu.memory_space<vmem>> -> memref<1x64xi32, #tpu.memory_space<vmem>>
      %dma_start3A_95 = tpu.memref_squeeze %dma_start3A_94 : memref<1x64xi32, #tpu.memory_space<vmem>> -> memref<64xi32, #tpu.memory_space<vmem>>
      %dma_start3A_96 = arith.constant 0 : i32
      %dma_start3A_97 = arith.constant 0 : i32
      %dma_start3A_98 = tpu.memref_slice %arg2[%dma_start3A_96, %dma_start3A_97] : memref<10000x128xf32, #tpu.memory_space<hbm>> -> memref<10000x128xf32, #tpu.memory_space<hbm>>
      tpu.enqueue_indirect_dma source(%dma_start3A_98 : memref<10000x128xf32, #tpu.memory_space<hbm>>) target(%arg10 : memref<64x128xf32, #tpu.memory_space<vmem>>) offsets(%dma_start3A_95 : memref<64xi32, #tpu.memory_space<vmem>>) semaphore(%arg14 : memref<!tpu.dma_semaphore, #tpu.memory_space<semaphore_mem>>)
      %mul3A_99 = arith.constant 3 : i32
      %mul3A_100 = arith.muli %mul3A_99, %scan3A_62 : i32
      %add3A_101 = arith.constant 2 : i32
      %add3A_102 = arith.addi %mul3A_100, %add3A_101 : i32
      %dma_wait3A_103 = arith.constant 0 : i32
      %dma_wait3A_104 = tpu.memref_slice %arg7[%add3A_102, %dma_wait3A_103] : memref<81x64xi32, #tpu.memory_space<vmem>> -> memref<1x64xi32, #tpu.memory_space<vmem>>
      %dma_wait3A_105 = tpu.memref_squeeze %dma_wait3A_104 : memref<1x64xi32, #tpu.memory_space<vmem>> -> memref<64xi32, #tpu.memory_space<vmem>>
      %dma_wait3A_106 = arith.constant 0 : i32
      %dma_wait3A_107 = arith.constant 0 : i32
      %dma_wait3A_108 = tpu.memref_slice %arg2[%dma_wait3A_106, %dma_wait3A_107] : memref<10000x128xf32, #tpu.memory_space<hbm>> -> memref<10000x128xf32, #tpu.memory_space<hbm>>
      tpu.wait_indirect_dma semaphore(%arg15 : memref<!tpu.dma_semaphore, #tpu.memory_space<semaphore_mem>>) src(%dma_wait3A_108 : memref<10000x128xf32, #tpu.memory_space<hbm>>) dst(%arg11 : memref<64x128xf32, #tpu.memory_space<vmem>>)
      "tpu.region"() ({
        %run_scoped3A_117 = tpu.sem_alloc : memref<!tpu.dma_semaphore, #tpu.memory_space<semaphore_mem>>
        %dma_start3A_118 = arith.constant 0 : i32
        %dma_start3A_119 = tpu.memref_slice %arg8[%add3A_102, %dma_start3A_118] : memref<81x64xi32, #tpu.memory_space<vmem>> -> memref<1x64xi32, #tpu.memory_space<vmem>>
        %dma_start3A_120 = tpu.memref_squeeze %dma_start3A_119 : memref<1x64xi32, #tpu.memory_space<vmem>> -> memref<64xi32, #tpu.memory_space<vmem>>
        %dma_start3A_121 = arith.constant 0 : i32
        %dma_start3A_122 = arith.constant 0 : i32
        %dma_start3A_123 = tpu.memref_slice %arg12[%dma_start3A_121, %dma_start3A_122] : memref<10008x128xf32, #tpu.memory_space<vmem_shared>> -> memref<10008x128xf32, #tpu.memory_space<vmem_shared>>
        tpu.enqueue_indirect_dma source(%arg11 : memref<64x128xf32, #tpu.memory_space<vmem>>) target(%dma_start3A_123 : memref<10008x128xf32, #tpu.memory_space<vmem_shared>>) offsets(%dma_start3A_120 : memref<64xi32, #tpu.memory_space<vmem>>) semaphore(%run_scoped3A_117 : memref<!tpu.dma_semaphore, #tpu.memory_space<semaphore_mem>>) {add = true}
        %dma_wait3A_124 = arith.constant 0 : i32
        %dma_wait3A_125 = tpu.memref_slice %arg8[%add3A_102, %dma_wait3A_124] : memref<81x64xi32, #tpu.memory_space<vmem>> -> memref<1x64xi32, #tpu.memory_space<vmem>>
        %dma_wait3A_126 = tpu.memref_squeeze %dma_wait3A_125 : memref<1x64xi32, #tpu.memory_space<vmem>> -> memref<64xi32, #tpu.memory_space<vmem>>
        %dma_wait3A_127 = arith.constant 0 : i32
        %dma_wait3A_128 = arith.constant 0 : i32
        %dma_wait3A_129 = tpu.memref_slice %arg12[%dma_wait3A_127, %dma_wait3A_128] : memref<10008x128xf32, #tpu.memory_space<vmem_shared>> -> memref<10008x128xf32, #tpu.memory_space<vmem_shared>>
        tpu.wait_indirect_dma semaphore(%run_scoped3A_117 : memref<!tpu.dma_semaphore, #tpu.memory_space<semaphore_mem>>) src(%arg11 : memref<64x128xf32, #tpu.memory_space<vmem>>) dst(%dma_wait3A_129 : memref<10008x128xf32, #tpu.memory_space<vmem_shared>>)
        tpu.yield
      }) : () -> ()
      %add3A_109 = arith.constant 3 : i32
      %add3A_110 = arith.addi %add3A_102, %add3A_109 : i32
      %dma_start3A_111 = arith.constant 0 : i32
      %dma_start3A_112 = tpu.memref_slice %arg7[%add3A_110, %dma_start3A_111] : memref<81x64xi32, #tpu.memory_space<vmem>> -> memref<1x64xi32, #tpu.memory_space<vmem>>
      %dma_start3A_113 = tpu.memref_squeeze %dma_start3A_112 : memref<1x64xi32, #tpu.memory_space<vmem>> -> memref<64xi32, #tpu.memory_space<vmem>>
      %dma_start3A_114 = arith.constant 0 : i32
      %dma_start3A_115 = arith.constant 0 : i32
      %dma_start3A_116 = tpu.memref_slice %arg2[%dma_start3A_114, %dma_start3A_115] : memref<10000x128xf32, #tpu.memory_space<hbm>> -> memref<10000x128xf32, #tpu.memory_space<hbm>>
      tpu.enqueue_indirect_dma source(%dma_start3A_116 : memref<10000x128xf32, #tpu.memory_space<hbm>>) target(%arg11 : memref<64x128xf32, #tpu.memory_space<vmem>>) offsets(%dma_start3A_113 : memref<64xi32, #tpu.memory_space<vmem>>) semaphore(%arg15 : memref<!tpu.dma_semaphore, #tpu.memory_space<semaphore_mem>>)
    }
    %scan3A_33 = arith.constant 26 : i32
    %dma_wait3A = arith.constant 78 : i32
    %dma_wait3A_34 = arith.constant 0 : i32
    %dma_wait3A_35 = tpu.memref_slice %arg7[%dma_wait3A, %dma_wait3A_34] : memref<81x64xi32, #tpu.memory_space<vmem>> -> memref<1x64xi32, #tpu.memory_space<vmem>>
    %dma_wait3A_36 = tpu.memref_squeeze %dma_wait3A_35 : memref<1x64xi32, #tpu.memory_space<vmem>> -> memref<64xi32, #tpu.memory_space<vmem>>
    %dma_wait3A_37 = arith.constant 0 : i32
    %dma_wait3A_38 = arith.constant 0 : i32
    %dma_wait3A_39 = tpu.memref_slice %arg2[%dma_wait3A_37, %dma_wait3A_38] : memref<10000x128xf32, #tpu.memory_space<hbm>> -> memref<10000x128xf32, #tpu.memory_space<hbm>>
    tpu.wait_indirect_dma semaphore(%arg13 : memref<!tpu.dma_semaphore, #tpu.memory_space<semaphore_mem>>) src(%dma_wait3A_39 : memref<10000x128xf32, #tpu.memory_space<hbm>>) dst(%arg9 : memref<64x128xf32, #tpu.memory_space<vmem>>)
    %run_scoped3A = arith.constant 78 : i32
    "tpu.region"() ({
      %run_scoped3A_62 = tpu.sem_alloc : memref<!tpu.dma_semaphore, #tpu.memory_space<semaphore_mem>>
      %dma_start3A_63 = arith.constant 0 : i32
      %dma_start3A_64 = tpu.memref_slice %arg8[%run_scoped3A, %dma_start3A_63] : memref<81x64xi32, #tpu.memory_space<vmem>> -> memref<1x64xi32, #tpu.memory_space<vmem>>
      %dma_start3A_65 = tpu.memref_squeeze %dma_start3A_64 : memref<1x64xi32, #tpu.memory_space<vmem>> -> memref<64xi32, #tpu.memory_space<vmem>>
      %dma_start3A_66 = arith.constant 0 : i32
      %dma_start3A_67 = arith.constant 0 : i32
      %dma_start3A_68 = tpu.memref_slice %arg12[%dma_start3A_66, %dma_start3A_67] : memref<10008x128xf32, #tpu.memory_space<vmem_shared>> -> memref<10008x128xf32, #tpu.memory_space<vmem_shared>>
      tpu.enqueue_indirect_dma source(%arg9 : memref<64x128xf32, #tpu.memory_space<vmem>>) target(%dma_start3A_68 : memref<10008x128xf32, #tpu.memory_space<vmem_shared>>) offsets(%dma_start3A_65 : memref<64xi32, #tpu.memory_space<vmem>>) semaphore(%run_scoped3A_62 : memref<!tpu.dma_semaphore, #tpu.memory_space<semaphore_mem>>) {add = true}
      %dma_wait3A_69 = arith.constant 0 : i32
      %dma_wait3A_70 = tpu.memref_slice %arg8[%run_scoped3A, %dma_wait3A_69] : memref<81x64xi32, #tpu.memory_space<vmem>> -> memref<1x64xi32, #tpu.memory_space<vmem>>
      %dma_wait3A_71 = tpu.memref_squeeze %dma_wait3A_70 : memref<1x64xi32, #tpu.memory_space<vmem>> -> memref<64xi32, #tpu.memory_space<vmem>>
      %dma_wait3A_72 = arith.constant 0 : i32
      %dma_wait3A_73 = arith.constant 0 : i32
      %dma_wait3A_74 = tpu.memref_slice %arg12[%dma_wait3A_72, %dma_wait3A_73] : memref<10008x128xf32, #tpu.memory_space<vmem_shared>> -> memref<10008x128xf32, #tpu.memory_space<vmem_shared>>
      tpu.wait_indirect_dma semaphore(%run_scoped3A_62 : memref<!tpu.dma_semaphore, #tpu.memory_space<semaphore_mem>>) src(%arg9 : memref<64x128xf32, #tpu.memory_space<vmem>>) dst(%dma_wait3A_74 : memref<10008x128xf32, #tpu.memory_space<vmem_shared>>)
      tpu.yield
    }) : () -> ()
    %dma_wait3A_40 = arith.constant 79 : i32
    %dma_wait3A_41 = arith.constant 0 : i32
    %dma_wait3A_42 = tpu.memref_slice %arg7[%dma_wait3A_40, %dma_wait3A_41] : memref<81x64xi32, #tpu.memory_space<vmem>> -> memref<1x64xi32, #tpu.memory_space<vmem>>
    %dma_wait3A_43 = tpu.memref_squeeze %dma_wait3A_42 : memref<1x64xi32, #tpu.memory_space<vmem>> -> memref<64xi32, #tpu.memory_space<vmem>>
    %dma_wait3A_44 = arith.constant 0 : i32
    %dma_wait3A_45 = arith.constant 0 : i32
    %dma_wait3A_46 = tpu.memref_slice %arg2[%dma_wait3A_44, %dma_wait3A_45] : memref<10000x128xf32, #tpu.memory_space<hbm>> -> memref<10000x128xf32, #tpu.memory_space<hbm>>
    tpu.wait_indirect_dma semaphore(%arg14 : memref<!tpu.dma_semaphore, #tpu.memory_space<semaphore_mem>>) src(%dma_wait3A_46 : memref<10000x128xf32, #tpu.memory_space<hbm>>) dst(%arg10 : memref<64x128xf32, #tpu.memory_space<vmem>>)
    %run_scoped3A_47 = arith.constant 79 : i32
    "tpu.region"() ({
      %run_scoped3A_62 = tpu.sem_alloc : memref<!tpu.dma_semaphore, #tpu.memory_space<semaphore_mem>>
      %dma_start3A_63 = arith.constant 0 : i32
      %dma_start3A_64 = tpu.memref_slice %arg8[%run_scoped3A_47, %dma_start3A_63] : memref<81x64xi32, #tpu.memory_space<vmem>> -> memref<1x64xi32, #tpu.memory_space<vmem>>
      %dma_start3A_65 = tpu.memref_squeeze %dma_start3A_64 : memref<1x64xi32, #tpu.memory_space<vmem>> -> memref<64xi32, #tpu.memory_space<vmem>>
      %dma_start3A_66 = arith.constant 0 : i32
      %dma_start3A_67 = arith.constant 0 : i32
      %dma_start3A_68 = tpu.memref_slice %arg12[%dma_start3A_66, %dma_start3A_67] : memref<10008x128xf32, #tpu.memory_space<vmem_shared>> -> memref<10008x128xf32, #tpu.memory_space<vmem_shared>>
      tpu.enqueue_indirect_dma source(%arg10 : memref<64x128xf32, #tpu.memory_space<vmem>>) target(%dma_start3A_68 : memref<10008x128xf32, #tpu.memory_space<vmem_shared>>) offsets(%dma_start3A_65 : memref<64xi32, #tpu.memory_space<vmem>>) semaphore(%run_scoped3A_62 : memref<!tpu.dma_semaphore, #tpu.memory_space<semaphore_mem>>) {add = true}
      %dma_wait3A_69 = arith.constant 0 : i32
      %dma_wait3A_70 = tpu.memref_slice %arg8[%run_scoped3A_47, %dma_wait3A_69] : memref<81x64xi32, #tpu.memory_space<vmem>> -> memref<1x64xi32, #tpu.memory_space<vmem>>
      %dma_wait3A_71 = tpu.memref_squeeze %dma_wait3A_70 : memref<1x64xi32, #tpu.memory_space<vmem>> -> memref<64xi32, #tpu.memory_space<vmem>>
      %dma_wait3A_72 = arith.constant 0 : i32
      %dma_wait3A_73 = arith.constant 0 : i32
      %dma_wait3A_74 = tpu.memref_slice %arg12[%dma_wait3A_72, %dma_wait3A_73] : memref<10008x128xf32, #tpu.memory_space<vmem_shared>> -> memref<10008x128xf32, #tpu.memory_space<vmem_shared>>
      tpu.wait_indirect_dma semaphore(%run_scoped3A_62 : memref<!tpu.dma_semaphore, #tpu.memory_space<semaphore_mem>>) src(%arg10 : memref<64x128xf32, #tpu.memory_space<vmem>>) dst(%dma_wait3A_74 : memref<10008x128xf32, #tpu.memory_space<vmem_shared>>)
      tpu.yield
    }) : () -> ()
    %dma_wait3A_48 = arith.constant 80 : i32
    %dma_wait3A_49 = arith.constant 0 : i32
    %dma_wait3A_50 = tpu.memref_slice %arg7[%dma_wait3A_48, %dma_wait3A_49] : memref<81x64xi32, #tpu.memory_space<vmem>> -> memref<1x64xi32, #tpu.memory_space<vmem>>
    %dma_wait3A_51 = tpu.memref_squeeze %dma_wait3A_50 : memref<1x64xi32, #tpu.memory_space<vmem>> -> memref<64xi32, #tpu.memory_space<vmem>>
    %dma_wait3A_52 = arith.constant 0 : i32
    %dma_wait3A_53 = arith.constant 0 : i32
    %dma_wait3A_54 = tpu.memref_slice %arg2[%dma_wait3A_52, %dma_wait3A_53] : memref<10000x128xf32, #tpu.memory_space<hbm>> -> memref<10000x128xf32, #tpu.memory_space<hbm>>
    tpu.wait_indirect_dma semaphore(%arg15 : memref<!tpu.dma_semaphore, #tpu.memory_space<semaphore_mem>>) src(%dma_wait3A_54 : memref<10000x128xf32, #tpu.memory_space<hbm>>) dst(%arg11 : memref<64x128xf32, #tpu.memory_space<vmem>>)
    %run_scoped3A_55 = arith.constant 80 : i32
    "tpu.region"() ({
      %run_scoped3A_62 = tpu.sem_alloc : memref<!tpu.dma_semaphore, #tpu.memory_space<semaphore_mem>>
      %dma_start3A_63 = arith.constant 0 : i32
      %dma_start3A_64 = tpu.memref_slice %arg8[%run_scoped3A_55, %dma_start3A_63] : memref<81x64xi32, #tpu.memory_space<vmem>> -> memref<1x64xi32, #tpu.memory_space<vmem>>
      %dma_start3A_65 = tpu.memref_squeeze %dma_start3A_64 : memref<1x64xi32, #tpu.memory_space<vmem>> -> memref<64xi32, #tpu.memory_space<vmem>>
      %dma_start3A_66 = arith.constant 0 : i32
      %dma_start3A_67 = arith.constant 0 : i32
      %dma_start3A_68 = tpu.memref_slice %arg12[%dma_start3A_66, %dma_start3A_67] : memref<10008x128xf32, #tpu.memory_space<vmem_shared>> -> memref<10008x128xf32, #tpu.memory_space<vmem_shared>>
      tpu.enqueue_indirect_dma source(%arg11 : memref<64x128xf32, #tpu.memory_space<vmem>>) target(%dma_start3A_68 : memref<10008x128xf32, #tpu.memory_space<vmem_shared>>) offsets(%dma_start3A_65 : memref<64xi32, #tpu.memory_space<vmem>>) semaphore(%run_scoped3A_62 : memref<!tpu.dma_semaphore, #tpu.memory_space<semaphore_mem>>) {add = true}
      %dma_wait3A_69 = arith.constant 0 : i32
      %dma_wait3A_70 = tpu.memref_slice %arg8[%run_scoped3A_55, %dma_wait3A_69] : memref<81x64xi32, #tpu.memory_space<vmem>> -> memref<1x64xi32, #tpu.memory_space<vmem>>
      %dma_wait3A_71 = tpu.memref_squeeze %dma_wait3A_70 : memref<1x64xi32, #tpu.memory_space<vmem>> -> memref<64xi32, #tpu.memory_space<vmem>>
      %dma_wait3A_72 = arith.constant 0 : i32
      %dma_wait3A_73 = arith.constant 0 : i32
      %dma_wait3A_74 = tpu.memref_slice %arg12[%dma_wait3A_72, %dma_wait3A_73] : memref<10008x128xf32, #tpu.memory_space<vmem_shared>> -> memref<10008x128xf32, #tpu.memory_space<vmem_shared>>
      tpu.wait_indirect_dma semaphore(%run_scoped3A_62 : memref<!tpu.dma_semaphore, #tpu.memory_space<semaphore_mem>>) src(%arg11 : memref<64x128xf32, #tpu.memory_space<vmem>>) dst(%dma_wait3A_74 : memref<10008x128xf32, #tpu.memory_space<vmem_shared>>)
      tpu.yield
    }) : () -> ()
    %barrier3A_56 = arith.constant 0 : index
    tpu.barrier barrier_id(%barrier3A_56)
    "tpu.region"() ({
      %run_scoped3A_62 = tpu.sem_alloc : memref<!tpu.dma_semaphore, #tpu.memory_space<semaphore_mem>>
      %dma_start3A_63 = arith.constant 0 : i32
      %dma_start3A_64 = tpu.memref_slice %arg6[%arg0, %mul3A_2, %dma_start3A_63] : memref<2x10000x128xf32, #tpu.memory_space<hbm>> -> memref<1x624x128xf32, #tpu.memory_space<hbm>>
      %dma_start3A_65 = tpu.memref_squeeze %dma_start3A_64 : memref<1x624x128xf32, #tpu.memory_space<hbm>> -> memref<624x128xf32, #tpu.memory_space<hbm>>
      %dma_start3A_66 = arith.constant 0 : i32
      %dma_start3A_67 = tpu.memref_slice %arg12[%mul3A_2, %dma_start3A_66] : memref<10008x128xf32, #tpu.memory_space<vmem_shared>> -> memref<624x128xf32, #tpu.memory_space<vmem_shared>>
      tpu.enqueue_dma source(%dma_start3A_67 : memref<624x128xf32, #tpu.memory_space<vmem_shared>>) target(%dma_start3A_65 : memref<624x128xf32, #tpu.memory_space<hbm>>) target_semaphore(%run_scoped3A_62 : memref<!tpu.dma_semaphore, #tpu.memory_space<semaphore_mem>>)
      %dma_wait3A_68 = arith.constant 0 : i32
      %dma_wait3A_69 = tpu.memref_slice %arg6[%arg0, %mul3A_2, %dma_wait3A_68] : memref<2x10000x128xf32, #tpu.memory_space<hbm>> -> memref<1x624x128xf32, #tpu.memory_space<hbm>>
      %dma_wait3A_70 = tpu.memref_squeeze %dma_wait3A_69 : memref<1x624x128xf32, #tpu.memory_space<hbm>> -> memref<624x128xf32, #tpu.memory_space<hbm>>
      %dma_wait3A_71 = arith.constant 0 : i32
      %dma_wait3A_72 = tpu.memref_slice %arg12[%mul3A_2, %dma_wait3A_71] : memref<10008x128xf32, #tpu.memory_space<vmem_shared>> -> memref<624x128xf32, #tpu.memory_space<vmem_shared>>
      tpu.wait_dma2 semaphore(%run_scoped3A_62 : memref<!tpu.dma_semaphore, #tpu.memory_space<semaphore_mem>>) src(%dma_wait3A_72 : memref<624x128xf32, #tpu.memory_space<vmem_shared>>) dst(%dma_wait3A_70 : memref<624x128xf32, #tpu.memory_space<hbm>>)
      tpu.yield
    }) : () -> ()
    %eq3A_57 = arith.constant 0 : i32
    %eq3A_58 = arith.cmpi eq, %arg1, %eq3A_57 : i32
    %convert_element_type3A_59 = arith.extui %eq3A_58 : i1 to i32
    %cond3A_60 = arith.constant 0 : i32
    %cond3A_61 = arith.cmpi ne, %convert_element_type3A_59, %cond3A_60 : i32
    scf.if %cond3A_61 {
      "tpu.region"() ({
        %run_scoped3A_62 = tpu.sem_alloc : memref<!tpu.dma_semaphore, #tpu.memory_space<semaphore_mem>>
        %dma_start3A_63 = arith.constant 9984 : i32
        %dma_start3A_64 = arith.constant 0 : i32
        %dma_start3A_65 = tpu.memref_slice %arg6[%arg0, %dma_start3A_63, %dma_start3A_64] : memref<2x10000x128xf32, #tpu.memory_space<hbm>> -> memref<1x16x128xf32, #tpu.memory_space<hbm>>
        %dma_start3A_66 = tpu.memref_squeeze %dma_start3A_65 : memref<1x16x128xf32, #tpu.memory_space<hbm>> -> memref<16x128xf32, #tpu.memory_space<hbm>>
        %dma_start3A_67 = arith.constant 9984 : i32
        %dma_start3A_68 = arith.constant 0 : i32
        %dma_start3A_69 = tpu.memref_slice %arg12[%dma_start3A_67, %dma_start3A_68] : memref<10008x128xf32, #tpu.memory_space<vmem_shared>> -> memref<16x128xf32, #tpu.memory_space<vmem_shared>>
        tpu.enqueue_dma source(%dma_start3A_69 : memref<16x128xf32, #tpu.memory_space<vmem_shared>>) target(%dma_start3A_66 : memref<16x128xf32, #tpu.memory_space<hbm>>) target_semaphore(%run_scoped3A_62 : memref<!tpu.dma_semaphore, #tpu.memory_space<semaphore_mem>>)
        %dma_wait3A_70 = arith.constant 9984 : i32
        %dma_wait3A_71 = arith.constant 0 : i32
        %dma_wait3A_72 = tpu.memref_slice %arg6[%arg0, %dma_wait3A_70, %dma_wait3A_71] : memref<2x10000x128xf32, #tpu.memory_space<hbm>> -> memref<1x16x128xf32, #tpu.memory_space<hbm>>
        %dma_wait3A_73 = tpu.memref_squeeze %dma_wait3A_72 : memref<1x16x128xf32, #tpu.memory_space<hbm>> -> memref<16x128xf32, #tpu.memory_space<hbm>>
        %dma_wait3A_74 = arith.constant 9984 : i32
        %dma_wait3A_75 = arith.constant 0 : i32
        %dma_wait3A_76 = tpu.memref_slice %arg12[%dma_wait3A_74, %dma_wait3A_75] : memref<10008x128xf32, #tpu.memory_space<vmem_shared>> -> memref<16x128xf32, #tpu.memory_space<vmem_shared>>
        tpu.wait_dma2 semaphore(%run_scoped3A_62 : memref<!tpu.dma_semaphore, #tpu.memory_space<semaphore_mem>>) src(%dma_wait3A_76 : memref<16x128xf32, #tpu.memory_space<vmem_shared>>) dst(%dma_wait3A_73 : memref<16x128xf32, #tpu.memory_space<hbm>>)
        tpu.yield
      }) : () -> ()
    } else {
    }
    return
  }
}

module attributes {stable_mosaic.version = 14 : i64} {
  func.func @_dinv_kernel(%arg0: i32, %arg1: memref<1x1000x128xf32, #tpu.memory_space<vmem>>, %arg2: memref<1x1000x128xf32, #tpu.memory_space<vmem>>, %arg3: memref<1000x128xf32, #tpu.memory_space<vmem>>) attributes {dimension_semantics = [#tpu.dimension_semantics<arbitrary>], iteration_bounds = array<i64: 10>, scalar_prefetch = 0 : i64, scratch_operands = 0 : i64, tpu.core_type = #tpu.core_type<tc>, window_params = [{transform_indices = @transform_0, window_bounds = array<i64: 1, 1000, 128>}, {transform_indices = @transform_1, window_bounds = array<i64: 1, 1000, 128>}, {transform_indices = @transform_2, window_bounds = array<i64: 1000, 128>}]} {
    %get3A = arith.constant 0 : index
    %get3A_0 = arith.constant 0 : index
    %get3A_1 = arith.constant 0 : index
    %get3A_2 = vector.load %arg1[%get3A, %get3A_0, %get3A_1] : memref<1x1000x128xf32, #tpu.memory_space<vmem>>, vector<1x1000x128xf32>
    %get3A_3 = vector.shape_cast %get3A_2 : vector<1x1000x128xf32> to vector<1000x128xf32>
    %get3A_4 = arith.constant 0 : index
    %get3A_5 = arith.constant 0 : index
    %get3A_6 = arith.constant 0 : index
    %get3A_7 = vector.load %arg2[%get3A_4, %get3A_5, %get3A_6] : memref<1x1000x128xf32, #tpu.memory_space<vmem>>, vector<1x1000x128xf32>
    %get3A_8 = vector.shape_cast %get3A_7 : vector<1x1000x128xf32> to vector<1000x128xf32>
    %add3A = arith.addf %get3A_3, %get3A_8 : vector<1000x128xf32>
    %rsqrt3A = math.rsqrt %add3A : vector<1000x128xf32>
    %swap3A = arith.constant 0 : index
    %swap3A_9 = arith.constant 0 : index
    %swap3A_10 = vector.load %arg3[%swap3A, %swap3A_9] : memref<1000x128xf32, #tpu.memory_space<vmem>>, vector<1000x128xf32>
    tpu.vector_store %arg3[%swap3A, %swap3A_9], %rsqrt3A {strides = array<i32>} : memref<1000x128xf32, #tpu.memory_space<vmem>>, vector<1000x128xf32>,
    return
  }
  func.func @transform_0(%arg0: i32) -> (i32, i32, i32) {
    %c0_i32 = arith.constant 0 : i32
    %c0_i32_0 = arith.constant 0 : i32
    %c0_i32_1 = arith.constant 0 : i32
    return %c0_i32, %arg0, %c0_i32_0 : i32, i32, i32
  }
  func.func @transform_1(%arg0: i32) -> (i32, i32, i32) {
    %c1_i32 = arith.constant 1 : i32
    %c0_i32 = arith.constant 0 : i32
    %c0_i32_0 = arith.constant 0 : i32
    return %c1_i32, %arg0, %c0_i32 : i32, i32, i32
  }
  func.func @transform_2(%arg0: i32) -> (i32, i32) {
    %c0_i32 = arith.constant 0 : i32
    %c0_i32_0 = arith.constant 0 : i32
    return %arg0, %c0_i32 : i32, i32
  }
}

module attributes {stable_mosaic.version = 14 : i64} {
  func.func @_xw_kernel(%arg0: i32, %arg1: i32, %arg2: memref<1x1000x128xf32, #tpu.memory_space<vmem>>, %arg3: memref<128x128xf32, #tpu.memory_space<vmem>>, %arg4: memref<1000x128xf32, #tpu.memory_space<vmem>>, %arg5: memref<1x1000x128xf32, #tpu.memory_space<vmem>>) attributes {dimension_semantics = [#tpu.dimension_semantics<arbitrary>, #tpu.dimension_semantics<arbitrary>], iteration_bounds = array<i64: 32, 10>, scalar_prefetch = 0 : i64, scratch_operands = 0 : i64, tpu.core_type = #tpu.core_type<tc>, window_params = [{transform_indices = @transform_0, window_bounds = array<i64: 1, 1000, 128>}, {pipeline_mode = #tpu.pipeline_mode<synchronous>, transform_indices = @transform_1, window_bounds = array<i64: 128, 128>}, {transform_indices = @transform_2, window_bounds = array<i64: 1000, 128>}, {transform_indices = @transform_3, window_bounds = array<i64: 1, 1000, 128>}]} {
    %get3A = arith.constant 0 : index
    %get3A_0 = arith.constant 0 : index
    %get3A_1 = arith.constant 0 : index
    %get3A_2 = vector.load %arg2[%get3A, %get3A_0, %get3A_1] : memref<1x1000x128xf32, #tpu.memory_space<vmem>>, vector<1x1000x128xf32>
    %get3A_3 = vector.shape_cast %get3A_2 : vector<1x1000x128xf32> to vector<1000x128xf32>
    %get3A_4 = arith.constant 0 : index
    %get3A_5 = arith.constant 0 : index
    %get3A_6 = vector.load %arg3[%get3A_4, %get3A_5] : memref<128x128xf32, #tpu.memory_space<vmem>>, vector<128x128xf32>
    %dot_general3A = arith.constant dense<0.000000e+00> : vector<1000x128xf32>
    %dot_general3A_7 = tpu.matmul %get3A_3, %get3A_6, %dot_general3A {dimension_numbers = #tpu.dot_dimension_numbers<[1], [0], [0], [1], [0, 0, 1, 1], [], []>, precision = #tpu.contract_precision<fp32>, transpose_lhs_hint = false} : vector<1000x128xf32>, vector<128x128xf32>, vector<1000x128xf32> -> vector<1000x128xf32>
    %get3A_8 = arith.constant 0 : index
    %get3A_9 = arith.constant 0 : index
    %get3A_10 = vector.load %arg4[%get3A_8, %get3A_9] : memref<1000x128xf32, #tpu.memory_space<vmem>>, vector<1000x128xf32>
    %mul3A = arith.mulf %dot_general3A_7, %get3A_10 : vector<1000x128xf32>
    %swap3A = arith.constant 0 : index
    %swap3A_11 = arith.constant 0 : index
    %swap3A_12 = arith.constant 0 : index
    %swap3A_13 = vector.load %arg5[%swap3A, %swap3A_11, %swap3A_12] : memref<1x1000x128xf32, #tpu.memory_space<vmem>>, vector<1x1000x128xf32>
    %swap3A_14 = vector.shape_cast %swap3A_13 : vector<1x1000x128xf32> to vector<1000x128xf32>
    %swap3A_15 = vector.shape_cast %mul3A : vector<1000x128xf32> to vector<1x1000x128xf32>
    tpu.vector_store %arg5[%swap3A, %swap3A_11, %swap3A_12], %swap3A_15 {strides = array<i32>} : memref<1x1000x128xf32, #tpu.memory_space<vmem>>, vector<1x1000x128xf32>,
    return
  }
  func.func @transform_0(%arg0: i32, %arg1: i32) -> (i32, i32, i32) {
    %c0_i32 = arith.constant 0 : i32
    %c0_i32_0 = arith.constant 0 : i32
    return %arg0, %arg1, %c0_i32 : i32, i32, i32
  }
  func.func @transform_1(%arg0: i32, %arg1: i32) -> (i32, i32) {
    %c0_i32 = arith.constant 0 : i32
    %c0_i32_0 = arith.constant 0 : i32
    %c0_i32_1 = arith.constant 0 : i32
    return %c0_i32, %c0_i32_0 : i32, i32
  }
  func.func @transform_2(%arg0: i32, %arg1: i32) -> (i32, i32) {
    %c0_i32 = arith.constant 0 : i32
    %c0_i32_0 = arith.constant 0 : i32
    return %arg1, %c0_i32 : i32, i32
  }
  func.func @transform_3(%arg0: i32, %arg1: i32) -> (i32, i32, i32) {
    %c0_i32 = arith.constant 0 : i32
    %c0_i32_0 = arith.constant 0 : i32
    return %arg0, %arg1, %c0_i32 : i32, i32, i32
  }
}

module attributes {stable_mosaic.version = 14 : i64} {
  func.func @_mid_kernel(%arg0: i32, %arg1: i32, %arg2: memref<1x1x1000x128xf32, #tpu.memory_space<vmem>>, %arg3: memref<1x1x1000x128xf32, #tpu.memory_space<vmem>>, %arg4: memref<1000x128xf32, #tpu.memory_space<vmem>>, %arg5: memref<1x128xf32, #tpu.memory_space<vmem>>, %arg6: memref<128x128xf32, #tpu.memory_space<vmem>>, %arg7: memref<1x1000x128xf32, #tpu.memory_space<vmem>>) attributes {dimension_semantics = [#tpu.dimension_semantics<arbitrary>, #tpu.dimension_semantics<arbitrary>], iteration_bounds = array<i64: 32, 10>, scalar_prefetch = 0 : i64, scratch_operands = 0 : i64, tpu.core_type = #tpu.core_type<tc>, window_params = [{transform_indices = @transform_0, window_bounds = array<i64: 1, 1, 1000, 128>}, {transform_indices = @transform_1, window_bounds = array<i64: 1, 1, 1000, 128>}, {transform_indices = @transform_2, window_bounds = array<i64: 1000, 128>}, {pipeline_mode = #tpu.pipeline_mode<synchronous>, transform_indices = @transform_3, window_bounds = array<i64: 1, 128>}, {pipeline_mode = #tpu.pipeline_mode<synchronous>, transform_indices = @transform_4, window_bounds = array<i64: 128, 128>}, {transform_indices = @transform_5, window_bounds = array<i64: 1, 1000, 128>}]} {
    %get3A = arith.constant 0 : index
    %get3A_0 = arith.constant 0 : index
    %get3A_1 = vector.load %arg4[%get3A, %get3A_0] : memref<1000x128xf32, #tpu.memory_space<vmem>>, vector<1000x128xf32>
    %get3A_2 = arith.constant 0 : index
    %get3A_3 = arith.constant 0 : index
    %get3A_4 = arith.constant 0 : index
    %get3A_5 = arith.constant 0 : index
    %get3A_6 = vector.load %arg2[%get3A_2, %get3A_3, %get3A_4, %get3A_5] : memref<1x1x1000x128xf32, #tpu.memory_space<vmem>>, vector<1x1x1000x128xf32>
    %get3A_7 = vector.shape_cast %get3A_6 : vector<1x1x1000x128xf32> to vector<1000x128xf32>
    %get3A_8 = arith.constant 0 : index
    %get3A_9 = arith.constant 0 : index
    %get3A_10 = arith.constant 0 : index
    %get3A_11 = arith.constant 0 : index
    %get3A_12 = vector.load %arg3[%get3A_8, %get3A_9, %get3A_10, %get3A_11] : memref<1x1x1000x128xf32, #tpu.memory_space<vmem>>, vector<1x1x1000x128xf32>
    %get3A_13 = vector.shape_cast %get3A_12 : vector<1x1x1000x128xf32> to vector<1000x128xf32>
    %add3A = arith.addf %get3A_7, %get3A_13 : vector<1000x128xf32>
    %mul3A = arith.mulf %get3A_1, %add3A : vector<1000x128xf32>
    %get3A_14 = arith.constant 0 : index
    %get3A_15 = arith.constant 0 : index
    %get3A_16 = vector.load %arg5[%get3A_14, %get3A_15] : memref<1x128xf32, #tpu.memory_space<vmem>>, vector<1x128xf32>
    %add3A_17 = vector.broadcast %get3A_16 : vector<1x128xf32> to vector<1000x128xf32>
    %add3A_18 = arith.addf %mul3A, %add3A_17 : vector<1000x128xf32>
    %max3A = arith.constant 0.000000e+00 : f32
    %max3A_19 = vector.broadcast %max3A : f32 to vector<1000x128xf32>
    %max3A_20 = arith.maximumf %add3A_18, %max3A_19 : vector<1000x128xf32>
    %get3A_21 = arith.constant 0 : index
    %get3A_22 = arith.constant 0 : index
    %get3A_23 = vector.load %arg4[%get3A_21, %get3A_22] : memref<1000x128xf32, #tpu.memory_space<vmem>>, vector<1000x128xf32>
    %get3A_24 = arith.constant 0 : index
    %get3A_25 = arith.constant 0 : index
    %get3A_26 = vector.load %arg6[%get3A_24, %get3A_25] : memref<128x128xf32, #tpu.memory_space<vmem>>, vector<128x128xf32>
    %dot_general3A = arith.constant dense<0.000000e+00> : vector<1000x128xf32>
    %dot_general3A_27 = tpu.matmul %max3A_20, %get3A_26, %dot_general3A {dimension_numbers = #tpu.dot_dimension_numbers<[1], [0], [0], [1], [0, 0, 1, 1], [], []>, precision = #tpu.contract_precision<fp32>, transpose_lhs_hint = false} : vector<1000x128xf32>, vector<128x128xf32>, vector<1000x128xf32> -> vector<1000x128xf32>
    %mul3A_28 = arith.mulf %get3A_23, %dot_general3A_27 : vector<1000x128xf32>
    %swap3A = arith.constant 0 : index
    %swap3A_29 = arith.constant 0 : index
    %swap3A_30 = arith.constant 0 : index
    %swap3A_31 = vector.load %arg7[%swap3A, %swap3A_29, %swap3A_30] : memref<1x1000x128xf32, #tpu.memory_space<vmem>>, vector<1x1000x128xf32>
    %swap3A_32 = vector.shape_cast %swap3A_31 : vector<1x1000x128xf32> to vector<1000x128xf32>
    %swap3A_33 = vector.shape_cast %mul3A_28 : vector<1000x128xf32> to vector<1x1000x128xf32>
    tpu.vector_store %arg7[%swap3A, %swap3A_29, %swap3A_30], %swap3A_33 {strides = array<i32>} : memref<1x1000x128xf32, #tpu.memory_space<vmem>>, vector<1x1000x128xf32>,
    return
  }
  func.func @transform_0(%arg0: i32, %arg1: i32) -> (i32, i32, i32, i32) {
    %c0_i32 = arith.constant 0 : i32
    %c0_i32_0 = arith.constant 0 : i32
    %c0_i32_1 = arith.constant 0 : i32
    return %arg0, %c0_i32, %arg1, %c0_i32_0 : i32, i32, i32, i32
  }
  func.func @transform_1(%arg0: i32, %arg1: i32) -> (i32, i32, i32, i32) {
    %c1_i32 = arith.constant 1 : i32
    %c0_i32 = arith.constant 0 : i32
    %c0_i32_0 = arith.constant 0 : i32
    return %arg0, %c1_i32, %arg1, %c0_i32 : i32, i32, i32, i32
  }
  func.func @transform_2(%arg0: i32, %arg1: i32) -> (i32, i32) {
    %c0_i32 = arith.constant 0 : i32
    %c0_i32_0 = arith.constant 0 : i32
    return %arg1, %c0_i32 : i32, i32
  }
  func.func @transform_3(%arg0: i32, %arg1: i32) -> (i32, i32) {
    %c0_i32 = arith.constant 0 : i32
    %c0_i32_0 = arith.constant 0 : i32
    %c0_i32_1 = arith.constant 0 : i32
    return %c0_i32, %c0_i32_0 : i32, i32
  }
  func.func @transform_4(%arg0: i32, %arg1: i32) -> (i32, i32) {
    %c0_i32 = arith.constant 0 : i32
    %c0_i32_0 = arith.constant 0 : i32
    %c0_i32_1 = arith.constant 0 : i32
    return %c0_i32, %c0_i32_0 : i32, i32
  }
  func.func @transform_5(%arg0: i32, %arg1: i32) -> (i32, i32, i32) {
    %c0_i32 = arith.constant 0 : i32
    %c0_i32_0 = arith.constant 0 : i32
    return %arg0, %arg1, %c0_i32 : i32, i32, i32
  }
}

module attributes {stable_mosaic.version = 14 : i64} {
  func.func @_mean_kernel(%arg0: i32, %arg1: i32, %arg2: memref<1x1x1000x128xf32, #tpu.memory_space<vmem>>, %arg3: memref<1x1x1000x128xf32, #tpu.memory_space<vmem>>, %arg4: memref<1000x128xf32, #tpu.memory_space<vmem>>, %arg5: memref<1x128xf32, #tpu.memory_space<vmem>>, %arg6: memref<1x1x128xf32, #tpu.memory_space<vmem>>) attributes {dimension_semantics = [#tpu.dimension_semantics<arbitrary>, #tpu.dimension_semantics<arbitrary>], iteration_bounds = array<i64: 32, 10>, scalar_prefetch = 0 : i64, scratch_operands = 0 : i64, tpu.core_type = #tpu.core_type<tc>, window_params = [{transform_indices = @transform_0, window_bounds = array<i64: 1, 1, 1000, 128>}, {transform_indices = @transform_1, window_bounds = array<i64: 1, 1, 1000, 128>}, {transform_indices = @transform_2, window_bounds = array<i64: 1000, 128>}, {pipeline_mode = #tpu.pipeline_mode<synchronous>, transform_indices = @transform_3, window_bounds = array<i64: 1, 128>}, {transform_indices = @transform_4, window_bounds = array<i64: 1, 1, 128>}]} {
    %eq3A = arith.constant 0 : i32
    %eq3A_0 = arith.cmpi eq, %arg1, %eq3A : i32
    %convert_element_type3A = arith.extui %eq3A_0 : i1 to i32
    %cond3A = arith.constant 0 : i32
    %cond3A_1 = arith.cmpi ne, %convert_element_type3A, %cond3A : i32
    scf.if %cond3A_1 {
      %broadcast_in_dim3A_40 = arith.constant 0.000000e+00 : f32
      %broadcast_in_dim3A_41 = vector.broadcast %broadcast_in_dim3A_40 : f32 to vector<1x1x128xf32>
      %swap3A_42 = arith.constant 0 : index
      %swap3A_43 = arith.constant 0 : index
      %swap3A_44 = arith.constant 0 : index
      %swap3A_45 = vector.load %arg6[%swap3A_42, %swap3A_43, %swap3A_44] : memref<1x1x128xf32, #tpu.memory_space<vmem>>, vector<1x1x128xf32>
      tpu.vector_store %arg6[%swap3A_42, %swap3A_43, %swap3A_44], %broadcast_in_dim3A_41 {strides = array<i32>} : memref<1x1x128xf32, #tpu.memory_space<vmem>>, vector<1x1x128xf32>,
    } else {
    }
    %get3A = arith.constant 0 : index
    %get3A_2 = arith.constant 0 : index
    %get3A_3 = vector.load %arg4[%get3A, %get3A_2] : memref<1000x128xf32, #tpu.memory_space<vmem>>, vector<1000x128xf32>
    %get3A_4 = arith.constant 0 : index
    %get3A_5 = arith.constant 0 : index
    %get3A_6 = arith.constant 0 : index
    %get3A_7 = arith.constant 0 : index
    %get3A_8 = vector.load %arg2[%get3A_4, %get3A_5, %get3A_6, %get3A_7] : memref<1x1x1000x128xf32, #tpu.memory_space<vmem>>, vector<1x1x1000x128xf32>
    %get3A_9 = vector.shape_cast %get3A_8 : vector<1x1x1000x128xf32> to vector<1000x128xf32>
    %get3A_10 = arith.constant 0 : index
    %get3A_11 = arith.constant 0 : index
    %get3A_12 = arith.constant 0 : index
    %get3A_13 = arith.constant 0 : index
    %get3A_14 = vector.load %arg3[%get3A_10, %get3A_11, %get3A_12, %get3A_13] : memref<1x1x1000x128xf32, #tpu.memory_space<vmem>>, vector<1x1x1000x128xf32>
    %get3A_15 = vector.shape_cast %get3A_14 : vector<1x1x1000x128xf32> to vector<1000x128xf32>
    %add3A = arith.addf %get3A_9, %get3A_15 : vector<1000x128xf32>
    %mul3A = arith.mulf %get3A_3, %add3A : vector<1000x128xf32>
    %get3A_16 = arith.constant 0 : index
    %get3A_17 = arith.constant 0 : index
    %get3A_18 = vector.load %arg5[%get3A_16, %get3A_17] : memref<1x128xf32, #tpu.memory_space<vmem>>, vector<1x128xf32>
    %add3A_19 = vector.broadcast %get3A_18 : vector<1x128xf32> to vector<1000x128xf32>
    %add3A_20 = arith.addf %mul3A, %add3A_19 : vector<1000x128xf32>
    %max3A = arith.constant 0.000000e+00 : f32
    %max3A_21 = vector.broadcast %max3A : f32 to vector<1000x128xf32>
    %max3A_22 = arith.maximumf %add3A_20, %max3A_21 : vector<1000x128xf32>
    %get3A_23 = arith.constant 0 : index
    %get3A_24 = arith.constant 0 : index
    %get3A_25 = arith.constant 0 : index
    %get3A_26 = vector.load %arg6[%get3A_23, %get3A_24, %get3A_25] : memref<1x1x128xf32, #tpu.memory_space<vmem>>, vector<1x1x128xf32>
    %get3A_27 = vector.shape_cast %get3A_26 : vector<1x1x128xf32> to vector<1x128xf32>
    %reduce_sum3A = arith.constant dense<0.000000e+00> : vector<128xf32>
    %reduce_sum3A_28 = vector.multi_reduction <add>, %max3A_22, %reduce_sum3A [0] : vector<1000x128xf32> to vector<128xf32>
    %broadcast_in_dim3A = vector.shape_cast %reduce_sum3A_28 : vector<128xf32> to vector<1x128xf32>
    %add3A_29 = arith.addf %get3A_27, %broadcast_in_dim3A : vector<1x128xf32>
    %swap3A = arith.constant 0 : index
    %swap3A_30 = arith.constant 0 : index
    %swap3A_31 = arith.constant 0 : index
    %swap3A_32 = vector.load %arg6[%swap3A, %swap3A_30, %swap3A_31] : memref<1x1x128xf32, #tpu.memory_space<vmem>>, vector<1x1x128xf32>
    %swap3A_33 = vector.shape_cast %swap3A_32 : vector<1x1x128xf32> to vector<1x128xf32>
    %swap3A_34 = vector.shape_cast %add3A_29 : vector<1x128xf32> to vector<1x1x128xf32>
    tpu.vector_store %arg6[%swap3A, %swap3A_30, %swap3A_31], %swap3A_34 {strides = array<i32>} : memref<1x1x128xf32, #tpu.memory_space<vmem>>, vector<1x1x128xf32>,
    %eq3A_35 = arith.constant 9 : i32
    %eq3A_36 = arith.cmpi eq, %arg1, %eq3A_35 : i32
    %convert_element_type3A_37 = arith.extui %eq3A_36 : i1 to i32
    %cond3A_38 = arith.constant 0 : i32
    %cond3A_39 = arith.cmpi ne, %convert_element_type3A_37, %cond3A_38 : i32
    scf.if %cond3A_39 {
      %get3A_40 = arith.constant 0 : index
      %get3A_41 = arith.constant 0 : index
      %get3A_42 = arith.constant 0 : index
      %get3A_43 = vector.load %arg6[%get3A_40, %get3A_41, %get3A_42] : memref<1x1x128xf32, #tpu.memory_space<vmem>>, vector<1x1x128xf32>
      %mul3A_44 = arith.constant 9.99999974E-5 : f32
      %mul3A_45 = vector.broadcast %mul3A_44 : f32 to vector<1x1x128xf32>
      %mul3A_46 = arith.mulf %get3A_43, %mul3A_45 : vector<1x1x128xf32>
      %swap3A_47 = arith.constant 0 : index
      %swap3A_48 = arith.constant 0 : index
      %swap3A_49 = arith.constant 0 : index
      %swap3A_50 = vector.load %arg6[%swap3A_47, %swap3A_48, %swap3A_49] : memref<1x1x128xf32, #tpu.memory_space<vmem>>, vector<1x1x128xf32>
      tpu.vector_store %arg6[%swap3A_47, %swap3A_48, %swap3A_49], %mul3A_46 {strides = array<i32>} : memref<1x1x128xf32, #tpu.memory_space<vmem>>, vector<1x1x128xf32>,
    } else {
    }
    return
  }
  func.func @transform_0(%arg0: i32, %arg1: i32) -> (i32, i32, i32, i32) {
    %c0_i32 = arith.constant 0 : i32
    %c0_i32_0 = arith.constant 0 : i32
    %c0_i32_1 = arith.constant 0 : i32
    return %arg0, %c0_i32, %arg1, %c0_i32_0 : i32, i32, i32, i32
  }
  func.func @transform_1(%arg0: i32, %arg1: i32) -> (i32, i32, i32, i32) {
    %c1_i32 = arith.constant 1 : i32
    %c0_i32 = arith.constant 0 : i32
    %c0_i32_0 = arith.constant 0 : i32
    return %arg0, %c1_i32, %arg1, %c0_i32 : i32, i32, i32, i32
  }
  func.func @transform_2(%arg0: i32, %arg1: i32) -> (i32, i32) {
    %c0_i32 = arith.constant 0 : i32
    %c0_i32_0 = arith.constant 0 : i32
    return %arg1, %c0_i32 : i32, i32
  }
  func.func @transform_3(%arg0: i32, %arg1: i32) -> (i32, i32) {
    %c0_i32 = arith.constant 0 : i32
    %c0_i32_0 = arith.constant 0 : i32
    %c0_i32_1 = arith.constant 0 : i32
    return %c0_i32, %c0_i32_0 : i32, i32
  }
  func.func @transform_4(%arg0: i32, %arg1: i32) -> (i32, i32, i32) {
    %c0_i32 = arith.constant 0 : i32
    %c0_i32_0 = arith.constant 0 : i32
    %c0_i32_1 = arith.constant 0 : i32
    return %arg0, %c0_i32, %c0_i32_0 : i32, i32, i32
  }
}

module attributes {stable_mosaic.version = 14 : i64} {
  func.func @_lstm_kernel(%arg0: memref<8x8x128xf32, #tpu.memory_space<vmem>>, %arg1: memref<128x512xf32, #tpu.memory_space<vmem>>, %arg2: memref<128x512xf32, #tpu.memory_space<vmem>>, %arg3: memref<1x512xf32, #tpu.memory_space<vmem>>, %arg4: memref<128x512xf32, #tpu.memory_space<vmem>>, %arg5: memref<128x512xf32, #tpu.memory_space<vmem>>, %arg6: memref<1x512xf32, #tpu.memory_space<vmem>>, %arg7: memref<128x128xf32, #tpu.memory_space<vmem>>, %arg8: memref<1x128xf32, #tpu.memory_space<vmem>>, %arg9: memref<8x128xf32, #tpu.memory_space<vmem>>) attributes {dimension_semantics = [], scalar_prefetch = 0 : i64, scratch_operands = 0 : i64, tpu.core_type = #tpu.core_type<tc>} {
    %get3A = arith.constant 0 : index
    %get3A_0 = arith.constant 0 : index
    %get3A_1 = arith.constant 0 : index
    %get3A_2 = vector.load %arg0[%get3A, %get3A_0, %get3A_1] : memref<8x8x128xf32, #tpu.memory_space<vmem>>, vector<8x1x128xf32>
    %get3A_3 = vector.shape_cast %get3A_2 : vector<8x1x128xf32> to vector<8x128xf32>
    %get3A_4 = arith.constant 0 : index
    %get3A_5 = arith.constant 1 : index
    %get3A_6 = arith.constant 0 : index
    %get3A_7 = vector.load %arg0[%get3A_4, %get3A_5, %get3A_6] : memref<8x8x128xf32, #tpu.memory_space<vmem>>, vector<8x1x128xf32>
    %get3A_8 = vector.shape_cast %get3A_7 : vector<8x1x128xf32> to vector<8x128xf32>
    %get3A_9 = arith.constant 0 : index
    %get3A_10 = arith.constant 2 : index
    %get3A_11 = arith.constant 0 : index
    %get3A_12 = vector.load %arg0[%get3A_9, %get3A_10, %get3A_11] : memref<8x8x128xf32, #tpu.memory_space<vmem>>, vector<8x1x128xf32>
    %get3A_13 = vector.shape_cast %get3A_12 : vector<8x1x128xf32> to vector<8x128xf32>
    %get3A_14 = arith.constant 0 : index
    %get3A_15 = arith.constant 3 : index
    %get3A_16 = arith.constant 0 : index
    %get3A_17 = vector.load %arg0[%get3A_14, %get3A_15, %get3A_16] : memref<8x8x128xf32, #tpu.memory_space<vmem>>, vector<8x1x128xf32>
    %get3A_18 = vector.shape_cast %get3A_17 : vector<8x1x128xf32> to vector<8x128xf32>
    %get3A_19 = arith.constant 0 : index
    %get3A_20 = arith.constant 4 : index
    %get3A_21 = arith.constant 0 : index
    %get3A_22 = vector.load %arg0[%get3A_19, %get3A_20, %get3A_21] : memref<8x8x128xf32, #tpu.memory_space<vmem>>, vector<8x1x128xf32>
    %get3A_23 = vector.shape_cast %get3A_22 : vector<8x1x128xf32> to vector<8x128xf32>
    %get3A_24 = arith.constant 0 : index
    %get3A_25 = arith.constant 5 : index
    %get3A_26 = arith.constant 0 : index
    %get3A_27 = vector.load %arg0[%get3A_24, %get3A_25, %get3A_26] : memref<8x8x128xf32, #tpu.memory_space<vmem>>, vector<8x1x128xf32>
    %get3A_28 = vector.shape_cast %get3A_27 : vector<8x1x128xf32> to vector<8x128xf32>
    %get3A_29 = arith.constant 0 : index
    %get3A_30 = arith.constant 6 : index
    %get3A_31 = arith.constant 0 : index
    %get3A_32 = vector.load %arg0[%get3A_29, %get3A_30, %get3A_31] : memref<8x8x128xf32, #tpu.memory_space<vmem>>, vector<8x1x128xf32>
    %get3A_33 = vector.shape_cast %get3A_32 : vector<8x1x128xf32> to vector<8x128xf32>
    %get3A_34 = arith.constant 0 : index
    %get3A_35 = arith.constant 7 : index
    %get3A_36 = arith.constant 0 : index
    %get3A_37 = vector.load %arg0[%get3A_34, %get3A_35, %get3A_36] : memref<8x8x128xf32, #tpu.memory_space<vmem>>, vector<8x1x128xf32>
    %get3A_38 = vector.shape_cast %get3A_37 : vector<8x1x128xf32> to vector<8x128xf32>
    %broadcast_in_dim3A = arith.constant 0.000000e+00 : f32
    %broadcast_in_dim3A_39 = vector.broadcast %broadcast_in_dim3A : f32 to vector<8x128xf32>
    %broadcast_in_dim3A_40 = arith.constant 0.000000e+00 : f32
    %broadcast_in_dim3A_41 = vector.broadcast %broadcast_in_dim3A_40 : f32 to vector<8x128xf32>
    %get3A_42 = arith.constant 0 : index
    %get3A_43 = arith.constant 0 : index
    %get3A_44 = vector.load %arg1[%get3A_42, %get3A_43] : memref<128x512xf32, #tpu.memory_space<vmem>>, vector<128x512xf32>
    %dot_general3A = arith.constant dense<0.000000e+00> : vector<8x512xf32>
    %dot_general3A_45 = tpu.matmul %get3A_3, %get3A_44, %dot_general3A {dimension_numbers = #tpu.dot_dimension_numbers<[1], [0], [0], [1], [0, 0, 1, 1], [], []>, precision = #tpu.contract_precision<fp32>, transpose_lhs_hint = false} : vector<8x128xf32>, vector<128x512xf32>, vector<8x512xf32> -> vector<8x512xf32>
    %get3A_46 = arith.constant 0 : index
    %get3A_47 = arith.constant 0 : index
    %get3A_48 = vector.load %arg2[%get3A_46, %get3A_47] : memref<128x512xf32, #tpu.memory_space<vmem>>, vector<128x512xf32>
    %dot_general3A_49 = arith.constant dense<0.000000e+00> : vector<8x512xf32>
    %dot_general3A_50 = tpu.matmul %broadcast_in_dim3A_39, %get3A_48, %dot_general3A_49 {dimension_numbers = #tpu.dot_dimension_numbers<[1], [0], [0], [1], [0, 0, 1, 1], [], []>, precision = #tpu.contract_precision<fp32>, transpose_lhs_hint = false} : vector<8x128xf32>, vector<128x512xf32>, vector<8x512xf32> -> vector<8x512xf32>
    %add3A = arith.addf %dot_general3A_45, %dot_general3A_50 : vector<8x512xf32>
    %get3A_51 = arith.constant 0 : index
    %get3A_52 = arith.constant 0 : index
    %get3A_53 = vector.load %arg3[%get3A_51, %get3A_52] : memref<1x512xf32, #tpu.memory_space<vmem>>, vector<1x512xf32>
    %add3A_54 = vector.broadcast %get3A_53 : vector<1x512xf32> to vector<8x512xf32>
    %add3A_55 = arith.addf %add3A, %add3A_54 : vector<8x512xf32>
    %slice3A = vector.extract_strided_slice %add3A_55 {offsets = [0, 0], sizes = [8, 128], strides = [1, 1]} : vector<8x512xf32> to vector<8x128xf32>
    %logistic3A = arith.negf %slice3A : vector<8x128xf32>
    %logistic3A_56 = math.exp %logistic3A : vector<8x128xf32>
    %logistic3A_57 = arith.constant 1.000000e+00 : f32
    %logistic3A_58 = vector.broadcast %logistic3A_57 : f32 to vector<8x128xf32>
    %logistic3A_59 = arith.addf %logistic3A_58, %logistic3A_56 : vector<8x128xf32>
    %logistic3A_60 = arith.divf %logistic3A_58, %logistic3A_59 : vector<8x128xf32>
    %slice3A_61 = vector.extract_strided_slice %add3A_55 {offsets = [0, 128], sizes = [8, 128], strides = [1, 1]} : vector<8x512xf32> to vector<8x128xf32>
    %logistic3A_62 = arith.negf %slice3A_61 : vector<8x128xf32>
    %logistic3A_63 = math.exp %logistic3A_62 : vector<8x128xf32>
    %logistic3A_64 = arith.constant 1.000000e+00 : f32
    %logistic3A_65 = vector.broadcast %logistic3A_64 : f32 to vector<8x128xf32>
    %logistic3A_66 = arith.addf %logistic3A_65, %logistic3A_63 : vector<8x128xf32>
    %logistic3A_67 = arith.divf %logistic3A_65, %logistic3A_66 : vector<8x128xf32>
    %slice3A_68 = vector.extract_strided_slice %add3A_55 {offsets = [0, 256], sizes = [8, 128], strides = [1, 1]} : vector<8x512xf32> to vector<8x128xf32>
    %tanh3A = math.tanh %slice3A_68 : vector<8x128xf32>
    %slice3A_69 = vector.extract_strided_slice %add3A_55 {offsets = [0, 384], sizes = [8, 128], strides = [1, 1]} : vector<8x512xf32> to vector<8x128xf32>
    %logistic3A_70 = arith.negf %slice3A_69 : vector<8x128xf32>
    %logistic3A_71 = math.exp %logistic3A_70 : vector<8x128xf32>
    %logistic3A_72 = arith.constant 1.000000e+00 : f32
    %logistic3A_73 = vector.broadcast %logistic3A_72 : f32 to vector<8x128xf32>
    %logistic3A_74 = arith.addf %logistic3A_73, %logistic3A_71 : vector<8x128xf32>
    %logistic3A_75 = arith.divf %logistic3A_73, %logistic3A_74 : vector<8x128xf32>
    %mul3A = arith.mulf %logistic3A_67, %broadcast_in_dim3A_41 : vector<8x128xf32>
    %mul3A_76 = arith.mulf %logistic3A_60, %tanh3A : vector<8x128xf32>
    %add3A_77 = arith.addf %mul3A, %mul3A_76 : vector<8x128xf32>
    %tanh3A_78 = math.tanh %add3A_77 : vector<8x128xf32>
    %mul3A_79 = arith.mulf %logistic3A_75, %tanh3A_78 : vector<8x128xf32>
    %get3A_80 = arith.constant 0 : index
    %get3A_81 = arith.constant 0 : index
    %get3A_82 = vector.load %arg1[%get3A_80, %get3A_81] : memref<128x512xf32, #tpu.memory_space<vmem>>, vector<128x512xf32>
    %dot_general3A_83 = arith.constant dense<0.000000e+00> : vector<8x512xf32>
    %dot_general3A_84 = tpu.matmul %get3A_8, %get3A_82, %dot_general3A_83 {dimension_numbers = #tpu.dot_dimension_numbers<[1], [0], [0], [1], [0, 0, 1, 1], [], []>, precision = #tpu.contract_precision<fp32>, transpose_lhs_hint = false} : vector<8x128xf32>, vector<128x512xf32>, vector<8x512xf32> -> vector<8x512xf32>
    %get3A_85 = arith.constant 0 : index
    %get3A_86 = arith.constant 0 : index
    %get3A_87 = vector.load %arg2[%get3A_85, %get3A_86] : memref<128x512xf32, #tpu.memory_space<vmem>>, vector<128x512xf32>
    %dot_general3A_88 = arith.constant dense<0.000000e+00> : vector<8x512xf32>
    %dot_general3A_89 = tpu.matmul %mul3A_79, %get3A_87, %dot_general3A_88 {dimension_numbers = #tpu.dot_dimension_numbers<[1], [0], [0], [1], [0, 0, 1, 1], [], []>, precision = #tpu.contract_precision<fp32>, transpose_lhs_hint = false} : vector<8x128xf32>, vector<128x512xf32>, vector<8x512xf32> -> vector<8x512xf32>
    %add3A_90 = arith.addf %dot_general3A_84, %dot_general3A_89 : vector<8x512xf32>
    %get3A_91 = arith.constant 0 : index
    %get3A_92 = arith.constant 0 : index
    %get3A_93 = vector.load %arg3[%get3A_91, %get3A_92] : memref<1x512xf32, #tpu.memory_space<vmem>>, vector<1x512xf32>
    %add3A_94 = vector.broadcast %get3A_93 : vector<1x512xf32> to vector<8x512xf32>
    %add3A_95 = arith.addf %add3A_90, %add3A_94 : vector<8x512xf32>
    %slice3A_96 = vector.extract_strided_slice %add3A_95 {offsets = [0, 0], sizes = [8, 128], strides = [1, 1]} : vector<8x512xf32> to vector<8x128xf32>
    %logistic3A_97 = arith.negf %slice3A_96 : vector<8x128xf32>
    %logistic3A_98 = math.exp %logistic3A_97 : vector<8x128xf32>
    %logistic3A_99 = arith.constant 1.000000e+00 : f32
    %logistic3A_100 = vector.broadcast %logistic3A_99 : f32 to vector<8x128xf32>
    %logistic3A_101 = arith.addf %logistic3A_100, %logistic3A_98 : vector<8x128xf32>
    %logistic3A_102 = arith.divf %logistic3A_100, %logistic3A_101 : vector<8x128xf32>
    %slice3A_103 = vector.extract_strided_slice %add3A_95 {offsets = [0, 128], sizes = [8, 128], strides = [1, 1]} : vector<8x512xf32> to vector<8x128xf32>
    %logistic3A_104 = arith.negf %slice3A_103 : vector<8x128xf32>
    %logistic3A_105 = math.exp %logistic3A_104 : vector<8x128xf32>
    %logistic3A_106 = arith.constant 1.000000e+00 : f32
    %logistic3A_107 = vector.broadcast %logistic3A_106 : f32 to vector<8x128xf32>
    %logistic3A_108 = arith.addf %logistic3A_107, %logistic3A_105 : vector<8x128xf32>
    %logistic3A_109 = arith.divf %logistic3A_107, %logistic3A_108 : vector<8x128xf32>
    %slice3A_110 = vector.extract_strided_slice %add3A_95 {offsets = [0, 256], sizes = [8, 128], strides = [1, 1]} : vector<8x512xf32> to vector<8x128xf32>
    %tanh3A_111 = math.tanh %slice3A_110 : vector<8x128xf32>
    %slice3A_112 = vector.extract_strided_slice %add3A_95 {offsets = [0, 384], sizes = [8, 128], strides = [1, 1]} : vector<8x512xf32> to vector<8x128xf32>
    %logistic3A_113 = arith.negf %slice3A_112 : vector<8x128xf32>
    %logistic3A_114 = math.exp %logistic3A_113 : vector<8x128xf32>
    %logistic3A_115 = arith.constant 1.000000e+00 : f32
    %logistic3A_116 = vector.broadcast %logistic3A_115 : f32 to vector<8x128xf32>
    %logistic3A_117 = arith.addf %logistic3A_116, %logistic3A_114 : vector<8x128xf32>
    %logistic3A_118 = arith.divf %logistic3A_116, %logistic3A_117 : vector<8x128xf32>
    %mul3A_119 = arith.mulf %logistic3A_109, %add3A_77 : vector<8x128xf32>
    %mul3A_120 = arith.mulf %logistic3A_102, %tanh3A_111 : vector<8x128xf32>
    %add3A_121 = arith.addf %mul3A_119, %mul3A_120 : vector<8x128xf32>
    %tanh3A_122 = math.tanh %add3A_121 : vector<8x128xf32>
    %mul3A_123 = arith.mulf %logistic3A_118, %tanh3A_122 : vector<8x128xf32>
    %get3A_124 = arith.constant 0 : index
    %get3A_125 = arith.constant 0 : index
    %get3A_126 = vector.load %arg1[%get3A_124, %get3A_125] : memref<128x512xf32, #tpu.memory_space<vmem>>, vector<128x512xf32>
    %dot_general3A_127 = arith.constant dense<0.000000e+00> : vector<8x512xf32>
    %dot_general3A_128 = tpu.matmul %get3A_13, %get3A_126, %dot_general3A_127 {dimension_numbers = #tpu.dot_dimension_numbers<[1], [0], [0], [1], [0, 0, 1, 1], [], []>, precision = #tpu.contract_precision<fp32>, transpose_lhs_hint = false} : vector<8x128xf32>, vector<128x512xf32>, vector<8x512xf32> -> vector<8x512xf32>
    %get3A_129 = arith.constant 0 : index
    %get3A_130 = arith.constant 0 : index
    %get3A_131 = vector.load %arg2[%get3A_129, %get3A_130] : memref<128x512xf32, #tpu.memory_space<vmem>>, vector<128x512xf32>
    %dot_general3A_132 = arith.constant dense<0.000000e+00> : vector<8x512xf32>
    %dot_general3A_133 = tpu.matmul %mul3A_123, %get3A_131, %dot_general3A_132 {dimension_numbers = #tpu.dot_dimension_numbers<[1], [0], [0], [1], [0, 0, 1, 1], [], []>, precision = #tpu.contract_precision<fp32>, transpose_lhs_hint = false} : vector<8x128xf32>, vector<128x512xf32>, vector<8x512xf32> -> vector<8x512xf32>
    %add3A_134 = arith.addf %dot_general3A_128, %dot_general3A_133 : vector<8x512xf32>
    %get3A_135 = arith.constant 0 : index
    %get3A_136 = arith.constant 0 : index
    %get3A_137 = vector.load %arg3[%get3A_135, %get3A_136] : memref<1x512xf32, #tpu.memory_space<vmem>>, vector<1x512xf32>
    %add3A_138 = vector.broadcast %get3A_137 : vector<1x512xf32> to vector<8x512xf32>
    %add3A_139 = arith.addf %add3A_134, %add3A_138 : vector<8x512xf32>
    %slice3A_140 = vector.extract_strided_slice %add3A_139 {offsets = [0, 0], sizes = [8, 128], strides = [1, 1]} : vector<8x512xf32> to vector<8x128xf32>
    %logistic3A_141 = arith.negf %slice3A_140 : vector<8x128xf32>
    %logistic3A_142 = math.exp %logistic3A_141 : vector<8x128xf32>
    %logistic3A_143 = arith.constant 1.000000e+00 : f32
    %logistic3A_144 = vector.broadcast %logistic3A_143 : f32 to vector<8x128xf32>
    %logistic3A_145 = arith.addf %logistic3A_144, %logistic3A_142 : vector<8x128xf32>
    %logistic3A_146 = arith.divf %logistic3A_144, %logistic3A_145 : vector<8x128xf32>
    %slice3A_147 = vector.extract_strided_slice %add3A_139 {offsets = [0, 128], sizes = [8, 128], strides = [1, 1]} : vector<8x512xf32> to vector<8x128xf32>
    %logistic3A_148 = arith.negf %slice3A_147 : vector<8x128xf32>
    %logistic3A_149 = math.exp %logistic3A_148 : vector<8x128xf32>
    %logistic3A_150 = arith.constant 1.000000e+00 : f32
    %logistic3A_151 = vector.broadcast %logistic3A_150 : f32 to vector<8x128xf32>
    %logistic3A_152 = arith.addf %logistic3A_151, %logistic3A_149 : vector<8x128xf32>
    %logistic3A_153 = arith.divf %logistic3A_151, %logistic3A_152 : vector<8x128xf32>
    %slice3A_154 = vector.extract_strided_slice %add3A_139 {offsets = [0, 256], sizes = [8, 128], strides = [1, 1]} : vector<8x512xf32> to vector<8x128xf32>
    %tanh3A_155 = math.tanh %slice3A_154 : vector<8x128xf32>
    %slice3A_156 = vector.extract_strided_slice %add3A_139 {offsets = [0, 384], sizes = [8, 128], strides = [1, 1]} : vector<8x512xf32> to vector<8x128xf32>
    %logistic3A_157 = arith.negf %slice3A_156 : vector<8x128xf32>
    %logistic3A_158 = math.exp %logistic3A_157 : vector<8x128xf32>
    %logistic3A_159 = arith.constant 1.000000e+00 : f32
    %logistic3A_160 = vector.broadcast %logistic3A_159 : f32 to vector<8x128xf32>
    %logistic3A_161 = arith.addf %logistic3A_160, %logistic3A_158 : vector<8x128xf32>
    %logistic3A_162 = arith.divf %logistic3A_160, %logistic3A_161 : vector<8x128xf32>
    %mul3A_163 = arith.mulf %logistic3A_153, %add3A_121 : vector<8x128xf32>
    %mul3A_164 = arith.mulf %logistic3A_146, %tanh3A_155 : vector<8x128xf32>
    %add3A_165 = arith.addf %mul3A_163, %mul3A_164 : vector<8x128xf32>
    %tanh3A_166 = math.tanh %add3A_165 : vector<8x128xf32>
    %mul3A_167 = arith.mulf %logistic3A_162, %tanh3A_166 : vector<8x128xf32>
    %get3A_168 = arith.constant 0 : index
    %get3A_169 = arith.constant 0 : index
    %get3A_170 = vector.load %arg1[%get3A_168, %get3A_169] : memref<128x512xf32, #tpu.memory_space<vmem>>, vector<128x512xf32>
    %dot_general3A_171 = arith.constant dense<0.000000e+00> : vector<8x512xf32>
    %dot_general3A_172 = tpu.matmul %get3A_18, %get3A_170, %dot_general3A_171 {dimension_numbers = #tpu.dot_dimension_numbers<[1], [0], [0], [1], [0, 0, 1, 1], [], []>, precision = #tpu.contract_precision<fp32>, transpose_lhs_hint = false} : vector<8x128xf32>, vector<128x512xf32>, vector<8x512xf32> -> vector<8x512xf32>
    %get3A_173 = arith.constant 0 : index
    %get3A_174 = arith.constant 0 : index
    %get3A_175 = vector.load %arg2[%get3A_173, %get3A_174] : memref<128x512xf32, #tpu.memory_space<vmem>>, vector<128x512xf32>
    %dot_general3A_176 = arith.constant dense<0.000000e+00> : vector<8x512xf32>
    %dot_general3A_177 = tpu.matmul %mul3A_167, %get3A_175, %dot_general3A_176 {dimension_numbers = #tpu.dot_dimension_numbers<[1], [0], [0], [1], [0, 0, 1, 1], [], []>, precision = #tpu.contract_precision<fp32>, transpose_lhs_hint = false} : vector<8x128xf32>, vector<128x512xf32>, vector<8x512xf32> -> vector<8x512xf32>
    %add3A_178 = arith.addf %dot_general3A_172, %dot_general3A_177 : vector<8x512xf32>
    %get3A_179 = arith.constant 0 : index
    %get3A_180 = arith.constant 0 : index
    %get3A_181 = vector.load %arg3[%get3A_179, %get3A_180] : memref<1x512xf32, #tpu.memory_space<vmem>>, vector<1x512xf32>
    %add3A_182 = vector.broadcast %get3A_181 : vector<1x512xf32> to vector<8x512xf32>
    %add3A_183 = arith.addf %add3A_178, %add3A_182 : vector<8x512xf32>
    %slice3A_184 = vector.extract_strided_slice %add3A_183 {offsets = [0, 0], sizes = [8, 128], strides = [1, 1]} : vector<8x512xf32> to vector<8x128xf32>
    %logistic3A_185 = arith.negf %slice3A_184 : vector<8x128xf32>
    %logistic3A_186 = math.exp %logistic3A_185 : vector<8x128xf32>
    %logistic3A_187 = arith.constant 1.000000e+00 : f32
    %logistic3A_188 = vector.broadcast %logistic3A_187 : f32 to vector<8x128xf32>
    %logistic3A_189 = arith.addf %logistic3A_188, %logistic3A_186 : vector<8x128xf32>
    %logistic3A_190 = arith.divf %logistic3A_188, %logistic3A_189 : vector<8x128xf32>
    %slice3A_191 = vector.extract_strided_slice %add3A_183 {offsets = [0, 128], sizes = [8, 128], strides = [1, 1]} : vector<8x512xf32> to vector<8x128xf32>
    %logistic3A_192 = arith.negf %slice3A_191 : vector<8x128xf32>
    %logistic3A_193 = math.exp %logistic3A_192 : vector<8x128xf32>
    %logistic3A_194 = arith.constant 1.000000e+00 : f32
    %logistic3A_195 = vector.broadcast %logistic3A_194 : f32 to vector<8x128xf32>
    %logistic3A_196 = arith.addf %logistic3A_195, %logistic3A_193 : vector<8x128xf32>
    %logistic3A_197 = arith.divf %logistic3A_195, %logistic3A_196 : vector<8x128xf32>
    %slice3A_198 = vector.extract_strided_slice %add3A_183 {offsets = [0, 256], sizes = [8, 128], strides = [1, 1]} : vector<8x512xf32> to vector<8x128xf32>
    %tanh3A_199 = math.tanh %slice3A_198 : vector<8x128xf32>
    %slice3A_200 = vector.extract_strided_slice %add3A_183 {offsets = [0, 384], sizes = [8, 128], strides = [1, 1]} : vector<8x512xf32> to vector<8x128xf32>
    %logistic3A_201 = arith.negf %slice3A_200 : vector<8x128xf32>
    %logistic3A_202 = math.exp %logistic3A_201 : vector<8x128xf32>
    %logistic3A_203 = arith.constant 1.000000e+00 : f32
    %logistic3A_204 = vector.broadcast %logistic3A_203 : f32 to vector<8x128xf32>
    %logistic3A_205 = arith.addf %logistic3A_204, %logistic3A_202 : vector<8x128xf32>
    %logistic3A_206 = arith.divf %logistic3A_204, %logistic3A_205 : vector<8x128xf32>
    %mul3A_207 = arith.mulf %logistic3A_197, %add3A_165 : vector<8x128xf32>
    %mul3A_208 = arith.mulf %logistic3A_190, %tanh3A_199 : vector<8x128xf32>
    %add3A_209 = arith.addf %mul3A_207, %mul3A_208 : vector<8x128xf32>
    %tanh3A_210 = math.tanh %add3A_209 : vector<8x128xf32>
    %mul3A_211 = arith.mulf %logistic3A_206, %tanh3A_210 : vector<8x128xf32>
    %get3A_212 = arith.constant 0 : index
    %get3A_213 = arith.constant 0 : index
    %get3A_214 = vector.load %arg1[%get3A_212, %get3A_213] : memref<128x512xf32, #tpu.memory_space<vmem>>, vector<128x512xf32>
    %dot_general3A_215 = arith.constant dense<0.000000e+00> : vector<8x512xf32>
    %dot_general3A_216 = tpu.matmul %get3A_23, %get3A_214, %dot_general3A_215 {dimension_numbers = #tpu.dot_dimension_numbers<[1], [0], [0], [1], [0, 0, 1, 1], [], []>, precision = #tpu.contract_precision<fp32>, transpose_lhs_hint = false} : vector<8x128xf32>, vector<128x512xf32>, vector<8x512xf32> -> vector<8x512xf32>
    %get3A_217 = arith.constant 0 : index
    %get3A_218 = arith.constant 0 : index
    %get3A_219 = vector.load %arg2[%get3A_217, %get3A_218] : memref<128x512xf32, #tpu.memory_space<vmem>>, vector<128x512xf32>
    %dot_general3A_220 = arith.constant dense<0.000000e+00> : vector<8x512xf32>
    %dot_general3A_221 = tpu.matmul %mul3A_211, %get3A_219, %dot_general3A_220 {dimension_numbers = #tpu.dot_dimension_numbers<[1], [0], [0], [1], [0, 0, 1, 1], [], []>, precision = #tpu.contract_precision<fp32>, transpose_lhs_hint = false} : vector<8x128xf32>, vector<128x512xf32>, vector<8x512xf32> -> vector<8x512xf32>
    %add3A_222 = arith.addf %dot_general3A_216, %dot_general3A_221 : vector<8x512xf32>
    %get3A_223 = arith.constant 0 : index
    %get3A_224 = arith.constant 0 : index
    %get3A_225 = vector.load %arg3[%get3A_223, %get3A_224] : memref<1x512xf32, #tpu.memory_space<vmem>>, vector<1x512xf32>
    %add3A_226 = vector.broadcast %get3A_225 : vector<1x512xf32> to vector<8x512xf32>
    %add3A_227 = arith.addf %add3A_222, %add3A_226 : vector<8x512xf32>
    %slice3A_228 = vector.extract_strided_slice %add3A_227 {offsets = [0, 0], sizes = [8, 128], strides = [1, 1]} : vector<8x512xf32> to vector<8x128xf32>
    %logistic3A_229 = arith.negf %slice3A_228 : vector<8x128xf32>
    %logistic3A_230 = math.exp %logistic3A_229 : vector<8x128xf32>
    %logistic3A_231 = arith.constant 1.000000e+00 : f32
    %logistic3A_232 = vector.broadcast %logistic3A_231 : f32 to vector<8x128xf32>
    %logistic3A_233 = arith.addf %logistic3A_232, %logistic3A_230 : vector<8x128xf32>
    %logistic3A_234 = arith.divf %logistic3A_232, %logistic3A_233 : vector<8x128xf32>
    %slice3A_235 = vector.extract_strided_slice %add3A_227 {offsets = [0, 128], sizes = [8, 128], strides = [1, 1]} : vector<8x512xf32> to vector<8x128xf32>
    %logistic3A_236 = arith.negf %slice3A_235 : vector<8x128xf32>
    %logistic3A_237 = math.exp %logistic3A_236 : vector<8x128xf32>
    %logistic3A_238 = arith.constant 1.000000e+00 : f32
    %logistic3A_239 = vector.broadcast %logistic3A_238 : f32 to vector<8x128xf32>
    %logistic3A_240 = arith.addf %logistic3A_239, %logistic3A_237 : vector<8x128xf32>
    %logistic3A_241 = arith.divf %logistic3A_239, %logistic3A_240 : vector<8x128xf32>
    %slice3A_242 = vector.extract_strided_slice %add3A_227 {offsets = [0, 256], sizes = [8, 128], strides = [1, 1]} : vector<8x512xf32> to vector<8x128xf32>
    %tanh3A_243 = math.tanh %slice3A_242 : vector<8x128xf32>
    %slice3A_244 = vector.extract_strided_slice %add3A_227 {offsets = [0, 384], sizes = [8, 128], strides = [1, 1]} : vector<8x512xf32> to vector<8x128xf32>
    %logistic3A_245 = arith.negf %slice3A_244 : vector<8x128xf32>
    %logistic3A_246 = math.exp %logistic3A_245 : vector<8x128xf32>
    %logistic3A_247 = arith.constant 1.000000e+00 : f32
    %logistic3A_248 = vector.broadcast %logistic3A_247 : f32 to vector<8x128xf32>
    %logistic3A_249 = arith.addf %logistic3A_248, %logistic3A_246 : vector<8x128xf32>
    %logistic3A_250 = arith.divf %logistic3A_248, %logistic3A_249 : vector<8x128xf32>
    %mul3A_251 = arith.mulf %logistic3A_241, %add3A_209 : vector<8x128xf32>
    %mul3A_252 = arith.mulf %logistic3A_234, %tanh3A_243 : vector<8x128xf32>
    %add3A_253 = arith.addf %mul3A_251, %mul3A_252 : vector<8x128xf32>
    %tanh3A_254 = math.tanh %add3A_253 : vector<8x128xf32>
    %mul3A_255 = arith.mulf %logistic3A_250, %tanh3A_254 : vector<8x128xf32>
    %get3A_256 = arith.constant 0 : index
    %get3A_257 = arith.constant 0 : index
    %get3A_258 = vector.load %arg1[%get3A_256, %get3A_257] : memref<128x512xf32, #tpu.memory_space<vmem>>, vector<128x512xf32>
    %dot_general3A_259 = arith.constant dense<0.000000e+00> : vector<8x512xf32>
    %dot_general3A_260 = tpu.matmul %get3A_28, %get3A_258, %dot_general3A_259 {dimension_numbers = #tpu.dot_dimension_numbers<[1], [0], [0], [1], [0, 0, 1, 1], [], []>, precision = #tpu.contract_precision<fp32>, transpose_lhs_hint = false} : vector<8x128xf32>, vector<128x512xf32>, vector<8x512xf32> -> vector<8x512xf32>
    %get3A_261 = arith.constant 0 : index
    %get3A_262 = arith.constant 0 : index
    %get3A_263 = vector.load %arg2[%get3A_261, %get3A_262] : memref<128x512xf32, #tpu.memory_space<vmem>>, vector<128x512xf32>
    %dot_general3A_264 = arith.constant dense<0.000000e+00> : vector<8x512xf32>
    %dot_general3A_265 = tpu.matmul %mul3A_255, %get3A_263, %dot_general3A_264 {dimension_numbers = #tpu.dot_dimension_numbers<[1], [0], [0], [1], [0, 0, 1, 1], [], []>, precision = #tpu.contract_precision<fp32>, transpose_lhs_hint = false} : vector<8x128xf32>, vector<128x512xf32>, vector<8x512xf32> -> vector<8x512xf32>
    %add3A_266 = arith.addf %dot_general3A_260, %dot_general3A_265 : vector<8x512xf32>
    %get3A_267 = arith.constant 0 : index
    %get3A_268 = arith.constant 0 : index
    %get3A_269 = vector.load %arg3[%get3A_267, %get3A_268] : memref<1x512xf32, #tpu.memory_space<vmem>>, vector<1x512xf32>
    %add3A_270 = vector.broadcast %get3A_269 : vector<1x512xf32> to vector<8x512xf32>
    %add3A_271 = arith.addf %add3A_266, %add3A_270 : vector<8x512xf32>
    %slice3A_272 = vector.extract_strided_slice %add3A_271 {offsets = [0, 0], sizes = [8, 128], strides = [1, 1]} : vector<8x512xf32> to vector<8x128xf32>
    %logistic3A_273 = arith.negf %slice3A_272 : vector<8x128xf32>
    %logistic3A_274 = math.exp %logistic3A_273 : vector<8x128xf32>
    %logistic3A_275 = arith.constant 1.000000e+00 : f32
    %logistic3A_276 = vector.broadcast %logistic3A_275 : f32 to vector<8x128xf32>
    %logistic3A_277 = arith.addf %logistic3A_276, %logistic3A_274 : vector<8x128xf32>
    %logistic3A_278 = arith.divf %logistic3A_276, %logistic3A_277 : vector<8x128xf32>
    %slice3A_279 = vector.extract_strided_slice %add3A_271 {offsets = [0, 128], sizes = [8, 128], strides = [1, 1]} : vector<8x512xf32> to vector<8x128xf32>
    %logistic3A_280 = arith.negf %slice3A_279 : vector<8x128xf32>
    %logistic3A_281 = math.exp %logistic3A_280 : vector<8x128xf32>
    %logistic3A_282 = arith.constant 1.000000e+00 : f32
    %logistic3A_283 = vector.broadcast %logistic3A_282 : f32 to vector<8x128xf32>
    %logistic3A_284 = arith.addf %logistic3A_283, %logistic3A_281 : vector<8x128xf32>
    %logistic3A_285 = arith.divf %logistic3A_283, %logistic3A_284 : vector<8x128xf32>
    %slice3A_286 = vector.extract_strided_slice %add3A_271 {offsets = [0, 256], sizes = [8, 128], strides = [1, 1]} : vector<8x512xf32> to vector<8x128xf32>
    %tanh3A_287 = math.tanh %slice3A_286 : vector<8x128xf32>
    %slice3A_288 = vector.extract_strided_slice %add3A_271 {offsets = [0, 384], sizes = [8, 128], strides = [1, 1]} : vector<8x512xf32> to vector<8x128xf32>
    %logistic3A_289 = arith.negf %slice3A_288 : vector<8x128xf32>
    %logistic3A_290 = math.exp %logistic3A_289 : vector<8x128xf32>
    %logistic3A_291 = arith.constant 1.000000e+00 : f32
    %logistic3A_292 = vector.broadcast %logistic3A_291 : f32 to vector<8x128xf32>
    %logistic3A_293 = arith.addf %logistic3A_292, %logistic3A_290 : vector<8x128xf32>
    %logistic3A_294 = arith.divf %logistic3A_292, %logistic3A_293 : vector<8x128xf32>
    %mul3A_295 = arith.mulf %logistic3A_285, %add3A_253 : vector<8x128xf32>
    %mul3A_296 = arith.mulf %logistic3A_278, %tanh3A_287 : vector<8x128xf32>
    %add3A_297 = arith.addf %mul3A_295, %mul3A_296 : vector<8x128xf32>
    %tanh3A_298 = math.tanh %add3A_297 : vector<8x128xf32>
    %mul3A_299 = arith.mulf %logistic3A_294, %tanh3A_298 : vector<8x128xf32>
    %get3A_300 = arith.constant 0 : index
    %get3A_301 = arith.constant 0 : index
    %get3A_302 = vector.load %arg1[%get3A_300, %get3A_301] : memref<128x512xf32, #tpu.memory_space<vmem>>, vector<128x512xf32>
    %dot_general3A_303 = arith.constant dense<0.000000e+00> : vector<8x512xf32>
    %dot_general3A_304 = tpu.matmul %get3A_33, %get3A_302, %dot_general3A_303 {dimension_numbers = #tpu.dot_dimension_numbers<[1], [0], [0], [1], [0, 0, 1, 1], [], []>, precision = #tpu.contract_precision<fp32>, transpose_lhs_hint = false} : vector<8x128xf32>, vector<128x512xf32>, vector<8x512xf32> -> vector<8x512xf32>
    %get3A_305 = arith.constant 0 : index
    %get3A_306 = arith.constant 0 : index
    %get3A_307 = vector.load %arg2[%get3A_305, %get3A_306] : memref<128x512xf32, #tpu.memory_space<vmem>>, vector<128x512xf32>
    %dot_general3A_308 = arith.constant dense<0.000000e+00> : vector<8x512xf32>
    %dot_general3A_309 = tpu.matmul %mul3A_299, %get3A_307, %dot_general3A_308 {dimension_numbers = #tpu.dot_dimension_numbers<[1], [0], [0], [1], [0, 0, 1, 1], [], []>, precision = #tpu.contract_precision<fp32>, transpose_lhs_hint = false} : vector<8x128xf32>, vector<128x512xf32>, vector<8x512xf32> -> vector<8x512xf32>
    %add3A_310 = arith.addf %dot_general3A_304, %dot_general3A_309 : vector<8x512xf32>
    %get3A_311 = arith.constant 0 : index
    %get3A_312 = arith.constant 0 : index
    %get3A_313 = vector.load %arg3[%get3A_311, %get3A_312] : memref<1x512xf32, #tpu.memory_space<vmem>>, vector<1x512xf32>
    %add3A_314 = vector.broadcast %get3A_313 : vector<1x512xf32> to vector<8x512xf32>
    %add3A_315 = arith.addf %add3A_310, %add3A_314 : vector<8x512xf32>
    %slice3A_316 = vector.extract_strided_slice %add3A_315 {offsets = [0, 0], sizes = [8, 128], strides = [1, 1]} : vector<8x512xf32> to vector<8x128xf32>
    %logistic3A_317 = arith.negf %slice3A_316 : vector<8x128xf32>
    %logistic3A_318 = math.exp %logistic3A_317 : vector<8x128xf32>
    %logistic3A_319 = arith.constant 1.000000e+00 : f32
    %logistic3A_320 = vector.broadcast %logistic3A_319 : f32 to vector<8x128xf32>
    %logistic3A_321 = arith.addf %logistic3A_320, %logistic3A_318 : vector<8x128xf32>
    %logistic3A_322 = arith.divf %logistic3A_320, %logistic3A_321 : vector<8x128xf32>
    %slice3A_323 = vector.extract_strided_slice %add3A_315 {offsets = [0, 128], sizes = [8, 128], strides = [1, 1]} : vector<8x512xf32> to vector<8x128xf32>
    %logistic3A_324 = arith.negf %slice3A_323 : vector<8x128xf32>
    %logistic3A_325 = math.exp %logistic3A_324 : vector<8x128xf32>
    %logistic3A_326 = arith.constant 1.000000e+00 : f32
    %logistic3A_327 = vector.broadcast %logistic3A_326 : f32 to vector<8x128xf32>
    %logistic3A_328 = arith.addf %logistic3A_327, %logistic3A_325 : vector<8x128xf32>
    %logistic3A_329 = arith.divf %logistic3A_327, %logistic3A_328 : vector<8x128xf32>
    %slice3A_330 = vector.extract_strided_slice %add3A_315 {offsets = [0, 256], sizes = [8, 128], strides = [1, 1]} : vector<8x512xf32> to vector<8x128xf32>
    %tanh3A_331 = math.tanh %slice3A_330 : vector<8x128xf32>
    %slice3A_332 = vector.extract_strided_slice %add3A_315 {offsets = [0, 384], sizes = [8, 128], strides = [1, 1]} : vector<8x512xf32> to vector<8x128xf32>
    %logistic3A_333 = arith.negf %slice3A_332 : vector<8x128xf32>
    %logistic3A_334 = math.exp %logistic3A_333 : vector<8x128xf32>
    %logistic3A_335 = arith.constant 1.000000e+00 : f32
    %logistic3A_336 = vector.broadcast %logistic3A_335 : f32 to vector<8x128xf32>
    %logistic3A_337 = arith.addf %logistic3A_336, %logistic3A_334 : vector<8x128xf32>
    %logistic3A_338 = arith.divf %logistic3A_336, %logistic3A_337 : vector<8x128xf32>
    %mul3A_339 = arith.mulf %logistic3A_329, %add3A_297 : vector<8x128xf32>
    %mul3A_340 = arith.mulf %logistic3A_322, %tanh3A_331 : vector<8x128xf32>
    %add3A_341 = arith.addf %mul3A_339, %mul3A_340 : vector<8x128xf32>
    %tanh3A_342 = math.tanh %add3A_341 : vector<8x128xf32>
    %mul3A_343 = arith.mulf %logistic3A_338, %tanh3A_342 : vector<8x128xf32>
    %get3A_344 = arith.constant 0 : index
    %get3A_345 = arith.constant 0 : index
    %get3A_346 = vector.load %arg1[%get3A_344, %get3A_345] : memref<128x512xf32, #tpu.memory_space<vmem>>, vector<128x512xf32>
    %dot_general3A_347 = arith.constant dense<0.000000e+00> : vector<8x512xf32>
    %dot_general3A_348 = tpu.matmul %get3A_38, %get3A_346, %dot_general3A_347 {dimension_numbers = #tpu.dot_dimension_numbers<[1], [0], [0], [1], [0, 0, 1, 1], [], []>, precision = #tpu.contract_precision<fp32>, transpose_lhs_hint = false} : vector<8x128xf32>, vector<128x512xf32>, vector<8x512xf32> -> vector<8x512xf32>
    %get3A_349 = arith.constant 0 : index
    %get3A_350 = arith.constant 0 : index
    %get3A_351 = vector.load %arg2[%get3A_349, %get3A_350] : memref<128x512xf32, #tpu.memory_space<vmem>>, vector<128x512xf32>
    %dot_general3A_352 = arith.constant dense<0.000000e+00> : vector<8x512xf32>
    %dot_general3A_353 = tpu.matmul %mul3A_343, %get3A_351, %dot_general3A_352 {dimension_numbers = #tpu.dot_dimension_numbers<[1], [0], [0], [1], [0, 0, 1, 1], [], []>, precision = #tpu.contract_precision<fp32>, transpose_lhs_hint = false} : vector<8x128xf32>, vector<128x512xf32>, vector<8x512xf32> -> vector<8x512xf32>
    %add3A_354 = arith.addf %dot_general3A_348, %dot_general3A_353 : vector<8x512xf32>
    %get3A_355 = arith.constant 0 : index
    %get3A_356 = arith.constant 0 : index
    %get3A_357 = vector.load %arg3[%get3A_355, %get3A_356] : memref<1x512xf32, #tpu.memory_space<vmem>>, vector<1x512xf32>
    %add3A_358 = vector.broadcast %get3A_357 : vector<1x512xf32> to vector<8x512xf32>
    %add3A_359 = arith.addf %add3A_354, %add3A_358 : vector<8x512xf32>
    %slice3A_360 = vector.extract_strided_slice %add3A_359 {offsets = [0, 0], sizes = [8, 128], strides = [1, 1]} : vector<8x512xf32> to vector<8x128xf32>
    %logistic3A_361 = arith.negf %slice3A_360 : vector<8x128xf32>
    %logistic3A_362 = math.exp %logistic3A_361 : vector<8x128xf32>
    %logistic3A_363 = arith.constant 1.000000e+00 : f32
    %logistic3A_364 = vector.broadcast %logistic3A_363 : f32 to vector<8x128xf32>
    %logistic3A_365 = arith.addf %logistic3A_364, %logistic3A_362 : vector<8x128xf32>
    %logistic3A_366 = arith.divf %logistic3A_364, %logistic3A_365 : vector<8x128xf32>
    %slice3A_367 = vector.extract_strided_slice %add3A_359 {offsets = [0, 128], sizes = [8, 128], strides = [1, 1]} : vector<8x512xf32> to vector<8x128xf32>
    %logistic3A_368 = arith.negf %slice3A_367 : vector<8x128xf32>
    %logistic3A_369 = math.exp %logistic3A_368 : vector<8x128xf32>
    %logistic3A_370 = arith.constant 1.000000e+00 : f32
    %logistic3A_371 = vector.broadcast %logistic3A_370 : f32 to vector<8x128xf32>
    %logistic3A_372 = arith.addf %logistic3A_371, %logistic3A_369 : vector<8x128xf32>
    %logistic3A_373 = arith.divf %logistic3A_371, %logistic3A_372 : vector<8x128xf32>
    %slice3A_374 = vector.extract_strided_slice %add3A_359 {offsets = [0, 256], sizes = [8, 128], strides = [1, 1]} : vector<8x512xf32> to vector<8x128xf32>
    %tanh3A_375 = math.tanh %slice3A_374 : vector<8x128xf32>
    %slice3A_376 = vector.extract_strided_slice %add3A_359 {offsets = [0, 384], sizes = [8, 128], strides = [1, 1]} : vector<8x512xf32> to vector<8x128xf32>
    %logistic3A_377 = arith.negf %slice3A_376 : vector<8x128xf32>
    %logistic3A_378 = math.exp %logistic3A_377 : vector<8x128xf32>
    %logistic3A_379 = arith.constant 1.000000e+00 : f32
    %logistic3A_380 = vector.broadcast %logistic3A_379 : f32 to vector<8x128xf32>
    %logistic3A_381 = arith.addf %logistic3A_380, %logistic3A_378 : vector<8x128xf32>
    %logistic3A_382 = arith.divf %logistic3A_380, %logistic3A_381 : vector<8x128xf32>
    %mul3A_383 = arith.mulf %logistic3A_373, %add3A_341 : vector<8x128xf32>
    %mul3A_384 = arith.mulf %logistic3A_366, %tanh3A_375 : vector<8x128xf32>
    %add3A_385 = arith.addf %mul3A_383, %mul3A_384 : vector<8x128xf32>
    %tanh3A_386 = math.tanh %add3A_385 : vector<8x128xf32>
    %mul3A_387 = arith.mulf %logistic3A_382, %tanh3A_386 : vector<8x128xf32>
    %broadcast_in_dim3A_388 = arith.constant 0.000000e+00 : f32
    %broadcast_in_dim3A_389 = vector.broadcast %broadcast_in_dim3A_388 : f32 to vector<8x128xf32>
    %broadcast_in_dim3A_390 = arith.constant 0.000000e+00 : f32
    %broadcast_in_dim3A_391 = vector.broadcast %broadcast_in_dim3A_390 : f32 to vector<8x128xf32>
    %get3A_392 = arith.constant 0 : index
    %get3A_393 = arith.constant 0 : index
    %get3A_394 = vector.load %arg4[%get3A_392, %get3A_393] : memref<128x512xf32, #tpu.memory_space<vmem>>, vector<128x512xf32>
    %dot_general3A_395 = arith.constant dense<0.000000e+00> : vector<8x512xf32>
    %dot_general3A_396 = tpu.matmul %mul3A_79, %get3A_394, %dot_general3A_395 {dimension_numbers = #tpu.dot_dimension_numbers<[1], [0], [0], [1], [0, 0, 1, 1], [], []>, precision = #tpu.contract_precision<fp32>, transpose_lhs_hint = false} : vector<8x128xf32>, vector<128x512xf32>, vector<8x512xf32> -> vector<8x512xf32>
    %get3A_397 = arith.constant 0 : index
    %get3A_398 = arith.constant 0 : index
    %get3A_399 = vector.load %arg5[%get3A_397, %get3A_398] : memref<128x512xf32, #tpu.memory_space<vmem>>, vector<128x512xf32>
    %dot_general3A_400 = arith.constant dense<0.000000e+00> : vector<8x512xf32>
    %dot_general3A_401 = tpu.matmul %broadcast_in_dim3A_389, %get3A_399, %dot_general3A_400 {dimension_numbers = #tpu.dot_dimension_numbers<[1], [0], [0], [1], [0, 0, 1, 1], [], []>, precision = #tpu.contract_precision<fp32>, transpose_lhs_hint = false} : vector<8x128xf32>, vector<128x512xf32>, vector<8x512xf32> -> vector<8x512xf32>
    %add3A_402 = arith.addf %dot_general3A_396, %dot_general3A_401 : vector<8x512xf32>
    %get3A_403 = arith.constant 0 : index
    %get3A_404 = arith.constant 0 : index
    %get3A_405 = vector.load %arg6[%get3A_403, %get3A_404] : memref<1x512xf32, #tpu.memory_space<vmem>>, vector<1x512xf32>
    %add3A_406 = vector.broadcast %get3A_405 : vector<1x512xf32> to vector<8x512xf32>
    %add3A_407 = arith.addf %add3A_402, %add3A_406 : vector<8x512xf32>
    %slice3A_408 = vector.extract_strided_slice %add3A_407 {offsets = [0, 0], sizes = [8, 128], strides = [1, 1]} : vector<8x512xf32> to vector<8x128xf32>
    %logistic3A_409 = arith.negf %slice3A_408 : vector<8x128xf32>
    %logistic3A_410 = math.exp %logistic3A_409 : vector<8x128xf32>
    %logistic3A_411 = arith.constant 1.000000e+00 : f32
    %logistic3A_412 = vector.broadcast %logistic3A_411 : f32 to vector<8x128xf32>
    %logistic3A_413 = arith.addf %logistic3A_412, %logistic3A_410 : vector<8x128xf32>
    %logistic3A_414 = arith.divf %logistic3A_412, %logistic3A_413 : vector<8x128xf32>
    %slice3A_415 = vector.extract_strided_slice %add3A_407 {offsets = [0, 128], sizes = [8, 128], strides = [1, 1]} : vector<8x512xf32> to vector<8x128xf32>
    %logistic3A_416 = arith.negf %slice3A_415 : vector<8x128xf32>
    %logistic3A_417 = math.exp %logistic3A_416 : vector<8x128xf32>
    %logistic3A_418 = arith.constant 1.000000e+00 : f32
    %logistic3A_419 = vector.broadcast %logistic3A_418 : f32 to vector<8x128xf32>
    %logistic3A_420 = arith.addf %logistic3A_419, %logistic3A_417 : vector<8x128xf32>
    %logistic3A_421 = arith.divf %logistic3A_419, %logistic3A_420 : vector<8x128xf32>
    %slice3A_422 = vector.extract_strided_slice %add3A_407 {offsets = [0, 256], sizes = [8, 128], strides = [1, 1]} : vector<8x512xf32> to vector<8x128xf32>
    %tanh3A_423 = math.tanh %slice3A_422 : vector<8x128xf32>
    %slice3A_424 = vector.extract_strided_slice %add3A_407 {offsets = [0, 384], sizes = [8, 128], strides = [1, 1]} : vector<8x512xf32> to vector<8x128xf32>
    %logistic3A_425 = arith.negf %slice3A_424 : vector<8x128xf32>
    %logistic3A_426 = math.exp %logistic3A_425 : vector<8x128xf32>
    %logistic3A_427 = arith.constant 1.000000e+00 : f32
    %logistic3A_428 = vector.broadcast %logistic3A_427 : f32 to vector<8x128xf32>
    %logistic3A_429 = arith.addf %logistic3A_428, %logistic3A_426 : vector<8x128xf32>
    %logistic3A_430 = arith.divf %logistic3A_428, %logistic3A_429 : vector<8x128xf32>
    %mul3A_431 = arith.mulf %logistic3A_421, %broadcast_in_dim3A_391 : vector<8x128xf32>
    %mul3A_432 = arith.mulf %logistic3A_414, %tanh3A_423 : vector<8x128xf32>
    %add3A_433 = arith.addf %mul3A_431, %mul3A_432 : vector<8x128xf32>
    %tanh3A_434 = math.tanh %add3A_433 : vector<8x128xf32>
    %mul3A_435 = arith.mulf %logistic3A_430, %tanh3A_434 : vector<8x128xf32>
    %get3A_436 = arith.constant 0 : index
    %get3A_437 = arith.constant 0 : index
    %get3A_438 = vector.load %arg4[%get3A_436, %get3A_437] : memref<128x512xf32, #tpu.memory_space<vmem>>, vector<128x512xf32>
    %dot_general3A_439 = arith.constant dense<0.000000e+00> : vector<8x512xf32>
    %dot_general3A_440 = tpu.matmul %mul3A_123, %get3A_438, %dot_general3A_439 {dimension_numbers = #tpu.dot_dimension_numbers<[1], [0], [0], [1], [0, 0, 1, 1], [], []>, precision = #tpu.contract_precision<fp32>, transpose_lhs_hint = false} : vector<8x128xf32>, vector<128x512xf32>, vector<8x512xf32> -> vector<8x512xf32>
    %get3A_441 = arith.constant 0 : index
    %get3A_442 = arith.constant 0 : index
    %get3A_443 = vector.load %arg5[%get3A_441, %get3A_442] : memref<128x512xf32, #tpu.memory_space<vmem>>, vector<128x512xf32>
    %dot_general3A_444 = arith.constant dense<0.000000e+00> : vector<8x512xf32>
    %dot_general3A_445 = tpu.matmul %mul3A_435, %get3A_443, %dot_general3A_444 {dimension_numbers = #tpu.dot_dimension_numbers<[1], [0], [0], [1], [0, 0, 1, 1], [], []>, precision = #tpu.contract_precision<fp32>, transpose_lhs_hint = false} : vector<8x128xf32>, vector<128x512xf32>, vector<8x512xf32> -> vector<8x512xf32>
    %add3A_446 = arith.addf %dot_general3A_440, %dot_general3A_445 : vector<8x512xf32>
    %get3A_447 = arith.constant 0 : index
    %get3A_448 = arith.constant 0 : index
    %get3A_449 = vector.load %arg6[%get3A_447, %get3A_448] : memref<1x512xf32, #tpu.memory_space<vmem>>, vector<1x512xf32>
    %add3A_450 = vector.broadcast %get3A_449 : vector<1x512xf32> to vector<8x512xf32>
    %add3A_451 = arith.addf %add3A_446, %add3A_450 : vector<8x512xf32>
    %slice3A_452 = vector.extract_strided_slice %add3A_451 {offsets = [0, 0], sizes = [8, 128], strides = [1, 1]} : vector<8x512xf32> to vector<8x128xf32>
    %logistic3A_453 = arith.negf %slice3A_452 : vector<8x128xf32>
    %logistic3A_454 = math.exp %logistic3A_453 : vector<8x128xf32>
    %logistic3A_455 = arith.constant 1.000000e+00 : f32
    %logistic3A_456 = vector.broadcast %logistic3A_455 : f32 to vector<8x128xf32>
    %logistic3A_457 = arith.addf %logistic3A_456, %logistic3A_454 : vector<8x128xf32>
    %logistic3A_458 = arith.divf %logistic3A_456, %logistic3A_457 : vector<8x128xf32>
    %slice3A_459 = vector.extract_strided_slice %add3A_451 {offsets = [0, 128], sizes = [8, 128], strides = [1, 1]} : vector<8x512xf32> to vector<8x128xf32>
    %logistic3A_460 = arith.negf %slice3A_459 : vector<8x128xf32>
    %logistic3A_461 = math.exp %logistic3A_460 : vector<8x128xf32>
    %logistic3A_462 = arith.constant 1.000000e+00 : f32
    %logistic3A_463 = vector.broadcast %logistic3A_462 : f32 to vector<8x128xf32>
    %logistic3A_464 = arith.addf %logistic3A_463, %logistic3A_461 : vector<8x128xf32>
    %logistic3A_465 = arith.divf %logistic3A_463, %logistic3A_464 : vector<8x128xf32>
    %slice3A_466 = vector.extract_strided_slice %add3A_451 {offsets = [0, 256], sizes = [8, 128], strides = [1, 1]} : vector<8x512xf32> to vector<8x128xf32>
    %tanh3A_467 = math.tanh %slice3A_466 : vector<8x128xf32>
    %slice3A_468 = vector.extract_strided_slice %add3A_451 {offsets = [0, 384], sizes = [8, 128], strides = [1, 1]} : vector<8x512xf32> to vector<8x128xf32>
    %logistic3A_469 = arith.negf %slice3A_468 : vector<8x128xf32>
    %logistic3A_470 = math.exp %logistic3A_469 : vector<8x128xf32>
    %logistic3A_471 = arith.constant 1.000000e+00 : f32
    %logistic3A_472 = vector.broadcast %logistic3A_471 : f32 to vector<8x128xf32>
    %logistic3A_473 = arith.addf %logistic3A_472, %logistic3A_470 : vector<8x128xf32>
    %logistic3A_474 = arith.divf %logistic3A_472, %logistic3A_473 : vector<8x128xf32>
    %mul3A_475 = arith.mulf %logistic3A_465, %add3A_433 : vector<8x128xf32>
    %mul3A_476 = arith.mulf %logistic3A_458, %tanh3A_467 : vector<8x128xf32>
    %add3A_477 = arith.addf %mul3A_475, %mul3A_476 : vector<8x128xf32>
    %tanh3A_478 = math.tanh %add3A_477 : vector<8x128xf32>
    %mul3A_479 = arith.mulf %logistic3A_474, %tanh3A_478 : vector<8x128xf32>
    %get3A_480 = arith.constant 0 : index
    %get3A_481 = arith.constant 0 : index
    %get3A_482 = vector.load %arg4[%get3A_480, %get3A_481] : memref<128x512xf32, #tpu.memory_space<vmem>>, vector<128x512xf32>
    %dot_general3A_483 = arith.constant dense<0.000000e+00> : vector<8x512xf32>
    %dot_general3A_484 = tpu.matmul %mul3A_167, %get3A_482, %dot_general3A_483 {dimension_numbers = #tpu.dot_dimension_numbers<[1], [0], [0], [1], [0, 0, 1, 1], [], []>, precision = #tpu.contract_precision<fp32>, transpose_lhs_hint = false} : vector<8x128xf32>, vector<128x512xf32>, vector<8x512xf32> -> vector<8x512xf32>
    %get3A_485 = arith.constant 0 : index
    %get3A_486 = arith.constant 0 : index
    %get3A_487 = vector.load %arg5[%get3A_485, %get3A_486] : memref<128x512xf32, #tpu.memory_space<vmem>>, vector<128x512xf32>
    %dot_general3A_488 = arith.constant dense<0.000000e+00> : vector<8x512xf32>
    %dot_general3A_489 = tpu.matmul %mul3A_479, %get3A_487, %dot_general3A_488 {dimension_numbers = #tpu.dot_dimension_numbers<[1], [0], [0], [1], [0, 0, 1, 1], [], []>, precision = #tpu.contract_precision<fp32>, transpose_lhs_hint = false} : vector<8x128xf32>, vector<128x512xf32>, vector<8x512xf32> -> vector<8x512xf32>
    %add3A_490 = arith.addf %dot_general3A_484, %dot_general3A_489 : vector<8x512xf32>
    %get3A_491 = arith.constant 0 : index
    %get3A_492 = arith.constant 0 : index
    %get3A_493 = vector.load %arg6[%get3A_491, %get3A_492] : memref<1x512xf32, #tpu.memory_space<vmem>>, vector<1x512xf32>
    %add3A_494 = vector.broadcast %get3A_493 : vector<1x512xf32> to vector<8x512xf32>
    %add3A_495 = arith.addf %add3A_490, %add3A_494 : vector<8x512xf32>
    %slice3A_496 = vector.extract_strided_slice %add3A_495 {offsets = [0, 0], sizes = [8, 128], strides = [1, 1]} : vector<8x512xf32> to vector<8x128xf32>
    %logistic3A_497 = arith.negf %slice3A_496 : vector<8x128xf32>
    %logistic3A_498 = math.exp %logistic3A_497 : vector<8x128xf32>
    %logistic3A_499 = arith.constant 1.000000e+00 : f32
    %logistic3A_500 = vector.broadcast %logistic3A_499 : f32 to vector<8x128xf32>
    %logistic3A_501 = arith.addf %logistic3A_500, %logistic3A_498 : vector<8x128xf32>
    %logistic3A_502 = arith.divf %logistic3A_500, %logistic3A_501 : vector<8x128xf32>
    %slice3A_503 = vector.extract_strided_slice %add3A_495 {offsets = [0, 128], sizes = [8, 128], strides = [1, 1]} : vector<8x512xf32> to vector<8x128xf32>
    %logistic3A_504 = arith.negf %slice3A_503 : vector<8x128xf32>
    %logistic3A_505 = math.exp %logistic3A_504 : vector<8x128xf32>
    %logistic3A_506 = arith.constant 1.000000e+00 : f32
    %logistic3A_507 = vector.broadcast %logistic3A_506 : f32 to vector<8x128xf32>
    %logistic3A_508 = arith.addf %logistic3A_507, %logistic3A_505 : vector<8x128xf32>
    %logistic3A_509 = arith.divf %logistic3A_507, %logistic3A_508 : vector<8x128xf32>
    %slice3A_510 = vector.extract_strided_slice %add3A_495 {offsets = [0, 256], sizes = [8, 128], strides = [1, 1]} : vector<8x512xf32> to vector<8x128xf32>
    %tanh3A_511 = math.tanh %slice3A_510 : vector<8x128xf32>
    %slice3A_512 = vector.extract_strided_slice %add3A_495 {offsets = [0, 384], sizes = [8, 128], strides = [1, 1]} : vector<8x512xf32> to vector<8x128xf32>
    %logistic3A_513 = arith.negf %slice3A_512 : vector<8x128xf32>
    %logistic3A_514 = math.exp %logistic3A_513 : vector<8x128xf32>
    %logistic3A_515 = arith.constant 1.000000e+00 : f32
    %logistic3A_516 = vector.broadcast %logistic3A_515 : f32 to vector<8x128xf32>
    %logistic3A_517 = arith.addf %logistic3A_516, %logistic3A_514 : vector<8x128xf32>
    %logistic3A_518 = arith.divf %logistic3A_516, %logistic3A_517 : vector<8x128xf32>
    %mul3A_519 = arith.mulf %logistic3A_509, %add3A_477 : vector<8x128xf32>
    %mul3A_520 = arith.mulf %logistic3A_502, %tanh3A_511 : vector<8x128xf32>
    %add3A_521 = arith.addf %mul3A_519, %mul3A_520 : vector<8x128xf32>
    %tanh3A_522 = math.tanh %add3A_521 : vector<8x128xf32>
    %mul3A_523 = arith.mulf %logistic3A_518, %tanh3A_522 : vector<8x128xf32>
    %get3A_524 = arith.constant 0 : index
    %get3A_525 = arith.constant 0 : index
    %get3A_526 = vector.load %arg4[%get3A_524, %get3A_525] : memref<128x512xf32, #tpu.memory_space<vmem>>, vector<128x512xf32>
    %dot_general3A_527 = arith.constant dense<0.000000e+00> : vector<8x512xf32>
    %dot_general3A_528 = tpu.matmul %mul3A_211, %get3A_526, %dot_general3A_527 {dimension_numbers = #tpu.dot_dimension_numbers<[1], [0], [0], [1], [0, 0, 1, 1], [], []>, precision = #tpu.contract_precision<fp32>, transpose_lhs_hint = false} : vector<8x128xf32>, vector<128x512xf32>, vector<8x512xf32> -> vector<8x512xf32>
    %get3A_529 = arith.constant 0 : index
    %get3A_530 = arith.constant 0 : index
    %get3A_531 = vector.load %arg5[%get3A_529, %get3A_530] : memref<128x512xf32, #tpu.memory_space<vmem>>, vector<128x512xf32>
    %dot_general3A_532 = arith.constant dense<0.000000e+00> : vector<8x512xf32>
    %dot_general3A_533 = tpu.matmul %mul3A_523, %get3A_531, %dot_general3A_532 {dimension_numbers = #tpu.dot_dimension_numbers<[1], [0], [0], [1], [0, 0, 1, 1], [], []>, precision = #tpu.contract_precision<fp32>, transpose_lhs_hint = false} : vector<8x128xf32>, vector<128x512xf32>, vector<8x512xf32> -> vector<8x512xf32>
    %add3A_534 = arith.addf %dot_general3A_528, %dot_general3A_533 : vector<8x512xf32>
    %get3A_535 = arith.constant 0 : index
    %get3A_536 = arith.constant 0 : index
    %get3A_537 = vector.load %arg6[%get3A_535, %get3A_536] : memref<1x512xf32, #tpu.memory_space<vmem>>, vector<1x512xf32>
    %add3A_538 = vector.broadcast %get3A_537 : vector<1x512xf32> to vector<8x512xf32>
    %add3A_539 = arith.addf %add3A_534, %add3A_538 : vector<8x512xf32>
    %slice3A_540 = vector.extract_strided_slice %add3A_539 {offsets = [0, 0], sizes = [8, 128], strides = [1, 1]} : vector<8x512xf32> to vector<8x128xf32>
    %logistic3A_541 = arith.negf %slice3A_540 : vector<8x128xf32>
    %logistic3A_542 = math.exp %logistic3A_541 : vector<8x128xf32>
    %logistic3A_543 = arith.constant 1.000000e+00 : f32
    %logistic3A_544 = vector.broadcast %logistic3A_543 : f32 to vector<8x128xf32>
    %logistic3A_545 = arith.addf %logistic3A_544, %logistic3A_542 : vector<8x128xf32>
    %logistic3A_546 = arith.divf %logistic3A_544, %logistic3A_545 : vector<8x128xf32>
    %slice3A_547 = vector.extract_strided_slice %add3A_539 {offsets = [0, 128], sizes = [8, 128], strides = [1, 1]} : vector<8x512xf32> to vector<8x128xf32>
    %logistic3A_548 = arith.negf %slice3A_547 : vector<8x128xf32>
    %logistic3A_549 = math.exp %logistic3A_548 : vector<8x128xf32>
    %logistic3A_550 = arith.constant 1.000000e+00 : f32
    %logistic3A_551 = vector.broadcast %logistic3A_550 : f32 to vector<8x128xf32>
    %logistic3A_552 = arith.addf %logistic3A_551, %logistic3A_549 : vector<8x128xf32>
    %logistic3A_553 = arith.divf %logistic3A_551, %logistic3A_552 : vector<8x128xf32>
    %slice3A_554 = vector.extract_strided_slice %add3A_539 {offsets = [0, 256], sizes = [8, 128], strides = [1, 1]} : vector<8x512xf32> to vector<8x128xf32>
    %tanh3A_555 = math.tanh %slice3A_554 : vector<8x128xf32>
    %slice3A_556 = vector.extract_strided_slice %add3A_539 {offsets = [0, 384], sizes = [8, 128], strides = [1, 1]} : vector<8x512xf32> to vector<8x128xf32>
    %logistic3A_557 = arith.negf %slice3A_556 : vector<8x128xf32>
    %logistic3A_558 = math.exp %logistic3A_557 : vector<8x128xf32>
    %logistic3A_559 = arith.constant 1.000000e+00 : f32
    %logistic3A_560 = vector.broadcast %logistic3A_559 : f32 to vector<8x128xf32>
    %logistic3A_561 = arith.addf %logistic3A_560, %logistic3A_558 : vector<8x128xf32>
    %logistic3A_562 = arith.divf %logistic3A_560, %logistic3A_561 : vector<8x128xf32>
    %mul3A_563 = arith.mulf %logistic3A_553, %add3A_521 : vector<8x128xf32>
    %mul3A_564 = arith.mulf %logistic3A_546, %tanh3A_555 : vector<8x128xf32>
    %add3A_565 = arith.addf %mul3A_563, %mul3A_564 : vector<8x128xf32>
    %tanh3A_566 = math.tanh %add3A_565 : vector<8x128xf32>
    %mul3A_567 = arith.mulf %logistic3A_562, %tanh3A_566 : vector<8x128xf32>
    %get3A_568 = arith.constant 0 : index
    %get3A_569 = arith.constant 0 : index
    %get3A_570 = vector.load %arg4[%get3A_568, %get3A_569] : memref<128x512xf32, #tpu.memory_space<vmem>>, vector<128x512xf32>
    %dot_general3A_571 = arith.constant dense<0.000000e+00> : vector<8x512xf32>
    %dot_general3A_572 = tpu.matmul %mul3A_255, %get3A_570, %dot_general3A_571 {dimension_numbers = #tpu.dot_dimension_numbers<[1], [0], [0], [1], [0, 0, 1, 1], [], []>, precision = #tpu.contract_precision<fp32>, transpose_lhs_hint = false} : vector<8x128xf32>, vector<128x512xf32>, vector<8x512xf32> -> vector<8x512xf32>
    %get3A_573 = arith.constant 0 : index
    %get3A_574 = arith.constant 0 : index
    %get3A_575 = vector.load %arg5[%get3A_573, %get3A_574] : memref<128x512xf32, #tpu.memory_space<vmem>>, vector<128x512xf32>
    %dot_general3A_576 = arith.constant dense<0.000000e+00> : vector<8x512xf32>
    %dot_general3A_577 = tpu.matmul %mul3A_567, %get3A_575, %dot_general3A_576 {dimension_numbers = #tpu.dot_dimension_numbers<[1], [0], [0], [1], [0, 0, 1, 1], [], []>, precision = #tpu.contract_precision<fp32>, transpose_lhs_hint = false} : vector<8x128xf32>, vector<128x512xf32>, vector<8x512xf32> -> vector<8x512xf32>
    %add3A_578 = arith.addf %dot_general3A_572, %dot_general3A_577 : vector<8x512xf32>
    %get3A_579 = arith.constant 0 : index
    %get3A_580 = arith.constant 0 : index
    %get3A_581 = vector.load %arg6[%get3A_579, %get3A_580] : memref<1x512xf32, #tpu.memory_space<vmem>>, vector<1x512xf32>
    %add3A_582 = vector.broadcast %get3A_581 : vector<1x512xf32> to vector<8x512xf32>
    %add3A_583 = arith.addf %add3A_578, %add3A_582 : vector<8x512xf32>
    %slice3A_584 = vector.extract_strided_slice %add3A_583 {offsets = [0, 0], sizes = [8, 128], strides = [1, 1]} : vector<8x512xf32> to vector<8x128xf32>
    %logistic3A_585 = arith.negf %slice3A_584 : vector<8x128xf32>
    %logistic3A_586 = math.exp %logistic3A_585 : vector<8x128xf32>
    %logistic3A_587 = arith.constant 1.000000e+00 : f32
    %logistic3A_588 = vector.broadcast %logistic3A_587 : f32 to vector<8x128xf32>
    %logistic3A_589 = arith.addf %logistic3A_588, %logistic3A_586 : vector<8x128xf32>
    %logistic3A_590 = arith.divf %logistic3A_588, %logistic3A_589 : vector<8x128xf32>
    %slice3A_591 = vector.extract_strided_slice %add3A_583 {offsets = [0, 128], sizes = [8, 128], strides = [1, 1]} : vector<8x512xf32> to vector<8x128xf32>
    %logistic3A_592 = arith.negf %slice3A_591 : vector<8x128xf32>
    %logistic3A_593 = math.exp %logistic3A_592 : vector<8x128xf32>
    %logistic3A_594 = arith.constant 1.000000e+00 : f32
    %logistic3A_595 = vector.broadcast %logistic3A_594 : f32 to vector<8x128xf32>
    %logistic3A_596 = arith.addf %logistic3A_595, %logistic3A_593 : vector<8x128xf32>
    %logistic3A_597 = arith.divf %logistic3A_595, %logistic3A_596 : vector<8x128xf32>
    %slice3A_598 = vector.extract_strided_slice %add3A_583 {offsets = [0, 256], sizes = [8, 128], strides = [1, 1]} : vector<8x512xf32> to vector<8x128xf32>
    %tanh3A_599 = math.tanh %slice3A_598 : vector<8x128xf32>
    %slice3A_600 = vector.extract_strided_slice %add3A_583 {offsets = [0, 384], sizes = [8, 128], strides = [1, 1]} : vector<8x512xf32> to vector<8x128xf32>
    %logistic3A_601 = arith.negf %slice3A_600 : vector<8x128xf32>
    %logistic3A_602 = math.exp %logistic3A_601 : vector<8x128xf32>
    %logistic3A_603 = arith.constant 1.000000e+00 : f32
    %logistic3A_604 = vector.broadcast %logistic3A_603 : f32 to vector<8x128xf32>
    %logistic3A_605 = arith.addf %logistic3A_604, %logistic3A_602 : vector<8x128xf32>
    %logistic3A_606 = arith.divf %logistic3A_604, %logistic3A_605 : vector<8x128xf32>
    %mul3A_607 = arith.mulf %logistic3A_597, %add3A_565 : vector<8x128xf32>
    %mul3A_608 = arith.mulf %logistic3A_590, %tanh3A_599 : vector<8x128xf32>
    %add3A_609 = arith.addf %mul3A_607, %mul3A_608 : vector<8x128xf32>
    %tanh3A_610 = math.tanh %add3A_609 : vector<8x128xf32>
    %mul3A_611 = arith.mulf %logistic3A_606, %tanh3A_610 : vector<8x128xf32>
    %get3A_612 = arith.constant 0 : index
    %get3A_613 = arith.constant 0 : index
    %get3A_614 = vector.load %arg4[%get3A_612, %get3A_613] : memref<128x512xf32, #tpu.memory_space<vmem>>, vector<128x512xf32>
    %dot_general3A_615 = arith.constant dense<0.000000e+00> : vector<8x512xf32>
    %dot_general3A_616 = tpu.matmul %mul3A_299, %get3A_614, %dot_general3A_615 {dimension_numbers = #tpu.dot_dimension_numbers<[1], [0], [0], [1], [0, 0, 1, 1], [], []>, precision = #tpu.contract_precision<fp32>, transpose_lhs_hint = false} : vector<8x128xf32>, vector<128x512xf32>, vector<8x512xf32> -> vector<8x512xf32>
    %get3A_617 = arith.constant 0 : index
    %get3A_618 = arith.constant 0 : index
    %get3A_619 = vector.load %arg5[%get3A_617, %get3A_618] : memref<128x512xf32, #tpu.memory_space<vmem>>, vector<128x512xf32>
    %dot_general3A_620 = arith.constant dense<0.000000e+00> : vector<8x512xf32>
    %dot_general3A_621 = tpu.matmul %mul3A_611, %get3A_619, %dot_general3A_620 {dimension_numbers = #tpu.dot_dimension_numbers<[1], [0], [0], [1], [0, 0, 1, 1], [], []>, precision = #tpu.contract_precision<fp32>, transpose_lhs_hint = false} : vector<8x128xf32>, vector<128x512xf32>, vector<8x512xf32> -> vector<8x512xf32>
    %add3A_622 = arith.addf %dot_general3A_616, %dot_general3A_621 : vector<8x512xf32>
    %get3A_623 = arith.constant 0 : index
    %get3A_624 = arith.constant 0 : index
    %get3A_625 = vector.load %arg6[%get3A_623, %get3A_624] : memref<1x512xf32, #tpu.memory_space<vmem>>, vector<1x512xf32>
    %add3A_626 = vector.broadcast %get3A_625 : vector<1x512xf32> to vector<8x512xf32>
    %add3A_627 = arith.addf %add3A_622, %add3A_626 : vector<8x512xf32>
    %slice3A_628 = vector.extract_strided_slice %add3A_627 {offsets = [0, 0], sizes = [8, 128], strides = [1, 1]} : vector<8x512xf32> to vector<8x128xf32>
    %logistic3A_629 = arith.negf %slice3A_628 : vector<8x128xf32>
    %logistic3A_630 = math.exp %logistic3A_629 : vector<8x128xf32>
    %logistic3A_631 = arith.constant 1.000000e+00 : f32
    %logistic3A_632 = vector.broadcast %logistic3A_631 : f32 to vector<8x128xf32>
    %logistic3A_633 = arith.addf %logistic3A_632, %logistic3A_630 : vector<8x128xf32>
    %logistic3A_634 = arith.divf %logistic3A_632, %logistic3A_633 : vector<8x128xf32>
    %slice3A_635 = vector.extract_strided_slice %add3A_627 {offsets = [0, 128], sizes = [8, 128], strides = [1, 1]} : vector<8x512xf32> to vector<8x128xf32>
    %logistic3A_636 = arith.negf %slice3A_635 : vector<8x128xf32>
    %logistic3A_637 = math.exp %logistic3A_636 : vector<8x128xf32>
    %logistic3A_638 = arith.constant 1.000000e+00 : f32
    %logistic3A_639 = vector.broadcast %logistic3A_638 : f32 to vector<8x128xf32>
    %logistic3A_640 = arith.addf %logistic3A_639, %logistic3A_637 : vector<8x128xf32>
    %logistic3A_641 = arith.divf %logistic3A_639, %logistic3A_640 : vector<8x128xf32>
    %slice3A_642 = vector.extract_strided_slice %add3A_627 {offsets = [0, 256], sizes = [8, 128], strides = [1, 1]} : vector<8x512xf32> to vector<8x128xf32>
    %tanh3A_643 = math.tanh %slice3A_642 : vector<8x128xf32>
    %slice3A_644 = vector.extract_strided_slice %add3A_627 {offsets = [0, 384], sizes = [8, 128], strides = [1, 1]} : vector<8x512xf32> to vector<8x128xf32>
    %logistic3A_645 = arith.negf %slice3A_644 : vector<8x128xf32>
    %logistic3A_646 = math.exp %logistic3A_645 : vector<8x128xf32>
    %logistic3A_647 = arith.constant 1.000000e+00 : f32
    %logistic3A_648 = vector.broadcast %logistic3A_647 : f32 to vector<8x128xf32>
    %logistic3A_649 = arith.addf %logistic3A_648, %logistic3A_646 : vector<8x128xf32>
    %logistic3A_650 = arith.divf %logistic3A_648, %logistic3A_649 : vector<8x128xf32>
    %mul3A_651 = arith.mulf %logistic3A_641, %add3A_609 : vector<8x128xf32>
    %mul3A_652 = arith.mulf %logistic3A_634, %tanh3A_643 : vector<8x128xf32>
    %add3A_653 = arith.addf %mul3A_651, %mul3A_652 : vector<8x128xf32>
    %tanh3A_654 = math.tanh %add3A_653 : vector<8x128xf32>
    %mul3A_655 = arith.mulf %logistic3A_650, %tanh3A_654 : vector<8x128xf32>
    %get3A_656 = arith.constant 0 : index
    %get3A_657 = arith.constant 0 : index
    %get3A_658 = vector.load %arg4[%get3A_656, %get3A_657] : memref<128x512xf32, #tpu.memory_space<vmem>>, vector<128x512xf32>
    %dot_general3A_659 = arith.constant dense<0.000000e+00> : vector<8x512xf32>
    %dot_general3A_660 = tpu.matmul %mul3A_343, %get3A_658, %dot_general3A_659 {dimension_numbers = #tpu.dot_dimension_numbers<[1], [0], [0], [1], [0, 0, 1, 1], [], []>, precision = #tpu.contract_precision<fp32>, transpose_lhs_hint = false} : vector<8x128xf32>, vector<128x512xf32>, vector<8x512xf32> -> vector<8x512xf32>
    %get3A_661 = arith.constant 0 : index
    %get3A_662 = arith.constant 0 : index
    %get3A_663 = vector.load %arg5[%get3A_661, %get3A_662] : memref<128x512xf32, #tpu.memory_space<vmem>>, vector<128x512xf32>
    %dot_general3A_664 = arith.constant dense<0.000000e+00> : vector<8x512xf32>
    %dot_general3A_665 = tpu.matmul %mul3A_655, %get3A_663, %dot_general3A_664 {dimension_numbers = #tpu.dot_dimension_numbers<[1], [0], [0], [1], [0, 0, 1, 1], [], []>, precision = #tpu.contract_precision<fp32>, transpose_lhs_hint = false} : vector<8x128xf32>, vector<128x512xf32>, vector<8x512xf32> -> vector<8x512xf32>
    %add3A_666 = arith.addf %dot_general3A_660, %dot_general3A_665 : vector<8x512xf32>
    %get3A_667 = arith.constant 0 : index
    %get3A_668 = arith.constant 0 : index
    %get3A_669 = vector.load %arg6[%get3A_667, %get3A_668] : memref<1x512xf32, #tpu.memory_space<vmem>>, vector<1x512xf32>
    %add3A_670 = vector.broadcast %get3A_669 : vector<1x512xf32> to vector<8x512xf32>
    %add3A_671 = arith.addf %add3A_666, %add3A_670 : vector<8x512xf32>
    %slice3A_672 = vector.extract_strided_slice %add3A_671 {offsets = [0, 0], sizes = [8, 128], strides = [1, 1]} : vector<8x512xf32> to vector<8x128xf32>
    %logistic3A_673 = arith.negf %slice3A_672 : vector<8x128xf32>
    %logistic3A_674 = math.exp %logistic3A_673 : vector<8x128xf32>
    %logistic3A_675 = arith.constant 1.000000e+00 : f32
    %logistic3A_676 = vector.broadcast %logistic3A_675 : f32 to vector<8x128xf32>
    %logistic3A_677 = arith.addf %logistic3A_676, %logistic3A_674 : vector<8x128xf32>
    %logistic3A_678 = arith.divf %logistic3A_676, %logistic3A_677 : vector<8x128xf32>
    %slice3A_679 = vector.extract_strided_slice %add3A_671 {offsets = [0, 128], sizes = [8, 128], strides = [1, 1]} : vector<8x512xf32> to vector<8x128xf32>
    %logistic3A_680 = arith.negf %slice3A_679 : vector<8x128xf32>
    %logistic3A_681 = math.exp %logistic3A_680 : vector<8x128xf32>
    %logistic3A_682 = arith.constant 1.000000e+00 : f32
    %logistic3A_683 = vector.broadcast %logistic3A_682 : f32 to vector<8x128xf32>
    %logistic3A_684 = arith.addf %logistic3A_683, %logistic3A_681 : vector<8x128xf32>
    %logistic3A_685 = arith.divf %logistic3A_683, %logistic3A_684 : vector<8x128xf32>
    %slice3A_686 = vector.extract_strided_slice %add3A_671 {offsets = [0, 256], sizes = [8, 128], strides = [1, 1]} : vector<8x512xf32> to vector<8x128xf32>
    %tanh3A_687 = math.tanh %slice3A_686 : vector<8x128xf32>
    %slice3A_688 = vector.extract_strided_slice %add3A_671 {offsets = [0, 384], sizes = [8, 128], strides = [1, 1]} : vector<8x512xf32> to vector<8x128xf32>
    %logistic3A_689 = arith.negf %slice3A_688 : vector<8x128xf32>
    %logistic3A_690 = math.exp %logistic3A_689 : vector<8x128xf32>
    %logistic3A_691 = arith.constant 1.000000e+00 : f32
    %logistic3A_692 = vector.broadcast %logistic3A_691 : f32 to vector<8x128xf32>
    %logistic3A_693 = arith.addf %logistic3A_692, %logistic3A_690 : vector<8x128xf32>
    %logistic3A_694 = arith.divf %logistic3A_692, %logistic3A_693 : vector<8x128xf32>
    %mul3A_695 = arith.mulf %logistic3A_685, %add3A_653 : vector<8x128xf32>
    %mul3A_696 = arith.mulf %logistic3A_678, %tanh3A_687 : vector<8x128xf32>
    %add3A_697 = arith.addf %mul3A_695, %mul3A_696 : vector<8x128xf32>
    %tanh3A_698 = math.tanh %add3A_697 : vector<8x128xf32>
    %mul3A_699 = arith.mulf %logistic3A_694, %tanh3A_698 : vector<8x128xf32>
    %get3A_700 = arith.constant 0 : index
    %get3A_701 = arith.constant 0 : index
    %get3A_702 = vector.load %arg4[%get3A_700, %get3A_701] : memref<128x512xf32, #tpu.memory_space<vmem>>, vector<128x512xf32>
    %dot_general3A_703 = arith.constant dense<0.000000e+00> : vector<8x512xf32>
    %dot_general3A_704 = tpu.matmul %mul3A_387, %get3A_702, %dot_general3A_703 {dimension_numbers = #tpu.dot_dimension_numbers<[1], [0], [0], [1], [0, 0, 1, 1], [], []>, precision = #tpu.contract_precision<fp32>, transpose_lhs_hint = false} : vector<8x128xf32>, vector<128x512xf32>, vector<8x512xf32> -> vector<8x512xf32>
    %get3A_705 = arith.constant 0 : index
    %get3A_706 = arith.constant 0 : index
    %get3A_707 = vector.load %arg5[%get3A_705, %get3A_706] : memref<128x512xf32, #tpu.memory_space<vmem>>, vector<128x512xf32>
    %dot_general3A_708 = arith.constant dense<0.000000e+00> : vector<8x512xf32>
    %dot_general3A_709 = tpu.matmul %mul3A_699, %get3A_707, %dot_general3A_708 {dimension_numbers = #tpu.dot_dimension_numbers<[1], [0], [0], [1], [0, 0, 1, 1], [], []>, precision = #tpu.contract_precision<fp32>, transpose_lhs_hint = false} : vector<8x128xf32>, vector<128x512xf32>, vector<8x512xf32> -> vector<8x512xf32>
    %add3A_710 = arith.addf %dot_general3A_704, %dot_general3A_709 : vector<8x512xf32>
    %get3A_711 = arith.constant 0 : index
    %get3A_712 = arith.constant 0 : index
    %get3A_713 = vector.load %arg6[%get3A_711, %get3A_712] : memref<1x512xf32, #tpu.memory_space<vmem>>, vector<1x512xf32>
    %add3A_714 = vector.broadcast %get3A_713 : vector<1x512xf32> to vector<8x512xf32>
    %add3A_715 = arith.addf %add3A_710, %add3A_714 : vector<8x512xf32>
    %slice3A_716 = vector.extract_strided_slice %add3A_715 {offsets = [0, 0], sizes = [8, 128], strides = [1, 1]} : vector<8x512xf32> to vector<8x128xf32>
    %logistic3A_717 = arith.negf %slice3A_716 : vector<8x128xf32>
    %logistic3A_718 = math.exp %logistic3A_717 : vector<8x128xf32>
    %logistic3A_719 = arith.constant 1.000000e+00 : f32
    %logistic3A_720 = vector.broadcast %logistic3A_719 : f32 to vector<8x128xf32>
    %logistic3A_721 = arith.addf %logistic3A_720, %logistic3A_718 : vector<8x128xf32>
    %logistic3A_722 = arith.divf %logistic3A_720, %logistic3A_721 : vector<8x128xf32>
    %slice3A_723 = vector.extract_strided_slice %add3A_715 {offsets = [0, 128], sizes = [8, 128], strides = [1, 1]} : vector<8x512xf32> to vector<8x128xf32>
    %logistic3A_724 = arith.negf %slice3A_723 : vector<8x128xf32>
    %logistic3A_725 = math.exp %logistic3A_724 : vector<8x128xf32>
    %logistic3A_726 = arith.constant 1.000000e+00 : f32
    %logistic3A_727 = vector.broadcast %logistic3A_726 : f32 to vector<8x128xf32>
    %logistic3A_728 = arith.addf %logistic3A_727, %logistic3A_725 : vector<8x128xf32>
    %logistic3A_729 = arith.divf %logistic3A_727, %logistic3A_728 : vector<8x128xf32>
    %slice3A_730 = vector.extract_strided_slice %add3A_715 {offsets = [0, 256], sizes = [8, 128], strides = [1, 1]} : vector<8x512xf32> to vector<8x128xf32>
    %tanh3A_731 = math.tanh %slice3A_730 : vector<8x128xf32>
    %slice3A_732 = vector.extract_strided_slice %add3A_715 {offsets = [0, 384], sizes = [8, 128], strides = [1, 1]} : vector<8x512xf32> to vector<8x128xf32>
    %logistic3A_733 = arith.negf %slice3A_732 : vector<8x128xf32>
    %logistic3A_734 = math.exp %logistic3A_733 : vector<8x128xf32>
    %logistic3A_735 = arith.constant 1.000000e+00 : f32
    %logistic3A_736 = vector.broadcast %logistic3A_735 : f32 to vector<8x128xf32>
    %logistic3A_737 = arith.addf %logistic3A_736, %logistic3A_734 : vector<8x128xf32>
    %logistic3A_738 = arith.divf %logistic3A_736, %logistic3A_737 : vector<8x128xf32>
    %mul3A_739 = arith.mulf %logistic3A_729, %add3A_697 : vector<8x128xf32>
    %mul3A_740 = arith.mulf %logistic3A_722, %tanh3A_731 : vector<8x128xf32>
    %add3A_741 = arith.addf %mul3A_739, %mul3A_740 : vector<8x128xf32>
    %tanh3A_742 = math.tanh %add3A_741 : vector<8x128xf32>
    %mul3A_743 = arith.mulf %logistic3A_738, %tanh3A_742 : vector<8x128xf32>
    %get3A_744 = arith.constant 0 : index
    %get3A_745 = arith.constant 0 : index
    %get3A_746 = vector.load %arg7[%get3A_744, %get3A_745] : memref<128x128xf32, #tpu.memory_space<vmem>>, vector<128x128xf32>
    %dot_general3A_747 = arith.constant dense<0.000000e+00> : vector<8x128xf32>
    %dot_general3A_748 = tpu.matmul %mul3A_743, %get3A_746, %dot_general3A_747 {dimension_numbers = #tpu.dot_dimension_numbers<[1], [0], [0], [1], [0, 0, 1, 1], [], []>, precision = #tpu.contract_precision<fp32>, transpose_lhs_hint = false} : vector<8x128xf32>, vector<128x128xf32>, vector<8x128xf32> -> vector<8x128xf32>
    %get3A_749 = arith.constant 0 : index
    %get3A_750 = arith.constant 0 : index
    %get3A_751 = vector.load %arg8[%get3A_749, %get3A_750] : memref<1x128xf32, #tpu.memory_space<vmem>>, vector<1x128xf32>
    %add3A_752 = vector.broadcast %get3A_751 : vector<1x128xf32> to vector<8x128xf32>
    %add3A_753 = arith.addf %dot_general3A_748, %add3A_752 : vector<8x128xf32>
    %swap3A = arith.constant 0 : index
    %swap3A_754 = arith.constant 0 : index
    %swap3A_755 = vector.load %arg9[%swap3A, %swap3A_754] : memref<8x128xf32, #tpu.memory_space<vmem>>, vector<8x128xf32>
    tpu.vector_store %arg9[%swap3A, %swap3A_754], %add3A_753 {strides = array<i32>} : memref<8x128xf32, #tpu.memory_space<vmem>>, vector<8x128xf32>,
    return
  }
}

</mosaic_0001>

<sc_bundles>
// kernel: closed_call.10.cloned.1.call-start
scs
__scs_entry_jumppad:
0x0: {  	(pc) =	sbr.rel $0x88, $3  }
0x1: {  	(tag) =	ssettag $0x0;
	lr =	simm.s32 $0x1  }
0x2: {  	[smem:$0x3F91] =	sst lr;
	_ =	strace $0xD0000000  }
0x3: {  	_ = 	snop  }
0x4: {  	_ = 	snop  }
0x5: {  	_ = 	snop  }
0x6: {  	_ = 	snop  }
0x7: {  	_ = 	snop  }
__scs_overlays_trampoline_lowered:
0x8: {  	[smem:$0x3FA0] =	sst s0  }
0x9: {  	[smem:$0x3FA1] =	sst s1  }
0xa: {  	[smem:$0x3FA2] =	sst s2  }
0xb: {  	[smem:$0x3FA3] =	sst s3  }
0xc: {  	[smem:$0x3FA4] =	sst s4  }
0xd: {  	[smem:$0x3FA5] =	sst s5  }
0xe: {  	[smem:$0x3FA6] =	sst s6  }
0xf: {  	[smem:$0x3FA7] =	sst s7  }
0x10: {  	[smem:$0x3FA8] =	sst s8  }
0x11: {  	[smem:$0x3FA9] =	sst s9;
	s0 =	simm.s32 @!p0 $0x0  }
0x12: {  	s1 =	sld [smem:$0x3F8F];
	s0 =	simm.s32 @p0 $0x1  }
0x13: {  	[smem:$0x3FAA] =	sst s0;
	s0 =	simm.s32 @!p1 $0x0  }
0x14: {  	s2 =	sld [smem:$0x3F8E];
	s0 =	simm.s32 @p1 $0x1  }
0x15: {  	[smem:$0x3FAB] =	sst s0;
	s0 =	simm.s32 @!p2 $0x0  }
0x16: {  	s3 =	sld [smem:$0x3FDB];
	s0 =	simm.s32 @p2 $0x1  }
0x17: {  	s4 =	simm.s32 $0x1BF5;
	[smem:$0x3FAD] =	sst s0  }
0x18: {  	s0 =	sld [smem:$0x3F90];
	_ =	swait.ge [sflag:s4], $0x0  }
0x19: {  	s7 =	sld [smem:$0x3F91]  }
0x1a: {  	s8 =	sadd.s32 $0xFFFFE003, lr  }
0x1b: {  	s9 =	sadd.s32 $0xFFFFFEF7, lr;
	s5 =	simm.s32 $0xFFFFFFFF;
	p2 =	slt.u32 s8, $0xFFFFF086  }
0x1c: {  	p1 =	slt.u32 s9, $0xF7A;
	s5 =	simm.s32 @!p2 $0x0  }
0x1d: {  	s5 =	simm.s32 @p1 $0x1;
	p0 =	seq.s32 s7, s2  }
0x1e: {  	s7 =	smul.u32 @!p0 $0xF7A, s2;
	p2 =	seq.s32 @!p0 s5, $0x0  }
0x1f: {  	s9 =	smul.u32 $0xF7A, s1;
	s8 =	simm.s32 @!p0 $0x1BF5;
	p2 =	por !p2, p0  }
0x20: {  	[sflag:s8] =	ssyncset.s32 @!p0 $0xFFFFF086;
	s6 =	sadd.s32 @!p0 s3, s7;
	s7 =	simm.s32 @!p0 $0x108  }
0x21: {  	s3 =	sadd.s32 s3, s9;
	s6 =	sadd.s32 @!p0 $0x88, s6;
	s7 =	simm.s32 @p2 $0x1082  }
0x22: {  	[simem:s7], [sflag:s8] =	dma.local @!p0 [hbm:s6], $0xF7A  }
0x23: {  	s9 =	sor.u32 $0xD0000000, s2;
	s6 =	simm.s32 $0x108;
	_ =	swait.ge @!p0 [sflag:s8], $0x0  }
0x24: {  	s3 =	sadd.s32 $0x88, s3;
	s6 =	simm.s32 @!p1 $0x1082;
	[sflag:s4] =	ssyncset.s32 $0xFFFFF086  }
0x25: {  	[simem:s6], [sflag:s4] =	dma.local [hbm:s3], $0xF7A  }
0x26: {  	[smem:$0x3F91] =	sst s1;
	(tag) =	ssettag s2;
	_ =	strace s9  }
0x27: {  	s1 =	sld [smem:$0x3FA1]  }
0x28: {  	s2 =	sld [smem:$0x3FA2]  }
0x29: {  	s4 =	sld [smem:$0x3FA4]  }
0x2a: {  	p0 =	seq.s32 s5, $0x0;
	s5 =	sld [smem:$0x3FA5]  }
0x2b: {  	s6 =	sld [smem:$0x3FA6]  }
0x2c: {  	s7 =	sld [smem:$0x3FA7]  }
0x2d: {  	s3 =	simm.s32 $0x108;
	s8 =	sld [smem:$0x3FA8]  }
0x2e: {  	s3 =	simm.s32 @!p0 $0x1082;
	s9 =	sld [smem:$0x3FA9]  }
0x2f: {  	lr =	sadd.s32 s0, s3;
	s0 =	sld [smem:$0x3FA0]  }
0x30: {  	s3 =	sld [smem:$0x3FA3]  }
0x31: {  	[smem:$0x3FAC] =	sst s10  }
0x32: {  	s10 =	sld [smem:$0x3FAA];
	_ =	sdelay $0x3  }
0x33: {  	p0 =	seq.s32 s10, $0x1;
	s10 =	sld [smem:$0x3FAC];
	_ =	sdelay $0x3  }
0x34: {  	[smem:$0x3FAC] =	sst s10  }
0x35: {  	s10 =	sld [smem:$0x3FAB];
	_ =	sdelay $0x3  }
0x36: {  	p1 =	seq.s32 s10, $0x1;
	s10 =	sld [smem:$0x3FAC];
	_ =	sdelay $0x3  }
0x37: {  	[smem:$0x3FAC] =	sst s10  }
0x38: {  	s10 =	sld [smem:$0x3FAD]  }
0x39: {  	_ = 	snop;
	(pc) =	sbr.ind lr, $3  }
0x3a: {  	_ = 	snop  }
0x3b: {  	_ = 	snop  }
0x3c: {  	p2 =	seq.s32 s10, $0x1;
	s10 =	sld [smem:$0x3FAC]  }
0x3d: {  	_ =	shalt  }
0x3e: {  	_ =	shalt  }
0x3f: {  	_ =	shalt  }
0x40: {  	_ =	shalt  }
0x41: {  	_ =	shalt  }
0x42: {  	_ =	shalt  }
0x43: {  	_ =	shalt  }
0x44: {  	_ =	shalt  }
0x45: {  	_ =	shalt  }
0x46: {  	_ =	shalt  }
0x47: {  	_ =	shalt  }
0x48: {  	_ =	shalt  }
0x49: {  	_ =	shalt  }
0x4a: {  	_ =	shalt  }
0x4b: {  	_ =	shalt  }
0x4c: {  	_ =	shalt  }
0x4d: {  	_ =	shalt  }
0x4e: {  	_ =	shalt  }
0x4f: {  	_ =	shalt  }
0x50: {  	_ =	shalt  }
0x51: {  	_ =	shalt  }
0x52: {  	_ =	shalt  }
0x53: {  	_ =	shalt  }
0x54: {  	_ =	shalt  }
0x55: {  	_ =	shalt  }
0x56: {  	_ =	shalt  }
0x57: {  	_ =	shalt  }
0x58: {  	_ =	shalt  }
0x59: {  	_ =	shalt  }
0x5a: {  	_ =	shalt  }
0x5b: {  	_ =	shalt  }
0x5c: {  	_ =	shalt  }
0x5d: {  	_ =	shalt  }
0x5e: {  	_ =	shalt  }
0x5f: {  	_ =	shalt  }
0x60: {  	_ =	shalt  }
0x61: {  	_ =	shalt  }
0x62: {  	_ =	shalt  }
0x63: {  	_ =	shalt  }
0x64: {  	_ =	shalt  }
0x65: {  	_ =	shalt  }
0x66: {  	_ =	shalt  }
0x67: {  	_ =	shalt  }
0x68: {  	_ =	shalt  }
0x69: {  	_ =	shalt  }
0x6a: {  	_ =	shalt  }
0x6b: {  	_ =	shalt  }
0x6c: {  	_ =	shalt  }
0x6d: {  	_ =	shalt  }
0x6e: {  	_ =	shalt  }
0x6f: {  	_ =	shalt  }
0x70: {  	_ =	shalt  }
0x71: {  	_ =	shalt  }
0x72: {  	_ =	shalt  }
0x73: {  	_ =	shalt  }
0x74: {  	_ =	shalt  }
0x75: {  	_ =	shalt  }
0x76: {  	_ =	shalt  }
0x77: {  	_ =	shalt  }
0x78: {  	_ =	shalt  }
0x79: {  	_ =	shalt  }
0x7a: {  	_ =	shalt  }
0x7b: {  	_ =	shalt  }
0x7c: {  	_ =	shalt  }
0x7d: {  	_ =	shalt  }
0x7e: {  	_ =	shalt  }
0x7f: {  	_ =	shalt  }
0x80: {  	_ =	shalt  }
0x81: {  	_ =	shalt  }
0x82: {  	_ =	shalt  }
0x83: {  	_ =	shalt  }
0x84: {  	_ =	shalt  }
0x85: {  	_ =	shalt  }
0x86: {  	_ =	shalt  }
0x87: {  	_ =	shalt  }
.Lfunc_end0:
.L_simem_size_0:
called_computation_lowered:
.L_overlay_start_0:
0x88: {  	s2 =	sld [smem:$0x3FD9]  }
0x89: {  	s3 =	sld [smem:$0x3FFE];
	_ =	sdelay $0x1  }
0x8a: {  	s1 =	srdreg.scid  }
0x8b: {  	s0 =	sand.u32 $0x1, s1  }
0x8c: {  	s17 =	sshll.u32 s0, $0xA;
	s2 =	sadd.s32 s3, s2  }
0x8d: {  	s2 =	sadd.s32 s2, s17  }
0x8e: {  	[smem:$0x3FB8] =	sst s2  }
0x8f: {  	_ = 	snop  }
0x90: {  	s2 =	sld [smem:$0x3FD0];
	(tm) =	ssettm $0x1  }
0x91: {  	s18 =	sld [smem:$0x3FFB];
	_ =	sdelay $0x3  }
0x92: {  	_ =	strace s18  }
0x93: {  	s3 =	sld [smem:$0x3FFC];
	_ =	sdelay $0x3  }
0x94: {  	_ =	strace s3  }
0x95: {  	s3 =	sld [smem:$0x3FFD];
	_ =	sdelay $0x3  }
0x96: {  	_ =	strace s3  }
0x97: {  	_ =	strace $0x8FFFFFFF  }
0x98: {  	s19 =	sld [smem:$0x3FDB];
	_ =	sdelay $0x1  }
0x99: {  	s4 =	simm.s32 $_scs_section_size  }
0x9a: {  	s5 =	simm.s32 $_size__tile_overlayer_lowered;
	s6 =	simm.s32 $_tile_overlayer_lowered  }
0x9b: {  	s22 =	simm.s32 $0x1BFF;
	s21 =	sshll.u32 s6, $0x1;
	s3 =	sadd.s32 s4, s19  }
0x9c: {  	s7 =	simm.s32 $0x0;
	s20 =	sshll.u32 s5, $0x1;
	s5 =	sadd.s32 s21, s3  }
0x9d: {  	[timem:s7], [sflag:s22] =	dma.local [hbm:s5], s20  }
0x9e: {  	_ =	swait.ge [sflag:s22], s20  }
0x9f: {  	s4 =	ssub.s32 $0x0, s20;
	[sflag:s22] =	ssyncset.done $0x0  }
0xa0: {  	[sflag:s22] =	ssyncadd.s32 s4;
	_ =	sdelay $0x1  }
0xa1: {  	s23 =	simm.s32 $0x1B8B  }
0xa2: {  	_ =	swait.ge [sflag:s23], $0x1  }
0xa3: {  	[sflag:s23] =	ssyncset.done $0x0  }
0xa4: {  	s25 =	simm.s32 $0x1B8E;
	s24 =	sld [smem:$0x3FFE];
	[sflag:s23] =	ssyncadd.s32 $0xFFFFFFFF  }
0xa5: {  	s26 =	simm.s32 $execute0_lowered;
	[smem:$0x3FD2] =	sst s25  }
0xa6: {  	s5 =	sshll.u32 s26, $0x1;
	_ =	strace $0x80000049;
	[dreg:$0x1] =	wrdreg $0xFFFFFFFF  }
0xa7: {  	s28 =	simm.s32 $_size_execute0_lowered;
	s3 =	sadd.s32 s3, s5;
	[dreg:$0x0] =	wrdreg $0x0  }
0xa8: {  	s5 =	sshll.u32 s28, $0x1;
	[dreg:$0x2] =	wrdreg s3  }
0xa9: {  	[dreg:$0x3] =	wrdreg s5  }
0xaa: {  	[dreg:$0x4] =	wrdreg $0xC0  }
0xab: {  	_ =	task [dreg:s7], $0x5FFFF  }
0xac: {  	[dreg:$0x1] =	wrdreg $0xFFFFFFFF  }
0xad: {  	[dreg:$0x0] =	wrdreg $0x60  }
0xae: {  	[dreg:$0x2] =	wrdreg s24  }
0xaf: {  	[dreg:$0x3] =	wrdreg s2  }
0xb0: {  	[dreg:$0x4] =	wrdreg $0xB8000  }
0xb1: {  	[dreg:$0x5] =	wrdreg $0x9  }
0xb2: {  	_ =	task.clear_ibuf [dreg:s7], $0x6FFFF;
	_ =	strace $0x90000049  }
0xb3: {  	s29 =	simm.s32 $0x9;
	_ =	strace $0x8000004B  }
0xb4: {  	_ =	swait.ge [sflag:s29], $0x1  }
0xb5: {  	[sflag:s29] =	ssyncadd.s32 $0xFFFFFFFF  }
0xb6: {  	_ =	strace $0x9000004B  }
0xb7: {  	_ =	sfence  }
0xb8: {  	s30 =	sld [smem:$0x0];
	_ =	sdelay $0x2  }
0xb9: {  	s31 =	sshll.u32 s1, $0xD;
	s1 =	sshrl.u32 s1, $0x2  }
0xba: {  	s3 =	sand.u32 $0x4000, s31;
	s1 =	sadd.s32 s1, s30  }
0xbb: {  	s0 =	sor.u32 s3, s0;
	s1 =	sshll.u32 s1, $0x11  }
0xbc: {  	s0 =	sor.u32 s1, s0  }
0xbd: {  	s0 =	sadd.s32 $0x8F2B, s0  }
0xbe: {  	[sflag:s0] =	ssyncadd.remote.s32 $0x1  }
0xbf: {  	_ =	sfence.sel $0xFFFF  }
0xc0: {  	[dreg:$0x0] =	wrdreg $0xFFFFFFFF;
	(pc) =	sbr.abs _section_cstart, $3  }
0xc1: {  	[dreg:$0x1] =	wrdreg $0xFFFFFFFF  }
0xc2: {  	_ =	task.clear_ibuf [dreg:s7], $0x2FFFF;
	_ =	strace $0x9FFFFFFF  }
0xc3: {  	(tm) =	ssettm $0x7FFFFFFF  }
tec
execute0_lowered:
.L_overlay_start_1:
0x0: {  	(tag) =	ssettag $0x1  }
0x1: {  	s0 =	rddreg [dreg:$0x0]  }
0x2: {  	s4 =	rddreg [dreg:$0x1]  }
0x3: {  	s1 =	rddreg [dreg:$0x2]  }
0x4: {  	s2 =	srdreg.scid;
	s25 =	stileid.u32  }
0x5: {  	s16 =	simm.s32 $0x4;
	s18 =	simm.s32 $0x2C00;
	s19 =	simm.s32 $0x40  }
0x6: {  	s20 =	simm.s32 $0x5800;
	s21 =	simm.s32 $0x80;
	s28 =	simm.s32 $0x3  }
0x7: {  	s29 =	simm.s32 $0x5300;
	s30 =	simm.s32 $0x5380;
	s6 =	smul.u32 $0x4E000, s25  }
0x8: {  	s31 =	simm.s32 $0x5400;
	s13 =	sand.u32 $0x1, s2;
	s7 =	smul.u32 $0x2700, s25  }
0x9: {  	s2 =	simm.s32 $0x0;
	s17 =	sadd.s32 $0xF15400, s0;
	s10 =	smul.u32 $0x13800, s25  }
0xa: {  	p1 =	seq.s32 s25, $0x0;
	p2 =	sne.s32 s25, $0x0;
	s3 =	sshll.u32 s13, $0x4  }
0xb: {  	[smem:$0x7FF] =	sst s2;
	s22 =	ssub.s32 $0x2, s13;
	s9 =	smul.u32 $0x138800, s13  }
0xc: {  	p0 =	sne.s32 s13, $0x0;
	s13 =	sshll.u32 s25, $0x6;
	s3 =	sor.u32 s25, s3  }
0xd: {  	_ =	strace $0x8000004A;
	s8 =	sshrl.u32 s22, $0x1;
	s6 =	sshrl.u32 s6, $0x2  }
0xe: {  	s23 =	sadd.s32 s17, s7;
	s14 =	sor.u32 $0x1C04, s13;
	s25 =	simm.s32 $0x1  }
0xf: {  	s5 =	smul.u32 $0x580, s3;
	s3 =	sadd.s32 $0x3FC00, s0;
	s12 =	ssub.s32 s22, s8  }
0x10: {  	s15 =	sadd.s32 s6, s1;
	[dreg:$0x4] =	wrdreg s23;
	s6 =	sadd.s32 $0x138000, s1  }
0x11: {  	s10 =	sadd.s32 s10, s9;
	s11 =	sshrl.u32 s9, $0x3;
	s22 =	simm.s32 $0x7800  }
0x12: {  	s23 =	simm.s32 $0x100;
	s7 =	sadd.s32 s3, s7;
	s24 =	sshrl.u32 s10, $0x3  }
0x13: {  	s11 =	sadd.s32 s4, s11;
	s12 =	smax.u32 s12, $0x1;
	s15 =	sshrl.u32 s15, $0x3  }
0x14: {  	s26 =	sshrl.u32 s6, $0x3;
	s0 =	sadd.s32 s5, s0;
	s10 =	sadd.s32 s4, s24  }
0x15: {  	s11 =	sadd.s32 $0x27000, s11;
	[dreg:$0x5] =	wrdreg s26;
	s24 =	simm.s32 $0x9800  }
0x16: {  	s26 =	simm.s32 $0x2;
	s8 =	sadd.s32 $0x2A00, s0;
	s9 =	sadd.s32 $0xDA00, s0  }
.LBB2_1:
.Ltmp0:
0x17: {  	(pc) =	sbr.rel @p0 .LBB2_3-.Ltmp0, $1  }
0x18: {  	_ =	sdelay $0x3  }
0x19: {  	[spmem:s15], [sflag:s14] =	dma.local [hbm:s7], $0x2700  }
.Ltmp1:
0x1a: {  	_ = 	snop;
	(pc) =	sbr.rel @!p1 .LBB2_5-.Ltmp1, $4  }
.Ltmp2:
0x1b: {  	_ = 	snop;
	(pc) =	sbr.rel @p1 .LBB2_4-.Ltmp2, $4  }
0x1c: {  	_ =	swait.ge [sflag:s16], $0x2700  }
0x1d: {  	[sflag:s16] =	ssyncset.done $0x0  }
0x1e: {  	s4 =	smov.u32 s3;
	s0 =	smov.u32 s14;
	[sflag:s16] =	ssyncadd.s32 $0xFFFFD900  }
0x1f: {  	_ = 	snop  }
.LBB2_3:
.Ltmp3:
0x20: {  	s0 =	sor.u32 $0x1C04, s13;
	s4 =	rddreg [dreg:$0x4];
	(pc) =	sbr.rel @p2 .LBB2_5-.Ltmp3, $4  }
0x21: {  	[spmem:s15], [sflag:s0] =	dma.local [hbm:s4], $0x2700  }
0x22: {  	_ =	swait.ge [sflag:s16], $0x2700  }
0x23: {  	[sflag:s16] =	ssyncset.done $0x0  }
0x24: {  	s4 =	smov.u32 s17;
	[sflag:s16] =	ssyncadd.s32 $0xFFFFD900  }
.LBB2_4:
0x25: {  	s4 =	sadd.s32 $0x27000, s4;
	s5 =	rddreg [dreg:$0x5]  }
0x26: {  	[spmem:s5], [sflag:s0] =	dma.local [hbm:s4], $0x100  }
0x27: {  	_ =	swait.ge [sflag:s16], $0x100  }
0x28: {  	[sflag:s16] =	ssyncset.done $0x0  }
0x29: {  	[sflag:s16] =	ssyncadd.s32 $0xFFFFFF00  }
.LBB2_5:
0x2a: {  	s0 =	simm.s32 $0x0  }
0x2b: {  	[tilespmem:s0], [sflag:$0x4] =	stream.linear.gather [hbm4b:s8+s0], $0x2880, $0x38;
	[tilespmem:$0x1F0C0] =	vst v63  }
0x2c: {  	_ =	swait.ge [sflag:s16], $0x2880  }
0x2d: {  	[sflag:s16] =	ssyncset.done $0x0  }
0x2e: {  	[sflag:s16] =	ssyncadd.s32 $0xFFFFD780  }
0x2f: {  	[tilespmem:s18], [sflag:$0x4] =	stream.linear.gather [hbm4b:s9+s0], $0x2880, $0x38;
	[tilespmem:$0x1F0C0] =	vst v63  }
0x30: {  	_ =	swait.ge [sflag:s16], $0x2880  }
0x31: {  	[sflag:s16] =	ssyncset.done $0x0  }
0x32: {  	[sflag:s16] =	ssyncadd.s32 $0xFFFFD780  }
0x33: {  	[bflag:$0x0] =	sbarrier.arrive $0xFFFF  }
0x34: {  	[tilespmem:s20], [sflag:$0x1] =	stream.indirect.gather [hbm4b:s3+s19], $0x80, s0, s19, $0xb8;
	[tilespmem:$0x1F0C0] =	vst v63  }
0x35: {  	_ = 	snop  }
0x36: {  	[tilespmem:s22], [sflag:$0x2] =	stream.indirect.gather [hbm4b:s3+s19], $0x80, s21, s19, $0xb8;
	[tilespmem:$0x1F0C0] =	vst v63  }
0x37: {  	_ = 	snop  }
0x38: {  	[tilespmem:s24], [sflag:$0x3] =	stream.indirect.gather [hbm4b:s3+s19], $0x80, s23, s19, $0xb8;
	[tilespmem:$0x1F0C0] =	vst v63  }
0x39: {  	_ =	swait.ge [sflag:s25], $0x2000  }
0x3a: {  	[sflag:s25] =	ssyncset.done $0x0  }
0x3b: {  	s5 =	simm.s32 $0x2C00;
	[sflag:s25] =	ssyncadd.s32 $0xFFFFE000  }
0x3c: {  	[spmem:s1] =	stream.indirect.scatter.add.f32 [tilespmem:s20], [sflag:$0x4], $0x80, s5, s19, $0xb8;
	[tilespmem:$0x1F0C0] =	vst v63  }
0x3d: {  	_ =	swait.ge [sflag:s16], $0x2000  }
0x3e: {  	[sflag:s16] =	ssyncset.done $0x0  }
0x3f: {  	s4 =	simm.s32 $0x180;
	[sflag:s16] =	ssyncadd.s32 $0xFFFFE000  }
0x40: {  	[tilespmem:s20], [sflag:$0x1] =	stream.indirect.gather [hbm4b:s3+s19], $0x80, s4, s19, $0xb8;
	[tilespmem:$0x1F0C0] =	vst v63  }
0x41: {  	_ =	swait.ge [sflag:s26], $0x2000  }
0x42: {  	[sflag:s26] =	ssyncset.done $0x0  }
0x43: {  	s5 =	simm.s32 $0x2C80;
	[sflag:s26] =	ssyncadd.s32 $0xFFFFE000  }
0x44: {  	[spmem:s1] =	stream.indirect.scatter.add.f32 [tilespmem:s22], [sflag:$0x4], $0x80, s5, s19, $0xb8;
	[tilespmem:$0x1F0C0] =	vst v63  }
0x45: {  	_ =	swait.ge [sflag:s16], $0x2000  }
0x46: {  	[sflag:s16] =	ssyncset.done $0x0  }
0x47: {  	s4 =	simm.s32 $0x200;
	[sflag:s16] =	ssyncadd.s32 $0xFFFFE000  }
0x48: {  	[tilespmem:s22], [sflag:$0x2] =	stream.indirect.gather [hbm4b:s3+s19], $0x80, s4, s19, $0xb8;
	[tilespmem:$0x1F0C0] =	vst v63  }
0x49: {  	_ =	swait.ge [sflag:s28], $0x2000  }
0x4a: {  	[sflag:s28] =	ssyncset.done $0x0  }
0x4b: {  	s5 =	simm.s32 $0x2D00;
	[sflag:s28] =	ssyncadd.s32 $0xFFFFE000  }
0x4c: {  	[spmem:s1] =	stream.indirect.scatter.add.f32 [tilespmem:s24], [sflag:$0x4], $0x80, s5, s19, $0xb8;
	[tilespmem:$0x1F0C0] =	vst v63  }
0x4d: {  	_ =	swait.ge [sflag:s16], $0x2000  }
0x4e: {  	[sflag:s16] =	ssyncset.done $0x0  }
0x4f: {  	s0 =	simm.s32 $0x600;
	s4 =	simm.s32 $0x280;
	[sflag:s16] =	ssyncadd.s32 $0xFFFFE000  }
.LBB2_6:
0x50: {  	[tilespmem:s24], [sflag:$0x3] =	stream.indirect.gather [hbm4b:s3+s19], $0x80, s4, s19, $0xb8;
	[tilespmem:$0x1F0C0] =	vst v63  }
0x51: {  	s4 =	smov.u32 s0  }
0x52: {  	p3 =	sne.s32 s0, $0x9600;
	s0 =	sadd.s32 $0x600, s0;
	_ =	swait.ge [sflag:s25], $0x2000  }
0x53: {  	s4 =	sshra.s32 s4, $0x2;
	[sflag:s25] =	ssyncset.done $0x0  }
0x54: {  	s5 =	sadd.s32 $0x2C00, s4;
	[sflag:s25] =	ssyncadd.s32 $0xFFFFE000  }
0x55: {  	[spmem:s1] =	stream.indirect.scatter.add.f32 [tilespmem:s20], [sflag:$0x4], $0x80, s5, s19, $0xb8;
	[tilespmem:$0x1F0C0] =	vst v63  }
0x56: {  	_ =	swait.ge [sflag:s16], $0x2000  }
0x57: {  	[sflag:s16] =	ssyncset.done $0x0  }
0x58: {  	s5 =	sadd.s32 $0x180, s4;
	[sflag:s16] =	ssyncadd.s32 $0xFFFFE000  }
0x59: {  	[tilespmem:s20], [sflag:$0x1] =	stream.indirect.gather [hbm4b:s3+s19], $0x80, s5, s19, $0xb8;
	[tilespmem:$0x1F0C0] =	vst v63  }
0x5a: {  	_ =	swait.ge [sflag:s26], $0x2000  }
0x5b: {  	[sflag:s26] =	ssyncset.done $0x0  }
0x5c: {  	s5 =	sadd.s32 $0x2C80, s4;
	[sflag:s26] =	ssyncadd.s32 $0xFFFFE000  }
0x5d: {  	[spmem:s1] =	stream.indirect.scatter.add.f32 [tilespmem:s22], [sflag:$0x4], $0x80, s5, s19, $0xb8;
	[tilespmem:$0x1F0C0] =	vst v63  }
0x5e: {  	_ =	swait.ge [sflag:s16], $0x2000  }
0x5f: {  	[sflag:s16] =	ssyncset.done $0x0  }
0x60: {  	s5 =	sadd.s32 $0x200, s4;
	[sflag:s16] =	ssyncadd.s32 $0xFFFFE000  }
0x61: {  	[tilespmem:s22], [sflag:$0x2] =	stream.indirect.gather [hbm4b:s3+s19], $0x80, s5, s19, $0xb8;
	[tilespmem:$0x1F0C0] =	vst v63  }
0x62: {  	_ =	swait.ge [sflag:s28], $0x2000  }
0x63: {  	[sflag:s28] =	ssyncset.done $0x0  }
.Ltmp4:
0x64: {  	s5 =	sadd.s32 $0x2D00, s4;
	[sflag:s28] =	ssyncadd.s32 $0xFFFFE000;
	(pc) =	sbr.rel @p3 .LBB2_6-.Ltmp4, $4  }
0x65: {  	[spmem:s1] =	stream.indirect.scatter.add.f32 [tilespmem:s24], [sflag:$0x4], $0x80, s5, s19, $0xb8;
	[tilespmem:$0x1F0C0] =	vst v63  }
0x66: {  	_ =	swait.ge [sflag:s16], $0x2000  }
0x67: {  	[sflag:s16] =	ssyncset.done $0x0  }
0x68: {  	s4 =	sadd.s32 $0x280, s4;
	[sflag:s16] =	ssyncadd.s32 $0xFFFFE000  }
0x69: {  	[tilespmem:s24], [sflag:$0x3] =	stream.indirect.gather [hbm4b:s3+s19], $0x80, s4, s19, $0xb8;
	[tilespmem:$0x1F0C0] =	vst v63  }
0x6a: {  	_ =	swait.ge [sflag:s25], $0x2000  }
0x6b: {  	[sflag:s25] =	ssyncset.done $0x0  }
0x6c: {  	[sflag:s25] =	ssyncadd.s32 $0xFFFFE000  }
0x6d: {  	[spmem:s1] =	stream.indirect.scatter.add.f32 [tilespmem:s20], [sflag:$0x4], $0x80, s29, s19, $0xb8;
	[tilespmem:$0x1F0C0] =	vst v63  }
0x6e: {  	_ =	swait.ge [sflag:s16], $0x2000  }
0x6f: {  	[sflag:s16] =	ssyncset.done $0x0  }
0x70: {  	[sflag:s16] =	ssyncadd.s32 $0xFFFFE000  }
0x71: {  	_ =	swait.ge [sflag:s26], $0x2000  }
0x72: {  	[sflag:s26] =	ssyncset.done $0x0  }
0x73: {  	[sflag:s26] =	ssyncadd.s32 $0xFFFFE000  }
0x74: {  	[spmem:s1] =	stream.indirect.scatter.add.f32 [tilespmem:s22], [sflag:$0x4], $0x80, s30, s19, $0xb8;
	[tilespmem:$0x1F0C0] =	vst v63  }
0x75: {  	_ =	swait.ge [sflag:s16], $0x2000  }
0x76: {  	[sflag:s16] =	ssyncset.done $0x0  }
0x77: {  	[sflag:s16] =	ssyncadd.s32 $0xFFFFE000  }
0x78: {  	_ =	swait.ge [sflag:s28], $0x2000  }
0x79: {  	[sflag:s28] =	ssyncset.done $0x0  }
0x7a: {  	[sflag:s28] =	ssyncadd.s32 $0xFFFFE000  }
0x7b: {  	[spmem:s1] =	stream.indirect.scatter.add.f32 [tilespmem:s24], [sflag:$0x4], $0x80, s31, s19, $0xb8;
	[tilespmem:$0x1F0C0] =	vst v63  }
0x7c: {  	_ =	swait.ge [sflag:s16], $0x2000  }
0x7d: {  	[sflag:s16] =	ssyncset.done $0x0  }
0x7e: {  	[sflag:s16] =	ssyncadd.s32 $0xFFFFE000  }
0x7f: {  	s0 =	sor.u32 $0x1C04, s13;
	[bflag:$0x0] =	sbarrier.arrive $0xFFFF  }
0x80: {  	[hbm:s10], [sflag:s0] =	dma.local [spmem:s15], $0x2700  }
0x81: {  	_ =	swait.ge [sflag:s16], $0x2700  }
0x82: {  	s2 =	sadd.s32 $0x1, s2;
	[sflag:s16] =	ssyncset.done $0x0  }
0x83: {  	s4 =	sshrl.u32 @!p2 s6, $0x3;
	p3 =	sne.s32 s2, s12;
	[sflag:s16] =	ssyncadd.s32 $0xFFFFD900  }
0x84: {  	[hbm:s11], [sflag:s0] =	dma.local @!p2 [spmem:s4], $0x100  }
.Ltmp5:
0x85: {  	_ = 	snop;
	(pc) =	sbr.rel @p3 .LBB2_1-.Ltmp5, $4  }
0x86: {  	s0 =	simm.s32 @!p2 $0x4  }
0x87: {  	_ =	swait.ge @!p2 [sflag:s0], $0x100  }
0x88: {  	[sflag:s0] =	ssyncset.done @!p2 $0x0  }
0x89: {  	[sflag:s0] =	ssyncadd.s32 @!p2 $0xFFFFFF00  }
0x8a: {  	_ =	sfence.sel $0x180000  }
0x8b: {  	[bflag:$0x0] =	sbarrier.arrive $0xFFFF  }
0x8c: {  	_ =	strace $0x9000004A  }
0x8d: {  	[bflag:$0x2] =	sbarrier.arrive $0xFFFF  }
0x8e: {  	s0 =	rddreg [dreg:$0x3]  }
0x8f: {  	s0 =	sadd.s32 @!p2 $0x100000, s0  }
0x90: {  	[sflag:s0] =	ssyncadd.tile.s32 @!p2 $0x1;
	_ =	shalt  }
.Lfunc_end2:
_tile_overlayer_lowered:
.L_overlay_start_2:
0x91: {  	(tag) =	ssettag $0x2  }
0x92: {  	s0 =	rddreg [dreg:$0x0];
	s2 =	stileid.u32  }
0x93: {  	s1 =	rddreg [dreg:$0x1];
	p0 =	sne.s32 s2, $0x0  }
0x94: {  	s3 =	rddreg [dreg:$0x2];
	[bflag:$0x3] =	sbarrier.arrive $0xFFFF;
	s2 =	simm.s32 @!p0 $0x1C04  }
0x95: {  	[timem:s3], [sflag:s2] =	dma.local @!p0 [hbm:s0], s1  }
0x96: {  	s0 =	simm.s32 @!p0 $0x4  }
0x97: {  	_ =	swait.ge @!p0 [sflag:s0], s1  }
0x98: {  	s1 =	ssub.s32 @!p0 $0x0, s1;
	[sflag:s0] =	ssyncset.done @!p0 $0x0  }
0x99: {  	[sflag:s0] =	ssyncadd.s32 @!p0 s1  }
0x9a: {  	[bflag:$0x3] =	sbarrier.arrive $0xFFFF  }
0x9b: {  	_ =	shalt  }

// kernel: closed_call.13.cloned.1.call-start
scs
__scs_entry_jumppad:
0x0: {  	(pc) =	sbr.rel $0x88, $3  }
0x1: {  	(tag) =	ssettag $0x0;
	lr =	simm.s32 $0x1  }
0x2: {  	[smem:$0x3F91] =	sst lr;
	_ =	strace $0xD0000000  }
0x3: {  	_ = 	snop  }
0x4: {  	_ = 	snop  }
0x5: {  	_ = 	snop  }
0x6: {  	_ = 	snop  }
0x7: {  	_ = 	snop  }
__scs_overlays_trampoline_lowered:
0x8: {  	[smem:$0x3FA0] =	sst s0  }
0x9: {  	[smem:$0x3FA1] =	sst s1  }
0xa: {  	[smem:$0x3FA2] =	sst s2  }
0xb: {  	[smem:$0x3FA3] =	sst s3  }
0xc: {  	[smem:$0x3FA4] =	sst s4  }
0xd: {  	[smem:$0x3FA5] =	sst s5  }
0xe: {  	[smem:$0x3FA6] =	sst s6  }
0xf: {  	[smem:$0x3FA7] =	sst s7  }
0x10: {  	[smem:$0x3FA8] =	sst s8  }
0x11: {  	[smem:$0x3FA9] =	sst s9;
	s0 =	simm.s32 @!p0 $0x0  }
0x12: {  	s1 =	sld [smem:$0x3F8F];
	s0 =	simm.s32 @p0 $0x1  }
0x13: {  	[smem:$0x3FAA] =	sst s0;
	s0 =	simm.s32 @!p1 $0x0  }
0x14: {  	s2 =	sld [smem:$0x3F8E];
	s0 =	simm.s32 @p1 $0x1  }
0x15: {  	[smem:$0x3FAB] =	sst s0;
	s0 =	simm.s32 @!p2 $0x0  }
0x16: {  	s3 =	sld [smem:$0x3FDB];
	s0 =	simm.s32 @p2 $0x1  }
0x17: {  	s4 =	simm.s32 $0x1BF5;
	[smem:$0x3FAD] =	sst s0  }
0x18: {  	s0 =	sld [smem:$0x3F90];
	_ =	swait.ge [sflag:s4], $0x0  }
0x19: {  	s7 =	sld [smem:$0x3F91]  }
0x1a: {  	s8 =	sadd.s32 $0xFFFFE003, lr  }
0x1b: {  	s9 =	sadd.s32 $0xFFFFFEF7, lr;
	s5 =	simm.s32 $0xFFFFFFFF;
	p2 =	slt.u32 s8, $0xFFFFF086  }
0x1c: {  	p1 =	slt.u32 s9, $0xF7A;
	s5 =	simm.s32 @!p2 $0x0  }
0x1d: {  	s5 =	simm.s32 @p1 $0x1;
	p0 =	seq.s32 s7, s2  }
0x1e: {  	s7 =	smul.u32 @!p0 $0xF7A, s2;
	p2 =	seq.s32 @!p0 s5, $0x0  }
0x1f: {  	s9 =	smul.u32 $0xF7A, s1;
	s8 =	simm.s32 @!p0 $0x1BF5;
	p2 =	por !p2, p0  }
0x20: {  	[sflag:s8] =	ssyncset.s32 @!p0 $0xFFFFF086;
	s6 =	sadd.s32 @!p0 s3, s7;
	s7 =	simm.s32 @!p0 $0x108  }
0x21: {  	s3 =	sadd.s32 s3, s9;
	s6 =	sadd.s32 @!p0 $0x88, s6;
	s7 =	simm.s32 @p2 $0x1082  }
0x22: {  	[simem:s7], [sflag:s8] =	dma.local @!p0 [hbm:s6], $0xF7A  }
0x23: {  	s9 =	sor.u32 $0xD0000000, s2;
	s6 =	simm.s32 $0x108;
	_ =	swait.ge @!p0 [sflag:s8], $0x0  }
0x24: {  	s3 =	sadd.s32 $0x88, s3;
	s6 =	simm.s32 @!p1 $0x1082;
	[sflag:s4] =	ssyncset.s32 $0xFFFFF086  }
0x25: {  	[simem:s6], [sflag:s4] =	dma.local [hbm:s3], $0xF7A  }
0x26: {  	[smem:$0x3F91] =	sst s1;
	(tag) =	ssettag s2;
	_ =	strace s9  }
0x27: {  	s1 =	sld [smem:$0x3FA1]  }
0x28: {  	s2 =	sld [smem:$0x3FA2]  }
0x29: {  	s4 =	sld [smem:$0x3FA4]  }
0x2a: {  	p0 =	seq.s32 s5, $0x0;
	s5 =	sld [smem:$0x3FA5]  }
0x2b: {  	s6 =	sld [smem:$0x3FA6]  }
0x2c: {  	s7 =	sld [smem:$0x3FA7]  }
0x2d: {  	s3 =	simm.s32 $0x108;
	s8 =	sld [smem:$0x3FA8]  }
0x2e: {  	s3 =	simm.s32 @!p0 $0x1082;
	s9 =	sld [smem:$0x3FA9]  }
0x2f: {  	lr =	sadd.s32 s0, s3;
	s0 =	sld [smem:$0x3FA0]  }
0x30: {  	s3 =	sld [smem:$0x3FA3]  }
0x31: {  	[smem:$0x3FAC] =	sst s10  }
0x32: {  	s10 =	sld [smem:$0x3FAA];
	_ =	sdelay $0x3  }
0x33: {  	p0 =	seq.s32 s10, $0x1;
	s10 =	sld [smem:$0x3FAC];
	_ =	sdelay $0x3  }
0x34: {  	[smem:$0x3FAC] =	sst s10  }
0x35: {  	s10 =	sld [smem:$0x3FAB];
	_ =	sdelay $0x3  }
0x36: {  	p1 =	seq.s32 s10, $0x1;
	s10 =	sld [smem:$0x3FAC];
	_ =	sdelay $0x3  }
0x37: {  	[smem:$0x3FAC] =	sst s10  }
0x38: {  	s10 =	sld [smem:$0x3FAD]  }
0x39: {  	_ = 	snop;
	(pc) =	sbr.ind lr, $3  }
0x3a: {  	_ = 	snop  }
0x3b: {  	_ = 	snop  }
0x3c: {  	p2 =	seq.s32 s10, $0x1;
	s10 =	sld [smem:$0x3FAC]  }
0x3d: {  	_ =	shalt  }
0x3e: {  	_ =	shalt  }
0x3f: {  	_ =	shalt  }
0x40: {  	_ =	shalt  }
0x41: {  	_ =	shalt  }
0x42: {  	_ =	shalt  }
0x43: {  	_ =	shalt  }
0x44: {  	_ =	shalt  }
0x45: {  	_ =	shalt  }
0x46: {  	_ =	shalt  }
0x47: {  	_ =	shalt  }
0x48: {  	_ =	shalt  }
0x49: {  	_ =	shalt  }
0x4a: {  	_ =	shalt  }
0x4b: {  	_ =	shalt  }
0x4c: {  	_ =	shalt  }
0x4d: {  	_ =	shalt  }
0x4e: {  	_ =	shalt  }
0x4f: {  	_ =	shalt  }
0x50: {  	_ =	shalt  }
0x51: {  	_ =	shalt  }
0x52: {  	_ =	shalt  }
0x53: {  	_ =	shalt  }
0x54: {  	_ =	shalt  }
0x55: {  	_ =	shalt  }
0x56: {  	_ =	shalt  }
0x57: {  	_ =	shalt  }
0x58: {  	_ =	shalt  }
0x59: {  	_ =	shalt  }
0x5a: {  	_ =	shalt  }
0x5b: {  	_ =	shalt  }
0x5c: {  	_ =	shalt  }
0x5d: {  	_ =	shalt  }
0x5e: {  	_ =	shalt  }
0x5f: {  	_ =	shalt  }
0x60: {  	_ =	shalt  }
0x61: {  	_ =	shalt  }
0x62: {  	_ =	shalt  }
0x63: {  	_ =	shalt  }
0x64: {  	_ =	shalt  }
0x65: {  	_ =	shalt  }
0x66: {  	_ =	shalt  }
0x67: {  	_ =	shalt  }
0x68: {  	_ =	shalt  }
0x69: {  	_ =	shalt  }
0x6a: {  	_ =	shalt  }
0x6b: {  	_ =	shalt  }
0x6c: {  	_ =	shalt  }
0x6d: {  	_ =	shalt  }
0x6e: {  	_ =	shalt  }
0x6f: {  	_ =	shalt  }
0x70: {  	_ =	shalt  }
0x71: {  	_ =	shalt  }
0x72: {  	_ =	shalt  }
0x73: {  	_ =	shalt  }
0x74: {  	_ =	shalt  }
0x75: {  	_ =	shalt  }
0x76: {  	_ =	shalt  }
0x77: {  	_ =	shalt  }
0x78: {  	_ =	shalt  }
0x79: {  	_ =	shalt  }
0x7a: {  	_ =	shalt  }
0x7b: {  	_ =	shalt  }
0x7c: {  	_ =	shalt  }
0x7d: {  	_ =	shalt  }
0x7e: {  	_ =	shalt  }
0x7f: {  	_ =	shalt  }
0x80: {  	_ =	shalt  }
0x81: {  	_ =	shalt  }
0x82: {  	_ =	shalt  }
0x83: {  	_ =	shalt  }
0x84: {  	_ =	shalt  }
0x85: {  	_ =	shalt  }
0x86: {  	_ =	shalt  }
0x87: {  	_ =	shalt  }
.Lfunc_end0:
.L_simem_size_0:
called_computation.1_lowered:
.L_overlay_start_0:
0x88: {  	s2 =	sld [smem:$0x3FD9]  }
0x89: {  	s3 =	sld [smem:$0x3FFE];
	_ =	sdelay $0x1  }
0x8a: {  	s1 =	srdreg.scid  }
0x8b: {  	s0 =	sand.u32 $0x1, s1  }
0x8c: {  	s17 =	sshll.u32 s0, $0xA;
	s2 =	sadd.s32 s3, s2  }
0x8d: {  	s2 =	sadd.s32 s2, s17  }
0x8e: {  	[smem:$0x3FB8] =	sst s2  }
0x8f: {  	_ = 	snop  }
0x90: {  	s2 =	sld [smem:$0x3FD0];
	(tm) =	ssettm $0x1  }
0x91: {  	s18 =	sld [smem:$0x3FFB];
	_ =	sdelay $0x3  }
0x92: {  	_ =	strace s18  }
0x93: {  	s3 =	sld [smem:$0x3FFC];
	_ =	sdelay $0x3  }
0x94: {  	_ =	strace s3  }
0x95: {  	s3 =	sld [smem:$0x3FFD];
	_ =	sdelay $0x3  }
0x96: {  	_ =	strace s3  }
0x97: {  	_ =	strace $0x8FFFFFFF  }
0x98: {  	s19 =	sld [smem:$0x3FDB];
	_ =	sdelay $0x1  }
0x99: {  	s4 =	simm.s32 $_scs_section_size  }
0x9a: {  	s5 =	simm.s32 $_size__tile_overlayer_lowered;
	s6 =	simm.s32 $_tile_overlayer_lowered  }
0x9b: {  	s22 =	simm.s32 $0x1BFF;
	s21 =	sshll.u32 s6, $0x1;
	s3 =	sadd.s32 s4, s19  }
0x9c: {  	s7 =	simm.s32 $0x0;
	s20 =	sshll.u32 s5, $0x1;
	s5 =	sadd.s32 s21, s3  }
0x9d: {  	[timem:s7], [sflag:s22] =	dma.local [hbm:s5], s20  }
0x9e: {  	_ =	swait.ge [sflag:s22], s20  }
0x9f: {  	s4 =	ssub.s32 $0x0, s20;
	[sflag:s22] =	ssyncset.done $0x0  }
0xa0: {  	[sflag:s22] =	ssyncadd.s32 s4;
	_ =	sdelay $0x1  }
0xa1: {  	s23 =	simm.s32 $0x1B8B  }
0xa2: {  	_ =	swait.ge [sflag:s23], $0x1  }
0xa3: {  	[sflag:s23] =	ssyncset.done $0x0  }
0xa4: {  	s25 =	simm.s32 $0x1B8E;
	s24 =	sld [smem:$0x3FFE];
	[sflag:s23] =	ssyncadd.s32 $0xFFFFFFFF  }
0xa5: {  	s26 =	simm.s32 $execute0_lowered;
	[smem:$0x3FD2] =	sst s25  }
0xa6: {  	s5 =	sshll.u32 s26, $0x1;
	_ =	strace $0x8000004C;
	[dreg:$0x1] =	wrdreg $0xFFFFFFFF  }
0xa7: {  	s28 =	simm.s32 $_size_execute0_lowered;
	s3 =	sadd.s32 s3, s5;
	[dreg:$0x0] =	wrdreg $0x0  }
0xa8: {  	s5 =	sshll.u32 s28, $0x1;
	[dreg:$0x2] =	wrdreg s3  }
0xa9: {  	[dreg:$0x3] =	wrdreg s5  }
0xaa: {  	[dreg:$0x4] =	wrdreg $0xC0  }
0xab: {  	_ =	task [dreg:s7], $0x5FFFF  }
0xac: {  	[dreg:$0x1] =	wrdreg $0xFFFFFFFF  }
0xad: {  	[dreg:$0x0] =	wrdreg $0x60  }
0xae: {  	[dreg:$0x2] =	wrdreg s24  }
0xaf: {  	[dreg:$0x3] =	wrdreg s2  }
0xb0: {  	[dreg:$0x4] =	wrdreg $0xB8000  }
0xb1: {  	[dreg:$0x5] =	wrdreg $0x9  }
0xb2: {  	_ =	task.clear_ibuf [dreg:s7], $0x6FFFF;
	_ =	strace $0x9000004C  }
0xb3: {  	s29 =	simm.s32 $0x9;
	_ =	strace $0x8000004E  }
0xb4: {  	_ =	swait.ge [sflag:s29], $0x1  }
0xb5: {  	[sflag:s29] =	ssyncadd.s32 $0xFFFFFFFF  }
0xb6: {  	_ =	strace $0x9000004E  }
0xb7: {  	_ =	sfence  }
0xb8: {  	s30 =	sld [smem:$0x0];
	_ =	sdelay $0x2  }
0xb9: {  	s31 =	sshll.u32 s1, $0xD;
	s1 =	sshrl.u32 s1, $0x2  }
0xba: {  	s3 =	sand.u32 $0x4000, s31;
	s1 =	sadd.s32 s1, s30  }
0xbb: {  	s0 =	sor.u32 s3, s0;
	s1 =	sshll.u32 s1, $0x11  }
0xbc: {  	s0 =	sor.u32 s1, s0  }
0xbd: {  	s0 =	sadd.s32 $0x8F2B, s0  }
0xbe: {  	[sflag:s0] =	ssyncadd.remote.s32 $0x1  }
0xbf: {  	_ =	sfence.sel $0xFFFF  }
0xc0: {  	[dreg:$0x0] =	wrdreg $0xFFFFFFFF;
	(pc) =	sbr.abs _section_cstart, $3  }
0xc1: {  	[dreg:$0x1] =	wrdreg $0xFFFFFFFF  }
0xc2: {  	_ =	task.clear_ibuf [dreg:s7], $0x2FFFF;
	_ =	strace $0x9FFFFFFF  }
0xc3: {  	(tm) =	ssettm $0x7FFFFFFF  }
tec
execute0_lowered:
.L_overlay_start_1:
0x0: {  	(tag) =	ssettag $0x1  }
0x1: {  	s0 =	rddreg [dreg:$0x0]  }
0x2: {  	s4 =	rddreg [dreg:$0x1]  }
0x3: {  	s1 =	rddreg [dreg:$0x2]  }
0x4: {  	s2 =	srdreg.scid;
	s25 =	stileid.u32  }
0x5: {  	s16 =	simm.s32 $0x4;
	s18 =	simm.s32 $0x2C00;
	s19 =	simm.s32 $0x40  }
0x6: {  	s20 =	simm.s32 $0x5800;
	s21 =	simm.s32 $0x80;
	s28 =	simm.s32 $0x3  }
0x7: {  	s29 =	simm.s32 $0x5300;
	s30 =	simm.s32 $0x5380;
	s6 =	smul.u32 $0x4E000, s25  }
0x8: {  	s31 =	simm.s32 $0x5400;
	s13 =	sand.u32 $0x1, s2;
	s7 =	smul.u32 $0x2700, s25  }
0x9: {  	s2 =	simm.s32 $0x0;
	s17 =	sadd.s32 $0xF15400, s0;
	s10 =	smul.u32 $0x13800, s25  }
0xa: {  	p1 =	seq.s32 s25, $0x0;
	p2 =	sne.s32 s25, $0x0;
	s3 =	sshll.u32 s13, $0x4  }
0xb: {  	[smem:$0x7FF] =	sst s2;
	s22 =	ssub.s32 $0x2, s13;
	s9 =	smul.u32 $0x138800, s13  }
0xc: {  	p0 =	sne.s32 s13, $0x0;
	s13 =	sshll.u32 s25, $0x6;
	s3 =	sor.u32 s25, s3  }
0xd: {  	_ =	strace $0x8000004D;
	s8 =	sshrl.u32 s22, $0x1;
	s6 =	sshrl.u32 s6, $0x2  }
0xe: {  	s23 =	sadd.s32 s17, s7;
	s14 =	sor.u32 $0x1C04, s13;
	s25 =	simm.s32 $0x1  }
0xf: {  	s5 =	smul.u32 $0x580, s3;
	s3 =	sadd.s32 $0x3FC00, s0;
	s12 =	ssub.s32 s22, s8  }
0x10: {  	s15 =	sadd.s32 s6, s1;
	[dreg:$0x4] =	wrdreg s23;
	s6 =	sadd.s32 $0x138000, s1  }
0x11: {  	s10 =	sadd.s32 s10, s9;
	s11 =	sshrl.u32 s9, $0x3;
	s22 =	simm.s32 $0x7800  }
0x12: {  	s23 =	simm.s32 $0x100;
	s7 =	sadd.s32 s3, s7;
	s24 =	sshrl.u32 s10, $0x3  }
0x13: {  	s11 =	sadd.s32 s4, s11;
	s12 =	smax.u32 s12, $0x1;
	s15 =	sshrl.u32 s15, $0x3  }
0x14: {  	s26 =	sshrl.u32 s6, $0x3;
	s0 =	sadd.s32 s5, s0;
	s10 =	sadd.s32 s4, s24  }
0x15: {  	s11 =	sadd.s32 $0x27000, s11;
	[dreg:$0x5] =	wrdreg s26;
	s24 =	simm.s32 $0x9800  }
0x16: {  	s26 =	simm.s32 $0x2;
	s8 =	sadd.s32 $0x2A00, s0;
	s9 =	sadd.s32 $0xDA00, s0  }
.LBB2_1:
.Ltmp0:
0x17: {  	(pc) =	sbr.rel @p0 .LBB2_3-.Ltmp0, $1  }
0x18: {  	_ =	sdelay $0x3  }
0x19: {  	[spmem:s15], [sflag:s14] =	dma.local [hbm:s7], $0x2700  }
.Ltmp1:
0x1a: {  	_ = 	snop;
	(pc) =	sbr.rel @!p1 .LBB2_5-.Ltmp1, $4  }
.Ltmp2:
0x1b: {  	_ = 	snop;
	(pc) =	sbr.rel @p1 .LBB2_4-.Ltmp2, $4  }
0x1c: {  	_ =	swait.ge [sflag:s16], $0x2700  }
0x1d: {  	[sflag:s16] =	ssyncset.done $0x0  }
0x1e: {  	s4 =	smov.u32 s3;
	s0 =	smov.u32 s14;
	[sflag:s16] =	ssyncadd.s32 $0xFFFFD900  }
0x1f: {  	_ = 	snop  }
.LBB2_3:
.Ltmp3:
0x20: {  	s0 =	sor.u32 $0x1C04, s13;
	s4 =	rddreg [dreg:$0x4];
	(pc) =	sbr.rel @p2 .LBB2_5-.Ltmp3, $4  }
0x21: {  	[spmem:s15], [sflag:s0] =	dma.local [hbm:s4], $0x2700  }
0x22: {  	_ =	swait.ge [sflag:s16], $0x2700  }
0x23: {  	[sflag:s16] =	ssyncset.done $0x0  }
0x24: {  	s4 =	smov.u32 s17;
	[sflag:s16] =	ssyncadd.s32 $0xFFFFD900  }
.LBB2_4:
0x25: {  	s4 =	sadd.s32 $0x27000, s4;
	s5 =	rddreg [dreg:$0x5]  }
0x26: {  	[spmem:s5], [sflag:s0] =	dma.local [hbm:s4], $0x100  }
0x27: {  	_ =	swait.ge [sflag:s16], $0x100  }
0x28: {  	[sflag:s16] =	ssyncset.done $0x0  }
0x29: {  	[sflag:s16] =	ssyncadd.s32 $0xFFFFFF00  }
.LBB2_5:
0x2a: {  	s0 =	simm.s32 $0x0  }
0x2b: {  	[tilespmem:s0], [sflag:$0x4] =	stream.linear.gather [hbm4b:s8+s0], $0x2880, $0x38;
	[tilespmem:$0x1F0C0] =	vst v63  }
0x2c: {  	_ =	swait.ge [sflag:s16], $0x2880  }
0x2d: {  	[sflag:s16] =	ssyncset.done $0x0  }
0x2e: {  	[sflag:s16] =	ssyncadd.s32 $0xFFFFD780  }
0x2f: {  	[tilespmem:s18], [sflag:$0x4] =	stream.linear.gather [hbm4b:s9+s0], $0x2880, $0x38;
	[tilespmem:$0x1F0C0] =	vst v63  }
0x30: {  	_ =	swait.ge [sflag:s16], $0x2880  }
0x31: {  	[sflag:s16] =	ssyncset.done $0x0  }
0x32: {  	[sflag:s16] =	ssyncadd.s32 $0xFFFFD780  }
0x33: {  	[bflag:$0x0] =	sbarrier.arrive $0xFFFF  }
0x34: {  	[tilespmem:s20], [sflag:$0x1] =	stream.indirect.gather [hbm4b:s3+s19], $0x80, s0, s19, $0xb8;
	[tilespmem:$0x1F0C0] =	vst v63  }
0x35: {  	_ = 	snop  }
0x36: {  	[tilespmem:s22], [sflag:$0x2] =	stream.indirect.gather [hbm4b:s3+s19], $0x80, s21, s19, $0xb8;
	[tilespmem:$0x1F0C0] =	vst v63  }
0x37: {  	_ = 	snop  }
0x38: {  	[tilespmem:s24], [sflag:$0x3] =	stream.indirect.gather [hbm4b:s3+s19], $0x80, s23, s19, $0xb8;
	[tilespmem:$0x1F0C0] =	vst v63  }
0x39: {  	_ =	swait.ge [sflag:s25], $0x2000  }
0x3a: {  	[sflag:s25] =	ssyncset.done $0x0  }
0x3b: {  	s5 =	simm.s32 $0x2C00;
	[sflag:s25] =	ssyncadd.s32 $0xFFFFE000  }
0x3c: {  	[spmem:s1] =	stream.indirect.scatter.add.f32 [tilespmem:s20], [sflag:$0x4], $0x80, s5, s19, $0xb8;
	[tilespmem:$0x1F0C0] =	vst v63  }
0x3d: {  	_ =	swait.ge [sflag:s16], $0x2000  }
0x3e: {  	[sflag:s16] =	ssyncset.done $0x0  }
0x3f: {  	s4 =	simm.s32 $0x180;
	[sflag:s16] =	ssyncadd.s32 $0xFFFFE000  }
0x40: {  	[tilespmem:s20], [sflag:$0x1] =	stream.indirect.gather [hbm4b:s3+s19], $0x80, s4, s19, $0xb8;
	[tilespmem:$0x1F0C0] =	vst v63  }
0x41: {  	_ =	swait.ge [sflag:s26], $0x2000  }
0x42: {  	[sflag:s26] =	ssyncset.done $0x0  }
0x43: {  	s5 =	simm.s32 $0x2C80;
	[sflag:s26] =	ssyncadd.s32 $0xFFFFE000  }
0x44: {  	[spmem:s1] =	stream.indirect.scatter.add.f32 [tilespmem:s22], [sflag:$0x4], $0x80, s5, s19, $0xb8;
	[tilespmem:$0x1F0C0] =	vst v63  }
0x45: {  	_ =	swait.ge [sflag:s16], $0x2000  }
0x46: {  	[sflag:s16] =	ssyncset.done $0x0  }
0x47: {  	s4 =	simm.s32 $0x200;
	[sflag:s16] =	ssyncadd.s32 $0xFFFFE000  }
0x48: {  	[tilespmem:s22], [sflag:$0x2] =	stream.indirect.gather [hbm4b:s3+s19], $0x80, s4, s19, $0xb8;
	[tilespmem:$0x1F0C0] =	vst v63  }
0x49: {  	_ =	swait.ge [sflag:s28], $0x2000  }
0x4a: {  	[sflag:s28] =	ssyncset.done $0x0  }
0x4b: {  	s5 =	simm.s32 $0x2D00;
	[sflag:s28] =	ssyncadd.s32 $0xFFFFE000  }
0x4c: {  	[spmem:s1] =	stream.indirect.scatter.add.f32 [tilespmem:s24], [sflag:$0x4], $0x80, s5, s19, $0xb8;
	[tilespmem:$0x1F0C0] =	vst v63  }
0x4d: {  	_ =	swait.ge [sflag:s16], $0x2000  }
0x4e: {  	[sflag:s16] =	ssyncset.done $0x0  }
0x4f: {  	s0 =	simm.s32 $0x600;
	s4 =	simm.s32 $0x280;
	[sflag:s16] =	ssyncadd.s32 $0xFFFFE000  }
.LBB2_6:
0x50: {  	[tilespmem:s24], [sflag:$0x3] =	stream.indirect.gather [hbm4b:s3+s19], $0x80, s4, s19, $0xb8;
	[tilespmem:$0x1F0C0] =	vst v63  }
0x51: {  	s4 =	smov.u32 s0  }
0x52: {  	p3 =	sne.s32 s0, $0x9600;
	s0 =	sadd.s32 $0x600, s0;
	_ =	swait.ge [sflag:s25], $0x2000  }
0x53: {  	s4 =	sshra.s32 s4, $0x2;
	[sflag:s25] =	ssyncset.done $0x0  }
0x54: {  	s5 =	sadd.s32 $0x2C00, s4;
	[sflag:s25] =	ssyncadd.s32 $0xFFFFE000  }
0x55: {  	[spmem:s1] =	stream.indirect.scatter.add.f32 [tilespmem:s20], [sflag:$0x4], $0x80, s5, s19, $0xb8;
	[tilespmem:$0x1F0C0] =	vst v63  }
0x56: {  	_ =	swait.ge [sflag:s16], $0x2000  }
0x57: {  	[sflag:s16] =	ssyncset.done $0x0  }
0x58: {  	s5 =	sadd.s32 $0x180, s4;
	[sflag:s16] =	ssyncadd.s32 $0xFFFFE000  }
0x59: {  	[tilespmem:s20], [sflag:$0x1] =	stream.indirect.gather [hbm4b:s3+s19], $0x80, s5, s19, $0xb8;
	[tilespmem:$0x1F0C0] =	vst v63  }
0x5a: {  	_ =	swait.ge [sflag:s26], $0x2000  }
0x5b: {  	[sflag:s26] =	ssyncset.done $0x0  }
0x5c: {  	s5 =	sadd.s32 $0x2C80, s4;
	[sflag:s26] =	ssyncadd.s32 $0xFFFFE000  }
0x5d: {  	[spmem:s1] =	stream.indirect.scatter.add.f32 [tilespmem:s22], [sflag:$0x4], $0x80, s5, s19, $0xb8;
	[tilespmem:$0x1F0C0] =	vst v63  }
0x5e: {  	_ =	swait.ge [sflag:s16], $0x2000  }
0x5f: {  	[sflag:s16] =	ssyncset.done $0x0  }
0x60: {  	s5 =	sadd.s32 $0x200, s4;
	[sflag:s16] =	ssyncadd.s32 $0xFFFFE000  }
0x61: {  	[tilespmem:s22], [sflag:$0x2] =	stream.indirect.gather [hbm4b:s3+s19], $0x80, s5, s19, $0xb8;
	[tilespmem:$0x1F0C0] =	vst v63  }
0x62: {  	_ =	swait.ge [sflag:s28], $0x2000  }
0x63: {  	[sflag:s28] =	ssyncset.done $0x0  }
.Ltmp4:
0x64: {  	s5 =	sadd.s32 $0x2D00, s4;
	[sflag:s28] =	ssyncadd.s32 $0xFFFFE000;
	(pc) =	sbr.rel @p3 .LBB2_6-.Ltmp4, $4  }
0x65: {  	[spmem:s1] =	stream.indirect.scatter.add.f32 [tilespmem:s24], [sflag:$0x4], $0x80, s5, s19, $0xb8;
	[tilespmem:$0x1F0C0] =	vst v63  }
0x66: {  	_ =	swait.ge [sflag:s16], $0x2000  }
0x67: {  	[sflag:s16] =	ssyncset.done $0x0  }
0x68: {  	s4 =	sadd.s32 $0x280, s4;
	[sflag:s16] =	ssyncadd.s32 $0xFFFFE000  }
0x69: {  	[tilespmem:s24], [sflag:$0x3] =	stream.indirect.gather [hbm4b:s3+s19], $0x80, s4, s19, $0xb8;
	[tilespmem:$0x1F0C0] =	vst v63  }
0x6a: {  	_ =	swait.ge [sflag:s25], $0x2000  }
0x6b: {  	[sflag:s25] =	ssyncset.done $0x0  }
0x6c: {  	[sflag:s25] =	ssyncadd.s32 $0xFFFFE000  }
0x6d: {  	[spmem:s1] =	stream.indirect.scatter.add.f32 [tilespmem:s20], [sflag:$0x4], $0x80, s29, s19, $0xb8;
	[tilespmem:$0x1F0C0] =	vst v63  }
0x6e: {  	_ =	swait.ge [sflag:s16], $0x2000  }
0x6f: {  	[sflag:s16] =	ssyncset.done $0x0  }
0x70: {  	[sflag:s16] =	ssyncadd.s32 $0xFFFFE000  }
0x71: {  	_ =	swait.ge [sflag:s26], $0x2000  }
0x72: {  	[sflag:s26] =	ssyncset.done $0x0  }
0x73: {  	[sflag:s26] =	ssyncadd.s32 $0xFFFFE000  }
0x74: {  	[spmem:s1] =	stream.indirect.scatter.add.f32 [tilespmem:s22], [sflag:$0x4], $0x80, s30, s19, $0xb8;
	[tilespmem:$0x1F0C0] =	vst v63  }
0x75: {  	_ =	swait.ge [sflag:s16], $0x2000  }
0x76: {  	[sflag:s16] =	ssyncset.done $0x0  }
0x77: {  	[sflag:s16] =	ssyncadd.s32 $0xFFFFE000  }
0x78: {  	_ =	swait.ge [sflag:s28], $0x2000  }
0x79: {  	[sflag:s28] =	ssyncset.done $0x0  }
0x7a: {  	[sflag:s28] =	ssyncadd.s32 $0xFFFFE000  }
0x7b: {  	[spmem:s1] =	stream.indirect.scatter.add.f32 [tilespmem:s24], [sflag:$0x4], $0x80, s31, s19, $0xb8;
	[tilespmem:$0x1F0C0] =	vst v63  }
0x7c: {  	_ =	swait.ge [sflag:s16], $0x2000  }
0x7d: {  	[sflag:s16] =	ssyncset.done $0x0  }
0x7e: {  	[sflag:s16] =	ssyncadd.s32 $0xFFFFE000  }
0x7f: {  	s0 =	sor.u32 $0x1C04, s13;
	[bflag:$0x0] =	sbarrier.arrive $0xFFFF  }
0x80: {  	[hbm:s10], [sflag:s0] =	dma.local [spmem:s15], $0x2700  }
0x81: {  	_ =	swait.ge [sflag:s16], $0x2700  }
0x82: {  	s2 =	sadd.s32 $0x1, s2;
	[sflag:s16] =	ssyncset.done $0x0  }
0x83: {  	s4 =	sshrl.u32 @!p2 s6, $0x3;
	p3 =	sne.s32 s2, s12;
	[sflag:s16] =	ssyncadd.s32 $0xFFFFD900  }
0x84: {  	[hbm:s11], [sflag:s0] =	dma.local @!p2 [spmem:s4], $0x100  }
.Ltmp5:
0x85: {  	_ = 	snop;
	(pc) =	sbr.rel @p3 .LBB2_1-.Ltmp5, $4  }
0x86: {  	s0 =	simm.s32 @!p2 $0x4  }
0x87: {  	_ =	swait.ge @!p2 [sflag:s0], $0x100  }
0x88: {  	[sflag:s0] =	ssyncset.done @!p2 $0x0  }
0x89: {  	[sflag:s0] =	ssyncadd.s32 @!p2 $0xFFFFFF00  }
0x8a: {  	_ =	sfence.sel $0x180000  }
0x8b: {  	[bflag:$0x0] =	sbarrier.arrive $0xFFFF  }
0x8c: {  	_ =	strace $0x9000004D  }
0x8d: {  	[bflag:$0x2] =	sbarrier.arrive $0xFFFF  }
0x8e: {  	s0 =	rddreg [dreg:$0x3]  }
0x8f: {  	s0 =	sadd.s32 @!p2 $0x100000, s0  }
0x90: {  	[sflag:s0] =	ssyncadd.tile.s32 @!p2 $0x1;
	_ =	shalt  }
.Lfunc_end2:
_tile_overlayer_lowered:
.L_overlay_start_2:
0x91: {  	(tag) =	ssettag $0x2  }
0x92: {  	s0 =	rddreg [dreg:$0x0];
	s2 =	stileid.u32  }
0x93: {  	s1 =	rddreg [dreg:$0x1];
	p0 =	sne.s32 s2, $0x0  }
0x94: {  	s3 =	rddreg [dreg:$0x2];
	[bflag:$0x3] =	sbarrier.arrive $0xFFFF;
	s2 =	simm.s32 @!p0 $0x1C04  }
0x95: {  	[timem:s3], [sflag:s2] =	dma.local @!p0 [hbm:s0], s1  }
0x96: {  	s0 =	simm.s32 @!p0 $0x4  }
0x97: {  	_ =	swait.ge @!p0 [sflag:s0], s1  }
0x98: {  	s1 =	ssub.s32 @!p0 $0x0, s1;
	[sflag:s0] =	ssyncset.done @!p0 $0x0  }
0x99: {  	[sflag:s0] =	ssyncadd.s32 @!p0 s1  }
0x9a: {  	[bflag:$0x3] =	sbarrier.arrive $0xFFFF  }
0x9b: {  	_ =	shalt  }

// kernel: kernel.8.cloned.1.call-start
scs
__scs_entry_jumppad:
0x0: {  	(pc) =	sbr.rel $0x88, $3  }
0x1: {  	(tag) =	ssettag $0x0;
	lr =	simm.s32 $0x1  }
0x2: {  	[smem:$0x3F91] =	sst lr;
	_ =	strace $0xD0000000  }
0x3: {  	_ = 	snop  }
0x4: {  	_ = 	snop  }
0x5: {  	_ = 	snop  }
0x6: {  	_ = 	snop  }
0x7: {  	_ = 	snop  }
__scs_overlays_trampoline_lowered:
0x8: {  	[smem:$0x3FA0] =	sst s0  }
0x9: {  	[smem:$0x3FA1] =	sst s1  }
0xa: {  	[smem:$0x3FA2] =	sst s2  }
0xb: {  	[smem:$0x3FA3] =	sst s3  }
0xc: {  	[smem:$0x3FA4] =	sst s4  }
0xd: {  	[smem:$0x3FA5] =	sst s5  }
0xe: {  	[smem:$0x3FA6] =	sst s6  }
0xf: {  	[smem:$0x3FA7] =	sst s7  }
0x10: {  	[smem:$0x3FA8] =	sst s8  }
0x11: {  	[smem:$0x3FA9] =	sst s9;
	s0 =	simm.s32 @!p0 $0x0  }
0x12: {  	s1 =	sld [smem:$0x3F8F];
	s0 =	simm.s32 @p0 $0x1  }
0x13: {  	[smem:$0x3FAA] =	sst s0;
	s0 =	simm.s32 @!p1 $0x0  }
0x14: {  	s2 =	sld [smem:$0x3F8E];
	s0 =	simm.s32 @p1 $0x1  }
0x15: {  	[smem:$0x3FAB] =	sst s0;
	s0 =	simm.s32 @!p2 $0x0  }
0x16: {  	s3 =	sld [smem:$0x3FDB];
	s0 =	simm.s32 @p2 $0x1  }
0x17: {  	s4 =	simm.s32 $0x1BF5;
	[smem:$0x3FAD] =	sst s0  }
0x18: {  	s0 =	sld [smem:$0x3F90];
	_ =	swait.ge [sflag:s4], $0x0  }
0x19: {  	s7 =	sld [smem:$0x3F91]  }
0x1a: {  	s8 =	sadd.s32 $0xFFFFE003, lr  }
0x1b: {  	s9 =	sadd.s32 $0xFFFFFEF7, lr;
	s5 =	simm.s32 $0xFFFFFFFF;
	p2 =	slt.u32 s8, $0xFFFFF086  }
0x1c: {  	p1 =	slt.u32 s9, $0xF7A;
	s5 =	simm.s32 @!p2 $0x0  }
0x1d: {  	s5 =	simm.s32 @p1 $0x1;
	p0 =	seq.s32 s7, s2  }
0x1e: {  	s7 =	smul.u32 @!p0 $0xF7A, s2;
	p2 =	seq.s32 @!p0 s5, $0x0  }
0x1f: {  	s9 =	smul.u32 $0xF7A, s1;
	s8 =	simm.s32 @!p0 $0x1BF5;
	p2 =	por !p2, p0  }
0x20: {  	[sflag:s8] =	ssyncset.s32 @!p0 $0xFFFFF086;
	s6 =	sadd.s32 @!p0 s3, s7;
	s7 =	simm.s32 @!p0 $0x108  }
0x21: {  	s3 =	sadd.s32 s3, s9;
	s6 =	sadd.s32 @!p0 $0x88, s6;
	s7 =	simm.s32 @p2 $0x1082  }
0x22: {  	[simem:s7], [sflag:s8] =	dma.local @!p0 [hbm:s6], $0xF7A  }
0x23: {  	s9 =	sor.u32 $0xD0000000, s2;
	s6 =	simm.s32 $0x108;
	_ =	swait.ge @!p0 [sflag:s8], $0x0  }
0x24: {  	s3 =	sadd.s32 $0x88, s3;
	s6 =	simm.s32 @!p1 $0x1082;
	[sflag:s4] =	ssyncset.s32 $0xFFFFF086  }
0x25: {  	[simem:s6], [sflag:s4] =	dma.local [hbm:s3], $0xF7A  }
0x26: {  	[smem:$0x3F91] =	sst s1;
	(tag) =	ssettag s2;
	_ =	strace s9  }
0x27: {  	s1 =	sld [smem:$0x3FA1]  }
0x28: {  	s2 =	sld [smem:$0x3FA2]  }
0x29: {  	s4 =	sld [smem:$0x3FA4]  }
0x2a: {  	p0 =	seq.s32 s5, $0x0;
	s5 =	sld [smem:$0x3FA5]  }
0x2b: {  	s6 =	sld [smem:$0x3FA6]  }
0x2c: {  	s7 =	sld [smem:$0x3FA7]  }
0x2d: {  	s3 =	simm.s32 $0x108;
	s8 =	sld [smem:$0x3FA8]  }
0x2e: {  	s3 =	simm.s32 @!p0 $0x1082;
	s9 =	sld [smem:$0x3FA9]  }
0x2f: {  	lr =	sadd.s32 s0, s3;
	s0 =	sld [smem:$0x3FA0]  }
0x30: {  	s3 =	sld [smem:$0x3FA3]  }
0x31: {  	[smem:$0x3FAC] =	sst s10  }
0x32: {  	s10 =	sld [smem:$0x3FAA];
	_ =	sdelay $0x3  }
0x33: {  	p0 =	seq.s32 s10, $0x1;
	s10 =	sld [smem:$0x3FAC];
	_ =	sdelay $0x3  }
0x34: {  	[smem:$0x3FAC] =	sst s10  }
0x35: {  	s10 =	sld [smem:$0x3FAB];
	_ =	sdelay $0x3  }
0x36: {  	p1 =	seq.s32 s10, $0x1;
	s10 =	sld [smem:$0x3FAC];
	_ =	sdelay $0x3  }
0x37: {  	[smem:$0x3FAC] =	sst s10  }
0x38: {  	s10 =	sld [smem:$0x3FAD]  }
0x39: {  	_ = 	snop;
	(pc) =	sbr.ind lr, $3  }
0x3a: {  	_ = 	snop  }
0x3b: {  	_ = 	snop  }
0x3c: {  	p2 =	seq.s32 s10, $0x1;
	s10 =	sld [smem:$0x3FAC]  }
0x3d: {  	_ =	shalt  }
0x3e: {  	_ =	shalt  }
0x3f: {  	_ =	shalt  }
0x40: {  	_ =	shalt  }
0x41: {  	_ =	shalt  }
0x42: {  	_ =	shalt  }
0x43: {  	_ =	shalt  }
0x44: {  	_ =	shalt  }
0x45: {  	_ =	shalt  }
0x46: {  	_ =	shalt  }
0x47: {  	_ =	shalt  }
0x48: {  	_ =	shalt  }
0x49: {  	_ =	shalt  }
0x4a: {  	_ =	shalt  }
0x4b: {  	_ =	shalt  }
0x4c: {  	_ =	shalt  }
0x4d: {  	_ =	shalt  }
0x4e: {  	_ =	shalt  }
0x4f: {  	_ =	shalt  }
0x50: {  	_ =	shalt  }
0x51: {  	_ =	shalt  }
0x52: {  	_ =	shalt  }
0x53: {  	_ =	shalt  }
0x54: {  	_ =	shalt  }
0x55: {  	_ =	shalt  }
0x56: {  	_ =	shalt  }
0x57: {  	_ =	shalt  }
0x58: {  	_ =	shalt  }
0x59: {  	_ =	shalt  }
0x5a: {  	_ =	shalt  }
0x5b: {  	_ =	shalt  }
0x5c: {  	_ =	shalt  }
0x5d: {  	_ =	shalt  }
0x5e: {  	_ =	shalt  }
0x5f: {  	_ =	shalt  }
0x60: {  	_ =	shalt  }
0x61: {  	_ =	shalt  }
0x62: {  	_ =	shalt  }
0x63: {  	_ =	shalt  }
0x64: {  	_ =	shalt  }
0x65: {  	_ =	shalt  }
0x66: {  	_ =	shalt  }
0x67: {  	_ =	shalt  }
0x68: {  	_ =	shalt  }
0x69: {  	_ =	shalt  }
0x6a: {  	_ =	shalt  }
0x6b: {  	_ =	shalt  }
0x6c: {  	_ =	shalt  }
0x6d: {  	_ =	shalt  }
0x6e: {  	_ =	shalt  }
0x6f: {  	_ =	shalt  }
0x70: {  	_ =	shalt  }
0x71: {  	_ =	shalt  }
0x72: {  	_ =	shalt  }
0x73: {  	_ =	shalt  }
0x74: {  	_ =	shalt  }
0x75: {  	_ =	shalt  }
0x76: {  	_ =	shalt  }
0x77: {  	_ =	shalt  }
0x78: {  	_ =	shalt  }
0x79: {  	_ =	shalt  }
0x7a: {  	_ =	shalt  }
0x7b: {  	_ =	shalt  }
0x7c: {  	_ =	shalt  }
0x7d: {  	_ =	shalt  }
0x7e: {  	_ =	shalt  }
0x7f: {  	_ =	shalt  }
0x80: {  	_ =	shalt  }
0x81: {  	_ =	shalt  }
0x82: {  	_ =	shalt  }
0x83: {  	_ =	shalt  }
0x84: {  	_ =	shalt  }
0x85: {  	_ =	shalt  }
0x86: {  	_ =	shalt  }
0x87: {  	_ =	shalt  }
.Lfunc_end0:
.L_simem_size_0:
called_computation.2_lowered:
.L_overlay_start_0:
0x88: {  	s2 =	sld [smem:$0x3FD9]  }
0x89: {  	s3 =	sld [smem:$0x3FFE];
	_ =	sdelay $0x1  }
0x8a: {  	s1 =	srdreg.scid  }
0x8b: {  	s0 =	sand.u32 $0x1, s1  }
0x8c: {  	s17 =	sshll.u32 s0, $0xA;
	s2 =	sadd.s32 s3, s2  }
0x8d: {  	s2 =	sadd.s32 s2, s17  }
0x8e: {  	[smem:$0x3FB8] =	sst s2  }
0x8f: {  	_ = 	snop  }
0x90: {  	s2 =	sld [smem:$0x3FD0];
	(tm) =	ssettm $0x1  }
0x91: {  	s18 =	sld [smem:$0x3FFB];
	_ =	sdelay $0x3  }
0x92: {  	_ =	strace s18  }
0x93: {  	s3 =	sld [smem:$0x3FFC];
	_ =	sdelay $0x3  }
0x94: {  	_ =	strace s3  }
0x95: {  	s3 =	sld [smem:$0x3FFD];
	_ =	sdelay $0x3  }
0x96: {  	_ =	strace s3  }
0x97: {  	_ =	strace $0x8FFFFFFF  }
0x98: {  	s19 =	sld [smem:$0x3FDB];
	_ =	sdelay $0x1  }
0x99: {  	s4 =	simm.s32 $_scs_section_size  }
0x9a: {  	s5 =	simm.s32 $_size__tile_overlayer_lowered;
	s6 =	simm.s32 $_tile_overlayer_lowered  }
0x9b: {  	s22 =	simm.s32 $0x1BFF;
	s21 =	sshll.u32 s6, $0x1;
	s3 =	sadd.s32 s4, s19  }
0x9c: {  	s7 =	simm.s32 $0x0;
	s20 =	sshll.u32 s5, $0x1;
	s5 =	sadd.s32 s21, s3  }
0x9d: {  	[timem:s7], [sflag:s22] =	dma.local [hbm:s5], s20  }
0x9e: {  	_ =	swait.ge [sflag:s22], s20  }
0x9f: {  	s4 =	ssub.s32 $0x0, s20;
	[sflag:s22] =	ssyncset.done $0x0  }
0xa0: {  	[sflag:s22] =	ssyncadd.s32 s4;
	_ =	sdelay $0x1  }
0xa1: {  	s23 =	simm.s32 $0x1B8B  }
0xa2: {  	_ =	swait.ge [sflag:s23], $0x1  }
0xa3: {  	[sflag:s23] =	ssyncset.done $0x0  }
0xa4: {  	s25 =	simm.s32 $0x1B8E;
	s24 =	sld [smem:$0x3FFE];
	[sflag:s23] =	ssyncadd.s32 $0xFFFFFFFF  }
0xa5: {  	s26 =	simm.s32 $execute0_lowered;
	[smem:$0x3FD2] =	sst s25  }
0xa6: {  	s5 =	sshll.u32 s26, $0x1;
	_ =	strace $0x80000046;
	[dreg:$0x1] =	wrdreg $0xFFFFFFFF  }
0xa7: {  	s28 =	simm.s32 $_size_execute0_lowered;
	s3 =	sadd.s32 s3, s5;
	[dreg:$0x0] =	wrdreg $0x0  }
0xa8: {  	s5 =	sshll.u32 s28, $0x1;
	[dreg:$0x2] =	wrdreg s3  }
0xa9: {  	[dreg:$0x3] =	wrdreg s5  }
0xaa: {  	[dreg:$0x4] =	wrdreg $0xC0  }
0xab: {  	_ =	task [dreg:s7], $0x5FFFF  }
0xac: {  	[dreg:$0x1] =	wrdreg $0xFFFFFFFF  }
0xad: {  	[dreg:$0x0] =	wrdreg $0x60  }
0xae: {  	[dreg:$0x2] =	wrdreg s24  }
0xaf: {  	[dreg:$0x3] =	wrdreg s2  }
0xb0: {  	[dreg:$0x4] =	wrdreg $0xB8000  }
0xb1: {  	[dreg:$0x5] =	wrdreg $0x9  }
0xb2: {  	_ =	task.clear_ibuf [dreg:s7], $0x6FFFF;
	_ =	strace $0x90000046  }
0xb3: {  	s29 =	simm.s32 $0x9;
	_ =	strace $0x80000048  }
0xb4: {  	_ =	swait.ge [sflag:s29], $0x1  }
0xb5: {  	[sflag:s29] =	ssyncadd.s32 $0xFFFFFFFF  }
0xb6: {  	_ =	strace $0x90000048  }
0xb7: {  	_ =	sfence  }
0xb8: {  	s30 =	sld [smem:$0x0];
	_ =	sdelay $0x2  }
0xb9: {  	s31 =	sshll.u32 s1, $0xD;
	s1 =	sshrl.u32 s1, $0x2  }
0xba: {  	s3 =	sand.u32 $0x4000, s31;
	s1 =	sadd.s32 s1, s30  }
0xbb: {  	s0 =	sor.u32 s3, s0;
	s1 =	sshll.u32 s1, $0x11  }
0xbc: {  	s0 =	sor.u32 s1, s0  }
0xbd: {  	s0 =	sadd.s32 $0x8F2B, s0  }
0xbe: {  	[sflag:s0] =	ssyncadd.remote.s32 $0x1  }
0xbf: {  	_ =	sfence.sel $0xFFFF  }
0xc0: {  	[dreg:$0x0] =	wrdreg $0xFFFFFFFF;
	(pc) =	sbr.abs _section_cstart, $3  }
0xc1: {  	[dreg:$0x1] =	wrdreg $0xFFFFFFFF  }
0xc2: {  	_ =	task.clear_ibuf [dreg:s7], $0x2FFFF;
	_ =	strace $0x9FFFFFFF  }
0xc3: {  	(tm) =	ssettm $0x7FFFFFFF  }
tec
execute0_lowered:
.L_overlay_start_1:
0x0: {  	(tag) =	ssettag $0x1  }
0x1: {  	s0 =	rddreg [dreg:$0x0]  }
0x2: {  	s4 =	rddreg [dreg:$0x1]  }
0x3: {  	s1 =	rddreg [dreg:$0x2]  }
0x4: {  	s2 =	srdreg.scid;
	s25 =	stileid.u32  }
0x5: {  	s16 =	simm.s32 $0x4;
	s18 =	simm.s32 $0x2C00;
	s19 =	simm.s32 $0x40  }
0x6: {  	s20 =	simm.s32 $0x5800;
	s21 =	simm.s32 $0x80;
	s28 =	simm.s32 $0x3  }
0x7: {  	s29 =	simm.s32 $0x5300;
	s30 =	simm.s32 $0x5380;
	s6 =	smul.u32 $0x4E000, s25  }
0x8: {  	s31 =	simm.s32 $0x5400;
	s13 =	sand.u32 $0x1, s2;
	s7 =	smul.u32 $0x2700, s25  }
0x9: {  	s2 =	simm.s32 $0x0;
	s17 =	sadd.s32 $0x3FC00, s0;
	s10 =	smul.u32 $0x13800, s25  }
0xa: {  	p1 =	seq.s32 s25, $0x0;
	p2 =	sne.s32 s25, $0x0;
	s3 =	sshll.u32 s13, $0x4  }
0xb: {  	[smem:$0x7FF] =	sst s2;
	s22 =	ssub.s32 $0x2, s13;
	s9 =	smul.u32 $0x138800, s13  }
0xc: {  	p0 =	sne.s32 s13, $0x0;
	s13 =	sshll.u32 s25, $0x6;
	s3 =	sor.u32 s25, s3  }
0xd: {  	_ =	strace $0x80000047;
	s8 =	sshrl.u32 s22, $0x1;
	s6 =	sshrl.u32 s6, $0x2  }
0xe: {  	s23 =	sadd.s32 s17, s7;
	s14 =	sor.u32 $0x1C04, s13;
	s25 =	simm.s32 $0x1  }
0xf: {  	s5 =	smul.u32 $0x580, s3;
	s3 =	sadd.s32 $0x18A00, s0;
	s12 =	ssub.s32 s22, s8  }
0x10: {  	s15 =	sadd.s32 s6, s1;
	[dreg:$0x4] =	wrdreg s23;
	s6 =	sadd.s32 $0x138000, s1  }
0x11: {  	s10 =	sadd.s32 s10, s9;
	s11 =	sshrl.u32 s9, $0x3;
	s22 =	simm.s32 $0x7800  }
0x12: {  	s23 =	simm.s32 $0x100;
	s7 =	sadd.s32 s3, s7;
	s24 =	sshrl.u32 s10, $0x3  }
0x13: {  	s11 =	sadd.s32 s4, s11;
	s12 =	smax.u32 s12, $0x1;
	s15 =	sshrl.u32 s15, $0x3  }
0x14: {  	s26 =	sshrl.u32 s6, $0x3;
	s0 =	sadd.s32 s5, s0;
	s10 =	sadd.s32 s4, s24  }
0x15: {  	s11 =	sadd.s32 $0x27000, s11;
	[dreg:$0x5] =	wrdreg s26;
	s24 =	simm.s32 $0x9800  }
0x16: {  	s26 =	simm.s32 $0x2;
	s8 =	sadd.s32 $0x2A00, s0;
	s9 =	sadd.s32 $0xDA00, s0  }
.LBB2_1:
.Ltmp0:
0x17: {  	(pc) =	sbr.rel @p0 .LBB2_3-.Ltmp0, $1  }
0x18: {  	_ =	sdelay $0x3  }
0x19: {  	[spmem:s15], [sflag:s14] =	dma.local [hbm:s7], $0x2700  }
.Ltmp1:
0x1a: {  	_ = 	snop;
	(pc) =	sbr.rel @!p1 .LBB2_5-.Ltmp1, $4  }
.Ltmp2:
0x1b: {  	_ = 	snop;
	(pc) =	sbr.rel @p1 .LBB2_4-.Ltmp2, $4  }
0x1c: {  	_ =	swait.ge [sflag:s16], $0x2700  }
0x1d: {  	[sflag:s16] =	ssyncset.done $0x0  }
0x1e: {  	s4 =	smov.u32 s3;
	s0 =	smov.u32 s14;
	[sflag:s16] =	ssyncadd.s32 $0xFFFFD900  }
0x1f: {  	_ = 	snop  }
.LBB2_3:
.Ltmp3:
0x20: {  	s0 =	sor.u32 $0x1C04, s13;
	s4 =	rddreg [dreg:$0x4];
	(pc) =	sbr.rel @p2 .LBB2_5-.Ltmp3, $4  }
0x21: {  	[spmem:s15], [sflag:s0] =	dma.local [hbm:s4], $0x2700  }
0x22: {  	_ =	swait.ge [sflag:s16], $0x2700  }
0x23: {  	[sflag:s16] =	ssyncset.done $0x0  }
0x24: {  	s4 =	smov.u32 s17;
	[sflag:s16] =	ssyncadd.s32 $0xFFFFD900  }
.LBB2_4:
0x25: {  	s4 =	sadd.s32 $0x27000, s4;
	s5 =	rddreg [dreg:$0x5]  }
0x26: {  	[spmem:s5], [sflag:s0] =	dma.local [hbm:s4], $0x100  }
0x27: {  	_ =	swait.ge [sflag:s16], $0x100  }
0x28: {  	[sflag:s16] =	ssyncset.done $0x0  }
0x29: {  	[sflag:s16] =	ssyncadd.s32 $0xFFFFFF00  }
.LBB2_5:
0x2a: {  	s0 =	simm.s32 $0x0  }
0x2b: {  	[tilespmem:s0], [sflag:$0x4] =	stream.linear.gather [hbm4b:s8+s0], $0x2880, $0x38;
	[tilespmem:$0x1F0C0] =	vst v63  }
0x2c: {  	_ =	swait.ge [sflag:s16], $0x2880  }
0x2d: {  	[sflag:s16] =	ssyncset.done $0x0  }
0x2e: {  	[sflag:s16] =	ssyncadd.s32 $0xFFFFD780  }
0x2f: {  	[tilespmem:s18], [sflag:$0x4] =	stream.linear.gather [hbm4b:s9+s0], $0x2880, $0x38;
	[tilespmem:$0x1F0C0] =	vst v63  }
0x30: {  	_ =	swait.ge [sflag:s16], $0x2880  }
0x31: {  	[sflag:s16] =	ssyncset.done $0x0  }
0x32: {  	[sflag:s16] =	ssyncadd.s32 $0xFFFFD780  }
0x33: {  	[bflag:$0x0] =	sbarrier.arrive $0xFFFF  }
0x34: {  	[tilespmem:s20], [sflag:$0x1] =	stream.indirect.gather [hbm4b:s3+s19], $0x80, s0, s19, $0xb8;
	[tilespmem:$0x1F0C0] =	vst v63  }
0x35: {  	_ = 	snop  }
0x36: {  	[tilespmem:s22], [sflag:$0x2] =	stream.indirect.gather [hbm4b:s3+s19], $0x80, s21, s19, $0xb8;
	[tilespmem:$0x1F0C0] =	vst v63  }
0x37: {  	_ = 	snop  }
0x38: {  	[tilespmem:s24], [sflag:$0x3] =	stream.indirect.gather [hbm4b:s3+s19], $0x80, s23, s19, $0xb8;
	[tilespmem:$0x1F0C0] =	vst v63  }
0x39: {  	_ =	swait.ge [sflag:s25], $0x2000  }
0x3a: {  	[sflag:s25] =	ssyncset.done $0x0  }
0x3b: {  	s5 =	simm.s32 $0x2C00;
	[sflag:s25] =	ssyncadd.s32 $0xFFFFE000  }
0x3c: {  	[spmem:s1] =	stream.indirect.scatter.add.f32 [tilespmem:s20], [sflag:$0x4], $0x80, s5, s19, $0xb8;
	[tilespmem:$0x1F0C0] =	vst v63  }
0x3d: {  	_ =	swait.ge [sflag:s16], $0x2000  }
0x3e: {  	[sflag:s16] =	ssyncset.done $0x0  }
0x3f: {  	s4 =	simm.s32 $0x180;
	[sflag:s16] =	ssyncadd.s32 $0xFFFFE000  }
0x40: {  	[tilespmem:s20], [sflag:$0x1] =	stream.indirect.gather [hbm4b:s3+s19], $0x80, s4, s19, $0xb8;
	[tilespmem:$0x1F0C0] =	vst v63  }
0x41: {  	_ =	swait.ge [sflag:s26], $0x2000  }
0x42: {  	[sflag:s26] =	ssyncset.done $0x0  }
0x43: {  	s5 =	simm.s32 $0x2C80;
	[sflag:s26] =	ssyncadd.s32 $0xFFFFE000  }
0x44: {  	[spmem:s1] =	stream.indirect.scatter.add.f32 [tilespmem:s22], [sflag:$0x4], $0x80, s5, s19, $0xb8;
	[tilespmem:$0x1F0C0] =	vst v63  }
0x45: {  	_ =	swait.ge [sflag:s16], $0x2000  }
0x46: {  	[sflag:s16] =	ssyncset.done $0x0  }
0x47: {  	s4 =	simm.s32 $0x200;
	[sflag:s16] =	ssyncadd.s32 $0xFFFFE000  }
0x48: {  	[tilespmem:s22], [sflag:$0x2] =	stream.indirect.gather [hbm4b:s3+s19], $0x80, s4, s19, $0xb8;
	[tilespmem:$0x1F0C0] =	vst v63  }
0x49: {  	_ =	swait.ge [sflag:s28], $0x2000  }
0x4a: {  	[sflag:s28] =	ssyncset.done $0x0  }
0x4b: {  	s5 =	simm.s32 $0x2D00;
	[sflag:s28] =	ssyncadd.s32 $0xFFFFE000  }
0x4c: {  	[spmem:s1] =	stream.indirect.scatter.add.f32 [tilespmem:s24], [sflag:$0x4], $0x80, s5, s19, $0xb8;
	[tilespmem:$0x1F0C0] =	vst v63  }
0x4d: {  	_ =	swait.ge [sflag:s16], $0x2000  }
0x4e: {  	[sflag:s16] =	ssyncset.done $0x0  }
0x4f: {  	s0 =	simm.s32 $0x600;
	s4 =	simm.s32 $0x280;
	[sflag:s16] =	ssyncadd.s32 $0xFFFFE000  }
.LBB2_6:
0x50: {  	[tilespmem:s24], [sflag:$0x3] =	stream.indirect.gather [hbm4b:s3+s19], $0x80, s4, s19, $0xb8;
	[tilespmem:$0x1F0C0] =	vst v63  }
0x51: {  	s4 =	smov.u32 s0  }
0x52: {  	p3 =	sne.s32 s0, $0x9600;
	s0 =	sadd.s32 $0x600, s0;
	_ =	swait.ge [sflag:s25], $0x2000  }
0x53: {  	s4 =	sshra.s32 s4, $0x2;
	[sflag:s25] =	ssyncset.done $0x0  }
0x54: {  	s5 =	sadd.s32 $0x2C00, s4;
	[sflag:s25] =	ssyncadd.s32 $0xFFFFE000  }
0x55: {  	[spmem:s1] =	stream.indirect.scatter.add.f32 [tilespmem:s20], [sflag:$0x4], $0x80, s5, s19, $0xb8;
	[tilespmem:$0x1F0C0] =	vst v63  }
0x56: {  	_ =	swait.ge [sflag:s16], $0x2000  }
0x57: {  	[sflag:s16] =	ssyncset.done $0x0  }
0x58: {  	s5 =	sadd.s32 $0x180, s4;
	[sflag:s16] =	ssyncadd.s32 $0xFFFFE000  }
0x59: {  	[tilespmem:s20], [sflag:$0x1] =	stream.indirect.gather [hbm4b:s3+s19], $0x80, s5, s19, $0xb8;
	[tilespmem:$0x1F0C0] =	vst v63  }
0x5a: {  	_ =	swait.ge [sflag:s26], $0x2000  }
0x5b: {  	[sflag:s26] =	ssyncset.done $0x0  }
0x5c: {  	s5 =	sadd.s32 $0x2C80, s4;
	[sflag:s26] =	ssyncadd.s32 $0xFFFFE000  }
0x5d: {  	[spmem:s1] =	stream.indirect.scatter.add.f32 [tilespmem:s22], [sflag:$0x4], $0x80, s5, s19, $0xb8;
	[tilespmem:$0x1F0C0] =	vst v63  }
0x5e: {  	_ =	swait.ge [sflag:s16], $0x2000  }
0x5f: {  	[sflag:s16] =	ssyncset.done $0x0  }
0x60: {  	s5 =	sadd.s32 $0x200, s4;
	[sflag:s16] =	ssyncadd.s32 $0xFFFFE000  }
0x61: {  	[tilespmem:s22], [sflag:$0x2] =	stream.indirect.gather [hbm4b:s3+s19], $0x80, s5, s19, $0xb8;
	[tilespmem:$0x1F0C0] =	vst v63  }
0x62: {  	_ =	swait.ge [sflag:s28], $0x2000  }
0x63: {  	[sflag:s28] =	ssyncset.done $0x0  }
.Ltmp4:
0x64: {  	s5 =	sadd.s32 $0x2D00, s4;
	[sflag:s28] =	ssyncadd.s32 $0xFFFFE000;
	(pc) =	sbr.rel @p3 .LBB2_6-.Ltmp4, $4  }
0x65: {  	[spmem:s1] =	stream.indirect.scatter.add.f32 [tilespmem:s24], [sflag:$0x4], $0x80, s5, s19, $0xb8;
	[tilespmem:$0x1F0C0] =	vst v63  }
0x66: {  	_ =	swait.ge [sflag:s16], $0x2000  }
0x67: {  	[sflag:s16] =	ssyncset.done $0x0  }
0x68: {  	s4 =	sadd.s32 $0x280, s4;
	[sflag:s16] =	ssyncadd.s32 $0xFFFFE000  }
0x69: {  	[tilespmem:s24], [sflag:$0x3] =	stream.indirect.gather [hbm4b:s3+s19], $0x80, s4, s19, $0xb8;
	[tilespmem:$0x1F0C0] =	vst v63  }
0x6a: {  	_ =	swait.ge [sflag:s25], $0x2000  }
0x6b: {  	[sflag:s25] =	ssyncset.done $0x0  }
0x6c: {  	[sflag:s25] =	ssyncadd.s32 $0xFFFFE000  }
0x6d: {  	[spmem:s1] =	stream.indirect.scatter.add.f32 [tilespmem:s20], [sflag:$0x4], $0x80, s29, s19, $0xb8;
	[tilespmem:$0x1F0C0] =	vst v63  }
0x6e: {  	_ =	swait.ge [sflag:s16], $0x2000  }
0x6f: {  	[sflag:s16] =	ssyncset.done $0x0  }
0x70: {  	[sflag:s16] =	ssyncadd.s32 $0xFFFFE000  }
0x71: {  	_ =	swait.ge [sflag:s26], $0x2000  }
0x72: {  	[sflag:s26] =	ssyncset.done $0x0  }
0x73: {  	[sflag:s26] =	ssyncadd.s32 $0xFFFFE000  }
0x74: {  	[spmem:s1] =	stream.indirect.scatter.add.f32 [tilespmem:s22], [sflag:$0x4], $0x80, s30, s19, $0xb8;
	[tilespmem:$0x1F0C0] =	vst v63  }
0x75: {  	_ =	swait.ge [sflag:s16], $0x2000  }
0x76: {  	[sflag:s16] =	ssyncset.done $0x0  }
0x77: {  	[sflag:s16] =	ssyncadd.s32 $0xFFFFE000  }
0x78: {  	_ =	swait.ge [sflag:s28], $0x2000  }
0x79: {  	[sflag:s28] =	ssyncset.done $0x0  }
0x7a: {  	[sflag:s28] =	ssyncadd.s32 $0xFFFFE000  }
0x7b: {  	[spmem:s1] =	stream.indirect.scatter.add.f32 [tilespmem:s24], [sflag:$0x4], $0x80, s31, s19, $0xb8;
	[tilespmem:$0x1F0C0] =	vst v63  }
0x7c: {  	_ =	swait.ge [sflag:s16], $0x2000  }
0x7d: {  	[sflag:s16] =	ssyncset.done $0x0  }
0x7e: {  	[sflag:s16] =	ssyncadd.s32 $0xFFFFE000  }
0x7f: {  	s0 =	sor.u32 $0x1C04, s13;
	[bflag:$0x0] =	sbarrier.arrive $0xFFFF  }
0x80: {  	[hbm:s10], [sflag:s0] =	dma.local [spmem:s15], $0x2700  }
0x81: {  	_ =	swait.ge [sflag:s16], $0x2700  }
0x82: {  	s2 =	sadd.s32 $0x1, s2;
	[sflag:s16] =	ssyncset.done $0x0  }
0x83: {  	s4 =	sshrl.u32 @!p2 s6, $0x3;
	p3 =	sne.s32 s2, s12;
	[sflag:s16] =	ssyncadd.s32 $0xFFFFD900  }
0x84: {  	[hbm:s11], [sflag:s0] =	dma.local @!p2 [spmem:s4], $0x100  }
.Ltmp5:
0x85: {  	_ = 	snop;
	(pc) =	sbr.rel @p3 .LBB2_1-.Ltmp5, $4  }
0x86: {  	s0 =	simm.s32 @!p2 $0x4  }
0x87: {  	_ =	swait.ge @!p2 [sflag:s0], $0x100  }
0x88: {  	[sflag:s0] =	ssyncset.done @!p2 $0x0  }
0x89: {  	[sflag:s0] =	ssyncadd.s32 @!p2 $0xFFFFFF00  }
0x8a: {  	_ =	sfence.sel $0x180000  }
0x8b: {  	[bflag:$0x0] =	sbarrier.arrive $0xFFFF  }
0x8c: {  	_ =	strace $0x90000047  }
0x8d: {  	[bflag:$0x2] =	sbarrier.arrive $0xFFFF  }
0x8e: {  	s0 =	rddreg [dreg:$0x3]  }
0x8f: {  	s0 =	sadd.s32 @!p2 $0x100000, s0  }
0x90: {  	[sflag:s0] =	ssyncadd.tile.s32 @!p2 $0x1;
	_ =	shalt  }
.Lfunc_end2:
_tile_overlayer_lowered:
.L_overlay_start_2:
0x91: {  	(tag) =	ssettag $0x2  }
0x92: {  	s0 =	rddreg [dreg:$0x0];
	s2 =	stileid.u32  }
0x93: {  	s1 =	rddreg [dreg:$0x1];
	p0 =	sne.s32 s2, $0x0  }
0x94: {  	s3 =	rddreg [dreg:$0x2];
	[bflag:$0x3] =	sbarrier.arrive $0xFFFF;
	s2 =	simm.s32 @!p0 $0x1C04  }
0x95: {  	[timem:s3], [sflag:s2] =	dma.local @!p0 [hbm:s0], s1  }
0x96: {  	s0 =	simm.s32 @!p0 $0x4  }
0x97: {  	_ =	swait.ge @!p0 [sflag:s0], s1  }
0x98: {  	s1 =	ssub.s32 @!p0 $0x0, s1;
	[sflag:s0] =	ssyncset.done @!p0 $0x0  }
0x99: {  	[sflag:s0] =	ssyncadd.s32 @!p0 s1  }
0x9a: {  	[bflag:$0x3] =	sbarrier.arrive $0xFFFF  }
0x9b: {  	_ =	shalt  }

</sc_bundles>
